<compile_context>
chip_gen: v7x
topology: tpu7x:2x2x1
jax: 0.10.2.dev20260603
libtpu: 0.0.44.dev20260713+nightly
codegen_flags: <defaults>
</compile_context>

<pallas_src>
import jax
import jax.numpy as jnp
from jax import lax
from jax.experimental import pallas as pl
from jax.experimental.pallas import tpu as pltpu
from jax.experimental.pallas import tpu_sc as plsc

N_NODES = 10000
D = 128
E = 320000
L_LAB = 200000

NC = 2
NS = 16
NW = NC * NS
CHUNK = 128
N_CHUNKS = E // CHUNK
N_PAD = 10240
ROWS_PER_TILE = N_PAD // NS
ZCOPY = 5
ZROWS = ROWS_PER_TILE // ZCOPY
LAB_CPT = 49
LAB_PAD = NW * LAB_CPT * CHUNK

_MESH = plsc.VectorSubcoreMesh(core_axis_name="c", subcore_axis_name="s",
                               num_cores=NC, num_subcores=NS)


def _agg_body(src_hbm, dst_hbm, table_hbm, out_acc, acc_sh, sidx, didx,
              rows, sem):
  cid = lax.axis_index("c")
  sid = lax.axis_index("s")
  wid = cid * NS + sid

  def zrow(i, _):
    for j in range(D // 16):
      rows[i, pl.ds(j * 16, 16)] = jnp.zeros((16,), jnp.float32)
    return 0
  lax.fori_loop(0, ZROWS, zrow, 0)
  r0 = sid * ROWS_PER_TILE
  for k in range(ZCOPY):
    pltpu.sync_copy(rows.at[pl.ds(0, ZROWS)],
                    acc_sh.at[pl.ds(r0 + k * ZROWS, ZROWS)])
  plsc.subcore_barrier()

  c_lo = (wid * N_CHUNKS) // NW
  c_hi = ((wid + 1) * N_CHUNKS) // NW

  def step(c, _):
    pltpu.sync_copy(src_hbm.at[c], sidx)
    pltpu.sync_copy(dst_hbm.at[c], didx)
    pltpu.async_copy(table_hbm.at[sidx], rows, sem).wait()
    pltpu.sync_copy(rows, acc_sh.at[didx], add=True)
    return 0
  lax.fori_loop(c_lo, c_hi, step, 0)

  plsc.subcore_barrier()
  for k in range(ZCOPY):
    rs = r0 + k * ZROWS
    pltpu.sync_copy(acc_sh.at[pl.ds(rs, ZROWS)],
                    out_acc.at[cid, pl.ds(rs, ZROWS)])


_agg = pl.kernel(
    _agg_body,
    out_type=jax.ShapeDtypeStruct((NC, N_PAD, D), jnp.float32),
    mesh=_MESH,
    scratch_types=(
        pltpu.VMEM_SHARED((N_PAD, D), jnp.float32),
        pltpu.VMEM((CHUNK,), jnp.int32),
        pltpu.VMEM((CHUNK,), jnp.int32),
        pltpu.VMEM((CHUNK, D), jnp.float32),
        pltpu.SemaphoreType.DMA,
    ),
)


def _count_body(dst_hbm, out_cnt, cnt_sh, didx, ones):
  cid = lax.axis_index("c")
  sid = lax.axis_index("s")
  wid = cid * NS + sid

  def zrow(i, _):
    for j in range(D // 16):
      ones[i, pl.ds(j * 16, 16)] = jnp.zeros((16,), jnp.float32)
    return 0
  lax.fori_loop(0, ZROWS, zrow, 0)
  r0 = sid * ROWS_PER_TILE
  for k in range(ZCOPY):
    pltpu.sync_copy(ones.at[pl.ds(0, ZROWS)],
                    cnt_sh.at[pl.ds(r0 + k * ZROWS, ZROWS)])
  def orow(i, _):
    for j in range(D // 16):
      ones[i, pl.ds(j * 16, 16)] = jnp.ones((16,), jnp.float32)
    return 0
  lax.fori_loop(0, ZROWS, orow, 0)
  plsc.subcore_barrier()

  c_lo = (wid * N_CHUNKS) // NW
  c_hi = ((wid + 1) * N_CHUNKS) // NW

  def step(c, _):
    pltpu.sync_copy(dst_hbm.at[c], didx)
    pltpu.sync_copy(ones, cnt_sh.at[didx], add=True)
    return 0
  lax.fori_loop(c_lo, c_hi, step, 0)

  plsc.subcore_barrier()
  for k in range(ZCOPY):
    rs = r0 + k * ZROWS
    pltpu.sync_copy(cnt_sh.at[pl.ds(rs, ZROWS)],
                    out_cnt.at[cid, pl.ds(rs, ZROWS)])


_count = pl.kernel(
    _count_body,
    out_type=jax.ShapeDtypeStruct((NC, N_PAD, D), jnp.float32),
    mesh=_MESH,
    scratch_types=(
        pltpu.VMEM_SHARED((N_PAD, D), jnp.float32),
        pltpu.VMEM((CHUNK,), jnp.int32),
        pltpu.VMEM((CHUNK, D), jnp.float32),
    ),
)


_B = 400


def _make_dense(with_relu):
  def body(acc_ref, inv_ref, x_ref, wl_ref, bl_ref, wr_ref, o_ref):
    agg = acc_ref[0] + acc_ref[1]
    mean = agg * inv_ref[...]
    out = (lax.dot_general(mean, wl_ref[...], (((1,), (1,)), ((), ())),
                           preferred_element_type=jnp.float32)
           + bl_ref[...]
           + lax.dot_general(x_ref[...], wr_ref[...], (((1,), (1,)), ((), ())),
                             preferred_element_type=jnp.float32))
    o_ref[...] = jnp.maximum(out, 0.0) if with_relu else out

  return pl.pallas_call(
      body,
      grid=(N_NODES // _B,),
      in_specs=[
          pl.BlockSpec((NC, _B, D), lambda i: (0, i, 0)),
          pl.BlockSpec((_B, 1), lambda i: (i, 0)),
          pl.BlockSpec((_B, D), lambda i: (i, 0)),
          pl.BlockSpec((D, D), lambda i: (0, 0)),
          pl.BlockSpec((1, D), lambda i: (0, 0)),
          pl.BlockSpec((D, D), lambda i: (0, 0)),
      ],
      out_specs=pl.BlockSpec((_B, D), lambda i: (i, 0)),
      out_shape=jax.ShapeDtypeStruct((N_NODES, D), jnp.float32),
  )


_dense_relu = _make_dense(True)
_dense_plain = _make_dense(False)


def _decode_body(ls_hbm, ld_hbm, z_hbm, out_hbm, sidx, didx, ra, rb, pbuf, sem):
  cid = lax.axis_index("c")
  sid = lax.axis_index("s")
  wid = cid * NS + sid

  def chunk_step(k, _):
    c = wid * LAB_CPT + k
    pltpu.sync_copy(ls_hbm.at[c], sidx)
    pltpu.sync_copy(ld_hbm.at[c], didx)
    cp_a = pltpu.async_copy(z_hbm.at[sidx], ra, sem)
    cp_b = pltpu.async_copy(z_hbm.at[didx], rb, sem)
    cp_a.wait()
    cp_b.wait()

    def pair_step(p, _):
      acc = jnp.zeros((16,), jnp.float32)
      for j in range(D // 16):
        acc = acc + ra[p, pl.ds(j * 16, 16)] * rb[p, pl.ds(j * 16, 16)]
      pbuf[p] = acc
      return 0
    lax.fori_loop(0, CHUNK, pair_step, 0)
    pltpu.sync_copy(pbuf, out_hbm.at[pl.ds(c * CHUNK, CHUNK)])
    return 0
  lax.fori_loop(0, LAB_CPT, chunk_step, 0)


_decode = pl.kernel(
    _decode_body,
    out_type=jax.ShapeDtypeStruct((LAB_PAD, 16), jnp.float32),
    mesh=_MESH,
    scratch_types=(
        pltpu.VMEM((CHUNK,), jnp.int32),
        pltpu.VMEM((CHUNK,), jnp.int32),
        pltpu.VMEM((CHUNK, D), jnp.float32),
        pltpu.VMEM((CHUNK, D), jnp.float32),
        pltpu.VMEM((CHUNK, 16), jnp.float32),
        pltpu.SemaphoreType.DMA,
    ),
)


def _reduce_body(p_ref, o_ref):
  o_ref[...] = jnp.sum(p_ref[...], axis=-1)


_RB = 4096
_reduce16 = pl.pallas_call(
    _reduce_body,
    grid=(LAB_PAD // _RB,),
    in_specs=[pl.BlockSpec((_RB, 16), lambda i: (i, 0))],
    out_specs=pl.BlockSpec((_RB,), lambda i: (i,)),
    out_shape=jax.ShapeDtypeStruct((LAB_PAD,), jnp.float32),
)


def kernel(x, edge_index, edge_label_index, W1_l, b1_l, W1_r, W2_l, b2_l, W2_r):
  ei = edge_index.astype(jnp.int32)
  src2d = ei[0].reshape(N_CHUNKS, CHUNK)
  dst2d = ei[1].reshape(N_CHUNKS, CHUNK)
  eli = edge_label_index.astype(jnp.int32)
  pad = LAB_PAD - L_LAB
  ls2d = jnp.pad(eli[0], (0, pad)).reshape(LAB_PAD // CHUNK, CHUNK)
  ld2d = jnp.pad(eli[1], (0, pad)).reshape(LAB_PAD // CHUNK, CHUNK)

  cntacc = _count(dst2d)
  cnt = cntacc[0, :, 0] + cntacc[1, :, 0]
  inv = (1.0 / jnp.maximum(cnt, 1.0))[:N_NODES, None]
  acc1 = _agg(src2d, dst2d, x)
  h = _dense_relu(acc1, inv, x, W1_l, b1_l.reshape(1, D), W1_r)
  acc2 = _agg(src2d, dst2d, h)
  z = _dense_plain(acc2, inv, h, W2_l, b2_l.reshape(1, D), W2_r)
  parts = _decode(ls2d, ld2d, z)
  scores = _reduce16(parts)
  return scores[:L_LAB]

# --- scband reference (transcript-rebuilt; emitter-appended) ---
"""Pipeline reference for scband-synapse-predictor-26577257628190 (READ-ONLY COPY).

The authoritative reference and input builder live on the scoring server;
editing this copy changes nothing except your own understanding.
"""

import jax, jax.numpy as jnp
import numpy as np

N_NODES = 10000
N_EDGES = 320000
N_LABEL = 200000
D_IN = 128
D_HID = 128


def _sage_conv(x, edge_index, W_l, b_l, W_r, num_nodes):
    # PyG-style SAGEConv with mean aggregation:
    # out = lin_l(mean_{j in N(i)} x_j) + lin_r(x_i)
    src = edge_index[0]
    dst = edge_index[1]
    msgs = jnp.take(x, src, axis=0)                      # gather [E, d]
    agg = jax.ops.segment_sum(msgs, dst, num_segments=num_nodes)
    cnt = jax.ops.segment_sum(jnp.ones((msgs.shape[0],), dtype=x.dtype), dst,
                              num_segments=num_nodes)
    mean = agg / jnp.maximum(cnt, 1.0)[:, None]
    return mean @ W_l.T + b_l + x @ W_r.T


def setup_inputs(seed: int = 0) -> dict:
    key = jax.random.key(seed)
    ks = jax.random.split(key, 10)
    x = jax.random.normal(ks[0], (N_NODES, D_IN), dtype=jnp.float32)
    edge_index = jax.random.randint(ks[1], (2, N_EDGES), 0, N_NODES, dtype=jnp.int64)
    edge_label_index = jax.random.randint(ks[2], (2, N_LABEL), 0, N_NODES, dtype=jnp.int64)
    s1 = 1.0 / np.sqrt(D_IN)
    s2 = 1.0 / np.sqrt(D_HID)
    W1_l = jax.random.uniform(ks[3], (D_HID, D_IN), jnp.float32, -s1, s1)
    b1_l = jax.random.uniform(ks[4], (D_HID,), jnp.float32, -s1, s1)
    W1_r = jax.random.uniform(ks[5], (D_HID, D_IN), jnp.float32, -s1, s1)
    W2_l = jax.random.uniform(ks[6], (D_HID, D_HID), jnp.float32, -s2, s2)
    b2_l = jax.random.uniform(ks[7], (D_HID,), jnp.float32, -s2, s2)
    W2_r = jax.random.uniform(ks[8], (D_HID, D_HID), jnp.float32, -s2, s2)
    return {
        "x": x,
        "edge_index": edge_index,
        "edge_label_index": edge_label_index,
        "W1_l": W1_l, "b1_l": b1_l, "W1_r": W1_r,
        "W2_l": W2_l, "b2_l": b2_l, "W2_r": W2_r,
    }


def reference(x, edge_index, edge_label_index,
              W1_l, b1_l, W1_r, W2_l, b2_l, W2_r):
    num_nodes = x.shape[0]
    # encode
    h = _sage_conv(x, edge_index, W1_l, b1_l, W1_r, num_nodes)
    h = jax.nn.relu(h)
    z = _sage_conv(h, edge_index, W2_l, b2_l, W2_r, num_nodes)
    # decode: dot product of endpoint embeddings
    src_emb = jnp.take(z, edge_label_index[0], axis=0)
    dst_emb = jnp.take(z, edge_label_index[1], axis=0)
    scores = (src_emb * dst_emb).sum(axis=-1)
    return scores

if __name__ == "__main__":
    import jax
    _d = setup_inputs()
    print(jax.jit(kernel)(*tuple(_d.values())))

</pallas_src>

<mosaic_0001>
#map = affine_map<(d0, d1) -> (0, 0)>
#map1 = affine_map<(d0, d1) -> (0, 0, 0)>
module attributes {stable_mosaic.version = 14 : i64} {
  func.func @_count_body(%arg0: i32, %arg1: i32, %arg2: memref<2500x128xi32, #tpu.memory_space<hbm>>, %arg3: memref<2x10240x128xf32, #tpu.memory_space<hbm>>, %arg4: memref<10240x128xf32, #tpu.memory_space<vmem_shared>>, %arg5: memref<128xi32, #tpu.memory_space<vmem>>, %arg6: memref<128x128xf32, #tpu.memory_space<vmem>>) attributes {dimension_semantics = [#tpu.dimension_semantics<core_parallel>, #tpu.dimension_semantics<subcore_parallel>], iteration_bounds = array<i64: 2, 16>, scalar_prefetch = 0 : i64, scratch_operands = 3 : i64, tpu.core_type = #tpu.core_type<sc_vector_subcore>, window_params = [{transform_indices = #map}, {transform_indices = #map1}]} {
    %mul3A = arith.constant 16 : i32
    %mul3A_0 = arith.muli %arg0, %mul3A : i32
    %add3A = arith.addi %mul3A_0, %arg1 : i32
    %scan3A = arith.constant 0 : i32
    %scan3A_1 = arith.constant 0 : i32
    %scan3A_2 = arith.constant 128 : i32
    %scan3A_3 = arith.addi %scan3A_1, %scan3A_2 : i32
    %scan3A_4 = arith.constant 1 : i32
    %scan3A_5 = scf.for %scan3A_93 = %scan3A_1 to %scan3A_3 step %scan3A_4 iter_args(%scan3A_94 = %scan3A) -> (i32)  : i32 {
      %broadcast_in_dim3A = arith.constant 0.000000e+00 : f32
      %broadcast_in_dim3A_95 = vector.broadcast %broadcast_in_dim3A : f32 to vector<16xf32>
      %swap3A = arith.index_cast %scan3A_93 : i32 to index
      %swap3A_96 = arith.constant 0 : index
      %swap3A_97 = tpu.vector_load %arg6[%swap3A, %swap3A_96] {strides = array<i32>} : memref<128x128xf32, #tpu.memory_space<vmem>>, vector<1x16xf32>,
      %swap3A_98 = vector.shape_cast %swap3A_97 : vector<1x16xf32> to vector<16xf32>
      %swap3A_99 = vector.shape_cast %broadcast_in_dim3A_95 : vector<16xf32> to vector<1x16xf32>
      tpu.vector_store %arg6[%swap3A, %swap3A_96], %swap3A_99 {strides = array<i32>} : memref<128x128xf32, #tpu.memory_space<vmem>>, vector<1x16xf32>,
      %broadcast_in_dim3A_100 = arith.constant 0.000000e+00 : f32
      %broadcast_in_dim3A_101 = vector.broadcast %broadcast_in_dim3A_100 : f32 to vector<16xf32>
      %swap3A_102 = arith.index_cast %scan3A_93 : i32 to index
      %swap3A_103 = arith.constant 16 : index
      %swap3A_104 = tpu.vector_load %arg6[%swap3A_102, %swap3A_103] {strides = array<i32>} : memref<128x128xf32, #tpu.memory_space<vmem>>, vector<1x16xf32>,
      %swap3A_105 = vector.shape_cast %swap3A_104 : vector<1x16xf32> to vector<16xf32>
      %swap3A_106 = vector.shape_cast %broadcast_in_dim3A_101 : vector<16xf32> to vector<1x16xf32>
      tpu.vector_store %arg6[%swap3A_102, %swap3A_103], %swap3A_106 {strides = array<i32>} : memref<128x128xf32, #tpu.memory_space<vmem>>, vector<1x16xf32>,
      %broadcast_in_dim3A_107 = arith.constant 0.000000e+00 : f32
      %broadcast_in_dim3A_108 = vector.broadcast %broadcast_in_dim3A_107 : f32 to vector<16xf32>
      %swap3A_109 = arith.index_cast %scan3A_93 : i32 to index
      %swap3A_110 = arith.constant 32 : index
      %swap3A_111 = tpu.vector_load %arg6[%swap3A_109, %swap3A_110] {strides = array<i32>} : memref<128x128xf32, #tpu.memory_space<vmem>>, vector<1x16xf32>,
      %swap3A_112 = vector.shape_cast %swap3A_111 : vector<1x16xf32> to vector<16xf32>
      %swap3A_113 = vector.shape_cast %broadcast_in_dim3A_108 : vector<16xf32> to vector<1x16xf32>
      tpu.vector_store %arg6[%swap3A_109, %swap3A_110], %swap3A_113 {strides = array<i32>} : memref<128x128xf32, #tpu.memory_space<vmem>>, vector<1x16xf32>,
      %broadcast_in_dim3A_114 = arith.constant 0.000000e+00 : f32
      %broadcast_in_dim3A_115 = vector.broadcast %broadcast_in_dim3A_114 : f32 to vector<16xf32>
      %swap3A_116 = arith.index_cast %scan3A_93 : i32 to index
      %swap3A_117 = arith.constant 48 : index
      %swap3A_118 = tpu.vector_load %arg6[%swap3A_116, %swap3A_117] {strides = array<i32>} : memref<128x128xf32, #tpu.memory_space<vmem>>, vector<1x16xf32>,
      %swap3A_119 = vector.shape_cast %swap3A_118 : vector<1x16xf32> to vector<16xf32>
      %swap3A_120 = vector.shape_cast %broadcast_in_dim3A_115 : vector<16xf32> to vector<1x16xf32>
      tpu.vector_store %arg6[%swap3A_116, %swap3A_117], %swap3A_120 {strides = array<i32>} : memref<128x128xf32, #tpu.memory_space<vmem>>, vector<1x16xf32>,
      %broadcast_in_dim3A_121 = arith.constant 0.000000e+00 : f32
      %broadcast_in_dim3A_122 = vector.broadcast %broadcast_in_dim3A_121 : f32 to vector<16xf32>
      %swap3A_123 = arith.index_cast %scan3A_93 : i32 to index
      %swap3A_124 = arith.constant 64 : index
      %swap3A_125 = tpu.vector_load %arg6[%swap3A_123, %swap3A_124] {strides = array<i32>} : memref<128x128xf32, #tpu.memory_space<vmem>>, vector<1x16xf32>,
      %swap3A_126 = vector.shape_cast %swap3A_125 : vector<1x16xf32> to vector<16xf32>
      %swap3A_127 = vector.shape_cast %broadcast_in_dim3A_122 : vector<16xf32> to vector<1x16xf32>
      tpu.vector_store %arg6[%swap3A_123, %swap3A_124], %swap3A_127 {strides = array<i32>} : memref<128x128xf32, #tpu.memory_space<vmem>>, vector<1x16xf32>,
      %broadcast_in_dim3A_128 = arith.constant 0.000000e+00 : f32
      %broadcast_in_dim3A_129 = vector.broadcast %broadcast_in_dim3A_128 : f32 to vector<16xf32>
      %swap3A_130 = arith.index_cast %scan3A_93 : i32 to index
      %swap3A_131 = arith.constant 80 : index
      %swap3A_132 = tpu.vector_load %arg6[%swap3A_130, %swap3A_131] {strides = array<i32>} : memref<128x128xf32, #tpu.memory_space<vmem>>, vector<1x16xf32>,
      %swap3A_133 = vector.shape_cast %swap3A_132 : vector<1x16xf32> to vector<16xf32>
      %swap3A_134 = vector.shape_cast %broadcast_in_dim3A_129 : vector<16xf32> to vector<1x16xf32>
      tpu.vector_store %arg6[%swap3A_130, %swap3A_131], %swap3A_134 {strides = array<i32>} : memref<128x128xf32, #tpu.memory_space<vmem>>, vector<1x16xf32>,
      %broadcast_in_dim3A_135 = arith.constant 0.000000e+00 : f32
      %broadcast_in_dim3A_136 = vector.broadcast %broadcast_in_dim3A_135 : f32 to vector<16xf32>
      %swap3A_137 = arith.index_cast %scan3A_93 : i32 to index
      %swap3A_138 = arith.constant 96 : index
      %swap3A_139 = tpu.vector_load %arg6[%swap3A_137, %swap3A_138] {strides = array<i32>} : memref<128x128xf32, #tpu.memory_space<vmem>>, vector<1x16xf32>,
      %swap3A_140 = vector.shape_cast %swap3A_139 : vector<1x16xf32> to vector<16xf32>
      %swap3A_141 = vector.shape_cast %broadcast_in_dim3A_136 : vector<16xf32> to vector<1x16xf32>
      tpu.vector_store %arg6[%swap3A_137, %swap3A_138], %swap3A_141 {strides = array<i32>} : memref<128x128xf32, #tpu.memory_space<vmem>>, vector<1x16xf32>,
      %broadcast_in_dim3A_142 = arith.constant 0.000000e+00 : f32
      %broadcast_in_dim3A_143 = vector.broadcast %broadcast_in_dim3A_142 : f32 to vector<16xf32>
      %swap3A_144 = arith.index_cast %scan3A_93 : i32 to index
      %swap3A_145 = arith.constant 112 : index
      %swap3A_146 = tpu.vector_load %arg6[%swap3A_144, %swap3A_145] {strides = array<i32>} : memref<128x128xf32, #tpu.memory_space<vmem>>, vector<1x16xf32>,
      %swap3A_147 = vector.shape_cast %swap3A_146 : vector<1x16xf32> to vector<16xf32>
      %swap3A_148 = vector.shape_cast %broadcast_in_dim3A_143 : vector<16xf32> to vector<1x16xf32>
      tpu.vector_store %arg6[%swap3A_144, %swap3A_145], %swap3A_148 {strides = array<i32>} : memref<128x128xf32, #tpu.memory_space<vmem>>, vector<1x16xf32>,
      %scan3A_149 = arith.constant 0 : i32
      scf.yield %scan3A_149 : i32
    }
    %scan3A_6 = arith.constant 128 : i32
    %mul3A_7 = arith.constant 640 : i32
    %mul3A_8 = arith.muli %arg1, %mul3A_7 : i32
    %add3A_9 = arith.constant 0 : i32
    %add3A_10 = arith.addi %mul3A_8, %add3A_9 : i32
    "tpu.region"() ({
      %run_scoped3A = tpu.sem_alloc : memref<!tpu.dma_semaphore, #tpu.memory_space<semaphore_mem>>
      %dma_start3A = arith.constant 0 : i32
      %dma_start3A_93 = arith.constant 0 : i32
      %dma_start3A_94 = tpu.memref_slice %arg6[%dma_start3A, %dma_start3A_93] : memref<128x128xf32, #tpu.memory_space<vmem>> -> memref<128x128xf32, #tpu.memory_space<vmem>>
      %dma_start3A_95 = arith.constant 0 : i32
      %dma_start3A_96 = tpu.memref_slice %arg4[%add3A_10, %dma_start3A_95] : memref<10240x128xf32, #tpu.memory_space<vmem_shared>> -> memref<128x128xf32, #tpu.memory_space<vmem_shared>>
      %dma_start3A_97 = arith.constant 0 : i32
      %dma_start3A_98 = tpu.memref_slice %arg4[%add3A_10, %dma_start3A_97] : memref<10240x128xf32, #tpu.memory_space<vmem_shared>> -> memref<128x128xf32, #tpu.memory_space<vmem_shared>>
      %dma_start3A_99 = arith.constant 0 : i32
      %dma_start3A_100 = arith.constant 0 : i32
      %dma_start3A_101 = tpu.memref_slice %arg6[%dma_start3A_99, %dma_start3A_100] : memref<128x128xf32, #tpu.memory_space<vmem>> -> memref<128x128xf32, #tpu.memory_space<vmem>>
      tpu.enqueue_dma source(%dma_start3A_101 : memref<128x128xf32, #tpu.memory_space<vmem>>) target(%dma_start3A_98 : memref<128x128xf32, #tpu.memory_space<vmem_shared>>) target_semaphore(%run_scoped3A : memref<!tpu.dma_semaphore, #tpu.memory_space<semaphore_mem>>)
      %dma_wait3A = arith.constant 0 : i32
      %dma_wait3A_102 = arith.constant 0 : i32
      %dma_wait3A_103 = tpu.memref_slice %arg6[%dma_wait3A, %dma_wait3A_102] : memref<128x128xf32, #tpu.memory_space<vmem>> -> memref<128x128xf32, #tpu.memory_space<vmem>>
      %dma_wait3A_104 = arith.constant 0 : i32
      %dma_wait3A_105 = tpu.memref_slice %arg4[%add3A_10, %dma_wait3A_104] : memref<10240x128xf32, #tpu.memory_space<vmem_shared>> -> memref<128x128xf32, #tpu.memory_space<vmem_shared>>
      %dma_wait3A_106 = arith.constant 0 : i32
      %dma_wait3A_107 = tpu.memref_slice %arg4[%add3A_10, %dma_wait3A_106] : memref<10240x128xf32, #tpu.memory_space<vmem_shared>> -> memref<128x128xf32, #tpu.memory_space<vmem_shared>>
      %dma_wait3A_108 = arith.constant 0 : i32
      %dma_wait3A_109 = arith.constant 0 : i32
      %dma_wait3A_110 = tpu.memref_slice %arg6[%dma_wait3A_108, %dma_wait3A_109] : memref<128x128xf32, #tpu.memory_space<vmem>> -> memref<128x128xf32, #tpu.memory_space<vmem>>
      tpu.wait_dma2 semaphore(%run_scoped3A : memref<!tpu.dma_semaphore, #tpu.memory_space<semaphore_mem>>) src(%dma_wait3A_110 : memref<128x128xf32, #tpu.memory_space<vmem>>) dst(%dma_wait3A_107 : memref<128x128xf32, #tpu.memory_space<vmem_shared>>)
      tpu.yield
    }) : () -> ()
    %add3A_11 = arith.constant 128 : i32
    %add3A_12 = arith.addi %mul3A_8, %add3A_11 : i32
    "tpu.region"() ({
      %run_scoped3A = tpu.sem_alloc : memref<!tpu.dma_semaphore, #tpu.memory_space<semaphore_mem>>
      %dma_start3A = arith.constant 0 : i32
      %dma_start3A_93 = arith.constant 0 : i32
      %dma_start3A_94 = tpu.memref_slice %arg6[%dma_start3A, %dma_start3A_93] : memref<128x128xf32, #tpu.memory_space<vmem>> -> memref<128x128xf32, #tpu.memory_space<vmem>>
      %dma_start3A_95 = arith.constant 0 : i32
      %dma_start3A_96 = tpu.memref_slice %arg4[%add3A_12, %dma_start3A_95] : memref<10240x128xf32, #tpu.memory_space<vmem_shared>> -> memref<128x128xf32, #tpu.memory_space<vmem_shared>>
      %dma_start3A_97 = arith.constant 0 : i32
      %dma_start3A_98 = tpu.memref_slice %arg4[%add3A_12, %dma_start3A_97] : memref<10240x128xf32, #tpu.memory_space<vmem_shared>> -> memref<128x128xf32, #tpu.memory_space<vmem_shared>>
      %dma_start3A_99 = arith.constant 0 : i32
      %dma_start3A_100 = arith.constant 0 : i32
      %dma_start3A_101 = tpu.memref_slice %arg6[%dma_start3A_99, %dma_start3A_100] : memref<128x128xf32, #tpu.memory_space<vmem>> -> memref<128x128xf32, #tpu.memory_space<vmem>>
      tpu.enqueue_dma source(%dma_start3A_101 : memref<128x128xf32, #tpu.memory_space<vmem>>) target(%dma_start3A_98 : memref<128x128xf32, #tpu.memory_space<vmem_shared>>) target_semaphore(%run_scoped3A : memref<!tpu.dma_semaphore, #tpu.memory_space<semaphore_mem>>)
      %dma_wait3A = arith.constant 0 : i32
      %dma_wait3A_102 = arith.constant 0 : i32
      %dma_wait3A_103 = tpu.memref_slice %arg6[%dma_wait3A, %dma_wait3A_102] : memref<128x128xf32, #tpu.memory_space<vmem>> -> memref<128x128xf32, #tpu.memory_space<vmem>>
      %dma_wait3A_104 = arith.constant 0 : i32
      %dma_wait3A_105 = tpu.memref_slice %arg4[%add3A_12, %dma_wait3A_104] : memref<10240x128xf32, #tpu.memory_space<vmem_shared>> -> memref<128x128xf32, #tpu.memory_space<vmem_shared>>
      %dma_wait3A_106 = arith.constant 0 : i32
      %dma_wait3A_107 = tpu.memref_slice %arg4[%add3A_12, %dma_wait3A_106] : memref<10240x128xf32, #tpu.memory_space<vmem_shared>> -> memref<128x128xf32, #tpu.memory_space<vmem_shared>>
      %dma_wait3A_108 = arith.constant 0 : i32
      %dma_wait3A_109 = arith.constant 0 : i32
      %dma_wait3A_110 = tpu.memref_slice %arg6[%dma_wait3A_108, %dma_wait3A_109] : memref<128x128xf32, #tpu.memory_space<vmem>> -> memref<128x128xf32, #tpu.memory_space<vmem>>
      tpu.wait_dma2 semaphore(%run_scoped3A : memref<!tpu.dma_semaphore, #tpu.memory_space<semaphore_mem>>) src(%dma_wait3A_110 : memref<128x128xf32, #tpu.memory_space<vmem>>) dst(%dma_wait3A_107 : memref<128x128xf32, #tpu.memory_space<vmem_shared>>)
      tpu.yield
    }) : () -> ()
    %add3A_13 = arith.constant 256 : i32
    %add3A_14 = arith.addi %mul3A_8, %add3A_13 : i32
    "tpu.region"() ({
      %run_scoped3A = tpu.sem_alloc : memref<!tpu.dma_semaphore, #tpu.memory_space<semaphore_mem>>
      %dma_start3A = arith.constant 0 : i32
      %dma_start3A_93 = arith.constant 0 : i32
      %dma_start3A_94 = tpu.memref_slice %arg6[%dma_start3A, %dma_start3A_93] : memref<128x128xf32, #tpu.memory_space<vmem>> -> memref<128x128xf32, #tpu.memory_space<vmem>>
      %dma_start3A_95 = arith.constant 0 : i32
      %dma_start3A_96 = tpu.memref_slice %arg4[%add3A_14, %dma_start3A_95] : memref<10240x128xf32, #tpu.memory_space<vmem_shared>> -> memref<128x128xf32, #tpu.memory_space<vmem_shared>>
      %dma_start3A_97 = arith.constant 0 : i32
      %dma_start3A_98 = tpu.memref_slice %arg4[%add3A_14, %dma_start3A_97] : memref<10240x128xf32, #tpu.memory_space<vmem_shared>> -> memref<128x128xf32, #tpu.memory_space<vmem_shared>>
      %dma_start3A_99 = arith.constant 0 : i32
      %dma_start3A_100 = arith.constant 0 : i32
      %dma_start3A_101 = tpu.memref_slice %arg6[%dma_start3A_99, %dma_start3A_100] : memref<128x128xf32, #tpu.memory_space<vmem>> -> memref<128x128xf32, #tpu.memory_space<vmem>>
      tpu.enqueue_dma source(%dma_start3A_101 : memref<128x128xf32, #tpu.memory_space<vmem>>) target(%dma_start3A_98 : memref<128x128xf32, #tpu.memory_space<vmem_shared>>) target_semaphore(%run_scoped3A : memref<!tpu.dma_semaphore, #tpu.memory_space<semaphore_mem>>)
      %dma_wait3A = arith.constant 0 : i32
      %dma_wait3A_102 = arith.constant 0 : i32
      %dma_wait3A_103 = tpu.memref_slice %arg6[%dma_wait3A, %dma_wait3A_102] : memref<128x128xf32, #tpu.memory_space<vmem>> -> memref<128x128xf32, #tpu.memory_space<vmem>>
      %dma_wait3A_104 = arith.constant 0 : i32
      %dma_wait3A_105 = tpu.memref_slice %arg4[%add3A_14, %dma_wait3A_104] : memref<10240x128xf32, #tpu.memory_space<vmem_shared>> -> memref<128x128xf32, #tpu.memory_space<vmem_shared>>
      %dma_wait3A_106 = arith.constant 0 : i32
      %dma_wait3A_107 = tpu.memref_slice %arg4[%add3A_14, %dma_wait3A_106] : memref<10240x128xf32, #tpu.memory_space<vmem_shared>> -> memref<128x128xf32, #tpu.memory_space<vmem_shared>>
      %dma_wait3A_108 = arith.constant 0 : i32
      %dma_wait3A_109 = arith.constant 0 : i32
      %dma_wait3A_110 = tpu.memref_slice %arg6[%dma_wait3A_108, %dma_wait3A_109] : memref<128x128xf32, #tpu.memory_space<vmem>> -> memref<128x128xf32, #tpu.memory_space<vmem>>
      tpu.wait_dma2 semaphore(%run_scoped3A : memref<!tpu.dma_semaphore, #tpu.memory_space<semaphore_mem>>) src(%dma_wait3A_110 : memref<128x128xf32, #tpu.memory_space<vmem>>) dst(%dma_wait3A_107 : memref<128x128xf32, #tpu.memory_space<vmem_shared>>)
      tpu.yield
    }) : () -> ()
    %add3A_15 = arith.constant 384 : i32
    %add3A_16 = arith.addi %mul3A_8, %add3A_15 : i32
    "tpu.region"() ({
      %run_scoped3A = tpu.sem_alloc : memref<!tpu.dma_semaphore, #tpu.memory_space<semaphore_mem>>
      %dma_start3A = arith.constant 0 : i32
      %dma_start3A_93 = arith.constant 0 : i32
      %dma_start3A_94 = tpu.memref_slice %arg6[%dma_start3A, %dma_start3A_93] : memref<128x128xf32, #tpu.memory_space<vmem>> -> memref<128x128xf32, #tpu.memory_space<vmem>>
      %dma_start3A_95 = arith.constant 0 : i32
      %dma_start3A_96 = tpu.memref_slice %arg4[%add3A_16, %dma_start3A_95] : memref<10240x128xf32, #tpu.memory_space<vmem_shared>> -> memref<128x128xf32, #tpu.memory_space<vmem_shared>>
      %dma_start3A_97 = arith.constant 0 : i32
      %dma_start3A_98 = tpu.memref_slice %arg4[%add3A_16, %dma_start3A_97] : memref<10240x128xf32, #tpu.memory_space<vmem_shared>> -> memref<128x128xf32, #tpu.memory_space<vmem_shared>>
      %dma_start3A_99 = arith.constant 0 : i32
      %dma_start3A_100 = arith.constant 0 : i32
      %dma_start3A_101 = tpu.memref_slice %arg6[%dma_start3A_99, %dma_start3A_100] : memref<128x128xf32, #tpu.memory_space<vmem>> -> memref<128x128xf32, #tpu.memory_space<vmem>>
      tpu.enqueue_dma source(%dma_start3A_101 : memref<128x128xf32, #tpu.memory_space<vmem>>) target(%dma_start3A_98 : memref<128x128xf32, #tpu.memory_space<vmem_shared>>) target_semaphore(%run_scoped3A : memref<!tpu.dma_semaphore, #tpu.memory_space<semaphore_mem>>)
      %dma_wait3A = arith.constant 0 : i32
      %dma_wait3A_102 = arith.constant 0 : i32
      %dma_wait3A_103 = tpu.memref_slice %arg6[%dma_wait3A, %dma_wait3A_102] : memref<128x128xf32, #tpu.memory_space<vmem>> -> memref<128x128xf32, #tpu.memory_space<vmem>>
      %dma_wait3A_104 = arith.constant 0 : i32
      %dma_wait3A_105 = tpu.memref_slice %arg4[%add3A_16, %dma_wait3A_104] : memref<10240x128xf32, #tpu.memory_space<vmem_shared>> -> memref<128x128xf32, #tpu.memory_space<vmem_shared>>
      %dma_wait3A_106 = arith.constant 0 : i32
      %dma_wait3A_107 = tpu.memref_slice %arg4[%add3A_16, %dma_wait3A_106] : memref<10240x128xf32, #tpu.memory_space<vmem_shared>> -> memref<128x128xf32, #tpu.memory_space<vmem_shared>>
      %dma_wait3A_108 = arith.constant 0 : i32
      %dma_wait3A_109 = arith.constant 0 : i32
      %dma_wait3A_110 = tpu.memref_slice %arg6[%dma_wait3A_108, %dma_wait3A_109] : memref<128x128xf32, #tpu.memory_space<vmem>> -> memref<128x128xf32, #tpu.memory_space<vmem>>
      tpu.wait_dma2 semaphore(%run_scoped3A : memref<!tpu.dma_semaphore, #tpu.memory_space<semaphore_mem>>) src(%dma_wait3A_110 : memref<128x128xf32, #tpu.memory_space<vmem>>) dst(%dma_wait3A_107 : memref<128x128xf32, #tpu.memory_space<vmem_shared>>)
      tpu.yield
    }) : () -> ()
    %add3A_17 = arith.constant 512 : i32
    %add3A_18 = arith.addi %mul3A_8, %add3A_17 : i32
    "tpu.region"() ({
      %run_scoped3A = tpu.sem_alloc : memref<!tpu.dma_semaphore, #tpu.memory_space<semaphore_mem>>
      %dma_start3A = arith.constant 0 : i32
      %dma_start3A_93 = arith.constant 0 : i32
      %dma_start3A_94 = tpu.memref_slice %arg6[%dma_start3A, %dma_start3A_93] : memref<128x128xf32, #tpu.memory_space<vmem>> -> memref<128x128xf32, #tpu.memory_space<vmem>>
      %dma_start3A_95 = arith.constant 0 : i32
      %dma_start3A_96 = tpu.memref_slice %arg4[%add3A_18, %dma_start3A_95] : memref<10240x128xf32, #tpu.memory_space<vmem_shared>> -> memref<128x128xf32, #tpu.memory_space<vmem_shared>>
      %dma_start3A_97 = arith.constant 0 : i32
      %dma_start3A_98 = tpu.memref_slice %arg4[%add3A_18, %dma_start3A_97] : memref<10240x128xf32, #tpu.memory_space<vmem_shared>> -> memref<128x128xf32, #tpu.memory_space<vmem_shared>>
      %dma_start3A_99 = arith.constant 0 : i32
      %dma_start3A_100 = arith.constant 0 : i32
      %dma_start3A_101 = tpu.memref_slice %arg6[%dma_start3A_99, %dma_start3A_100] : memref<128x128xf32, #tpu.memory_space<vmem>> -> memref<128x128xf32, #tpu.memory_space<vmem>>
      tpu.enqueue_dma source(%dma_start3A_101 : memref<128x128xf32, #tpu.memory_space<vmem>>) target(%dma_start3A_98 : memref<128x128xf32, #tpu.memory_space<vmem_shared>>) target_semaphore(%run_scoped3A : memref<!tpu.dma_semaphore, #tpu.memory_space<semaphore_mem>>)
      %dma_wait3A = arith.constant 0 : i32
      %dma_wait3A_102 = arith.constant 0 : i32
      %dma_wait3A_103 = tpu.memref_slice %arg6[%dma_wait3A, %dma_wait3A_102] : memref<128x128xf32, #tpu.memory_space<vmem>> -> memref<128x128xf32, #tpu.memory_space<vmem>>
      %dma_wait3A_104 = arith.constant 0 : i32
      %dma_wait3A_105 = tpu.memref_slice %arg4[%add3A_18, %dma_wait3A_104] : memref<10240x128xf32, #tpu.memory_space<vmem_shared>> -> memref<128x128xf32, #tpu.memory_space<vmem_shared>>
      %dma_wait3A_106 = arith.constant 0 : i32
      %dma_wait3A_107 = tpu.memref_slice %arg4[%add3A_18, %dma_wait3A_106] : memref<10240x128xf32, #tpu.memory_space<vmem_shared>> -> memref<128x128xf32, #tpu.memory_space<vmem_shared>>
      %dma_wait3A_108 = arith.constant 0 : i32
      %dma_wait3A_109 = arith.constant 0 : i32
      %dma_wait3A_110 = tpu.memref_slice %arg6[%dma_wait3A_108, %dma_wait3A_109] : memref<128x128xf32, #tpu.memory_space<vmem>> -> memref<128x128xf32, #tpu.memory_space<vmem>>
      tpu.wait_dma2 semaphore(%run_scoped3A : memref<!tpu.dma_semaphore, #tpu.memory_space<semaphore_mem>>) src(%dma_wait3A_110 : memref<128x128xf32, #tpu.memory_space<vmem>>) dst(%dma_wait3A_107 : memref<128x128xf32, #tpu.memory_space<vmem_shared>>)
      tpu.yield
    }) : () -> ()
    %scan3A_19 = arith.constant 0 : i32
    %scan3A_20 = arith.constant 0 : i32
    %scan3A_21 = arith.constant 128 : i32
    %scan3A_22 = arith.addi %scan3A_20, %scan3A_21 : i32
    %scan3A_23 = arith.constant 1 : i32
    %scan3A_24 = scf.for %scan3A_93 = %scan3A_20 to %scan3A_22 step %scan3A_23 iter_args(%scan3A_94 = %scan3A_19) -> (i32)  : i32 {
      %broadcast_in_dim3A = arith.constant 1.000000e+00 : f32
      %broadcast_in_dim3A_95 = vector.broadcast %broadcast_in_dim3A : f32 to vector<16xf32>
      %swap3A = arith.index_cast %scan3A_93 : i32 to index
      %swap3A_96 = arith.constant 0 : index
      %swap3A_97 = tpu.vector_load %arg6[%swap3A, %swap3A_96] {strides = array<i32>} : memref<128x128xf32, #tpu.memory_space<vmem>>, vector<1x16xf32>,
      %swap3A_98 = vector.shape_cast %swap3A_97 : vector<1x16xf32> to vector<16xf32>
      %swap3A_99 = vector.shape_cast %broadcast_in_dim3A_95 : vector<16xf32> to vector<1x16xf32>
      tpu.vector_store %arg6[%swap3A, %swap3A_96], %swap3A_99 {strides = array<i32>} : memref<128x128xf32, #tpu.memory_space<vmem>>, vector<1x16xf32>,
      %broadcast_in_dim3A_100 = arith.constant 1.000000e+00 : f32
      %broadcast_in_dim3A_101 = vector.broadcast %broadcast_in_dim3A_100 : f32 to vector<16xf32>
      %swap3A_102 = arith.index_cast %scan3A_93 : i32 to index
      %swap3A_103 = arith.constant 16 : index
      %swap3A_104 = tpu.vector_load %arg6[%swap3A_102, %swap3A_103] {strides = array<i32>} : memref<128x128xf32, #tpu.memory_space<vmem>>, vector<1x16xf32>,
      %swap3A_105 = vector.shape_cast %swap3A_104 : vector<1x16xf32> to vector<16xf32>
      %swap3A_106 = vector.shape_cast %broadcast_in_dim3A_101 : vector<16xf32> to vector<1x16xf32>
      tpu.vector_store %arg6[%swap3A_102, %swap3A_103], %swap3A_106 {strides = array<i32>} : memref<128x128xf32, #tpu.memory_space<vmem>>, vector<1x16xf32>,
      %broadcast_in_dim3A_107 = arith.constant 1.000000e+00 : f32
      %broadcast_in_dim3A_108 = vector.broadcast %broadcast_in_dim3A_107 : f32 to vector<16xf32>
      %swap3A_109 = arith.index_cast %scan3A_93 : i32 to index
      %swap3A_110 = arith.constant 32 : index
      %swap3A_111 = tpu.vector_load %arg6[%swap3A_109, %swap3A_110] {strides = array<i32>} : memref<128x128xf32, #tpu.memory_space<vmem>>, vector<1x16xf32>,
      %swap3A_112 = vector.shape_cast %swap3A_111 : vector<1x16xf32> to vector<16xf32>
      %swap3A_113 = vector.shape_cast %broadcast_in_dim3A_108 : vector<16xf32> to vector<1x16xf32>
      tpu.vector_store %arg6[%swap3A_109, %swap3A_110], %swap3A_113 {strides = array<i32>} : memref<128x128xf32, #tpu.memory_space<vmem>>, vector<1x16xf32>,
      %broadcast_in_dim3A_114 = arith.constant 1.000000e+00 : f32
      %broadcast_in_dim3A_115 = vector.broadcast %broadcast_in_dim3A_114 : f32 to vector<16xf32>
      %swap3A_116 = arith.index_cast %scan3A_93 : i32 to index
      %swap3A_117 = arith.constant 48 : index
      %swap3A_118 = tpu.vector_load %arg6[%swap3A_116, %swap3A_117] {strides = array<i32>} : memref<128x128xf32, #tpu.memory_space<vmem>>, vector<1x16xf32>,
      %swap3A_119 = vector.shape_cast %swap3A_118 : vector<1x16xf32> to vector<16xf32>
      %swap3A_120 = vector.shape_cast %broadcast_in_dim3A_115 : vector<16xf32> to vector<1x16xf32>
      tpu.vector_store %arg6[%swap3A_116, %swap3A_117], %swap3A_120 {strides = array<i32>} : memref<128x128xf32, #tpu.memory_space<vmem>>, vector<1x16xf32>,
      %broadcast_in_dim3A_121 = arith.constant 1.000000e+00 : f32
      %broadcast_in_dim3A_122 = vector.broadcast %broadcast_in_dim3A_121 : f32 to vector<16xf32>
      %swap3A_123 = arith.index_cast %scan3A_93 : i32 to index
      %swap3A_124 = arith.constant 64 : index
      %swap3A_125 = tpu.vector_load %arg6[%swap3A_123, %swap3A_124] {strides = array<i32>} : memref<128x128xf32, #tpu.memory_space<vmem>>, vector<1x16xf32>,
      %swap3A_126 = vector.shape_cast %swap3A_125 : vector<1x16xf32> to vector<16xf32>
      %swap3A_127 = vector.shape_cast %broadcast_in_dim3A_122 : vector<16xf32> to vector<1x16xf32>
      tpu.vector_store %arg6[%swap3A_123, %swap3A_124], %swap3A_127 {strides = array<i32>} : memref<128x128xf32, #tpu.memory_space<vmem>>, vector<1x16xf32>,
      %broadcast_in_dim3A_128 = arith.constant 1.000000e+00 : f32
      %broadcast_in_dim3A_129 = vector.broadcast %broadcast_in_dim3A_128 : f32 to vector<16xf32>
      %swap3A_130 = arith.index_cast %scan3A_93 : i32 to index
      %swap3A_131 = arith.constant 80 : index
      %swap3A_132 = tpu.vector_load %arg6[%swap3A_130, %swap3A_131] {strides = array<i32>} : memref<128x128xf32, #tpu.memory_space<vmem>>, vector<1x16xf32>,
      %swap3A_133 = vector.shape_cast %swap3A_132 : vector<1x16xf32> to vector<16xf32>
      %swap3A_134 = vector.shape_cast %broadcast_in_dim3A_129 : vector<16xf32> to vector<1x16xf32>
      tpu.vector_store %arg6[%swap3A_130, %swap3A_131], %swap3A_134 {strides = array<i32>} : memref<128x128xf32, #tpu.memory_space<vmem>>, vector<1x16xf32>,
      %broadcast_in_dim3A_135 = arith.constant 1.000000e+00 : f32
      %broadcast_in_dim3A_136 = vector.broadcast %broadcast_in_dim3A_135 : f32 to vector<16xf32>
      %swap3A_137 = arith.index_cast %scan3A_93 : i32 to index
      %swap3A_138 = arith.constant 96 : index
      %swap3A_139 = tpu.vector_load %arg6[%swap3A_137, %swap3A_138] {strides = array<i32>} : memref<128x128xf32, #tpu.memory_space<vmem>>, vector<1x16xf32>,
      %swap3A_140 = vector.shape_cast %swap3A_139 : vector<1x16xf32> to vector<16xf32>
      %swap3A_141 = vector.shape_cast %broadcast_in_dim3A_136 : vector<16xf32> to vector<1x16xf32>
      tpu.vector_store %arg6[%swap3A_137, %swap3A_138], %swap3A_141 {strides = array<i32>} : memref<128x128xf32, #tpu.memory_space<vmem>>, vector<1x16xf32>,
      %broadcast_in_dim3A_142 = arith.constant 1.000000e+00 : f32
      %broadcast_in_dim3A_143 = vector.broadcast %broadcast_in_dim3A_142 : f32 to vector<16xf32>
      %swap3A_144 = arith.index_cast %scan3A_93 : i32 to index
      %swap3A_145 = arith.constant 112 : index
      %swap3A_146 = tpu.vector_load %arg6[%swap3A_144, %swap3A_145] {strides = array<i32>} : memref<128x128xf32, #tpu.memory_space<vmem>>, vector<1x16xf32>,
      %swap3A_147 = vector.shape_cast %swap3A_146 : vector<1x16xf32> to vector<16xf32>
      %swap3A_148 = vector.shape_cast %broadcast_in_dim3A_143 : vector<16xf32> to vector<1x16xf32>
      tpu.vector_store %arg6[%swap3A_144, %swap3A_145], %swap3A_148 {strides = array<i32>} : memref<128x128xf32, #tpu.memory_space<vmem>>, vector<1x16xf32>,
      %scan3A_149 = arith.constant 0 : i32
      scf.yield %scan3A_149 : i32
    }
    %scan3A_25 = arith.constant 128 : i32
    %barrier3A = arith.constant 0 : index
    tpu.barrier barrier_id(%barrier3A)
    %mul3A_26 = arith.constant 2500 : i32
    %mul3A_27 = arith.muli %add3A, %mul3A_26 : i32
    %jit3A = arith.constant 32 : i32
    %div3A = arith.divsi %mul3A_27, %jit3A : i32
    %sign3A = arith.constant 0 : i32
    %sign3A_28 = arith.cmpi sgt, %mul3A_27, %sign3A : i32
    %sign3A_29 = arith.extui %sign3A_28 : i1 to i32
    %sign3A_30 = arith.constant 0 : i32
    %sign3A_31 = arith.cmpi slt, %mul3A_27, %sign3A_30 : i32
    %sign3A_32 = arith.extui %sign3A_31 : i1 to i32
    %sign3A_33 = arith.subi %sign3A_29, %sign3A_32 : i32
    %sign3A_34 = arith.constant 0 : i32
    %sign3A_35 = arith.cmpi sgt, %jit3A, %sign3A_34 : i32
    %sign3A_36 = arith.extui %sign3A_35 : i1 to i32
    %sign3A_37 = arith.constant 0 : i32
    %sign3A_38 = arith.cmpi slt, %jit3A, %sign3A_37 : i32
    %sign3A_39 = arith.extui %sign3A_38 : i1 to i32
    %sign3A_40 = arith.subi %sign3A_36, %sign3A_39 : i32
    %ne3A = arith.cmpi ne, %sign3A_33, %sign3A_40 : i32
    %rem3A = arith.remsi %mul3A_27, %jit3A : i32
    %ne3A_41 = arith.constant 0 : i32
    %ne3A_42 = arith.cmpi ne, %rem3A, %ne3A_41 : i32
    %and3A = arith.andi %ne3A, %ne3A_42 : i1
    %sub3A = arith.constant 1 : i32
    %sub3A_43 = arith.subi %div3A, %sub3A : i32
    %select_n3A = arith.select %and3A, %sub3A_43, %div3A : i32
    %add3A_44 = arith.constant 1 : i32
    %add3A_45 = arith.addi %add3A, %add3A_44 : i32
    %mul3A_46 = arith.constant 2500 : i32
    %mul3A_47 = arith.muli %add3A_45, %mul3A_46 : i32
    %jit3A_48 = arith.constant 32 : i32
    %div3A_49 = arith.divsi %mul3A_47, %jit3A_48 : i32
    %sign3A_50 = arith.constant 0 : i32
    %sign3A_51 = arith.cmpi sgt, %mul3A_47, %sign3A_50 : i32
    %sign3A_52 = arith.extui %sign3A_51 : i1 to i32
    %sign3A_53 = arith.constant 0 : i32
    %sign3A_54 = arith.cmpi slt, %mul3A_47, %sign3A_53 : i32
    %sign3A_55 = arith.extui %sign3A_54 : i1 to i32
    %sign3A_56 = arith.subi %sign3A_52, %sign3A_55 : i32
    %sign3A_57 = arith.constant 0 : i32
    %sign3A_58 = arith.cmpi sgt, %jit3A_48, %sign3A_57 : i32
    %sign3A_59 = arith.extui %sign3A_58 : i1 to i32
    %sign3A_60 = arith.constant 0 : i32
    %sign3A_61 = arith.cmpi slt, %jit3A_48, %sign3A_60 : i32
    %sign3A_62 = arith.extui %sign3A_61 : i1 to i32
    %sign3A_63 = arith.subi %sign3A_59, %sign3A_62 : i32
    %ne3A_64 = arith.cmpi ne, %sign3A_56, %sign3A_63 : i32
    %rem3A_65 = arith.remsi %mul3A_47, %jit3A_48 : i32
    %ne3A_66 = arith.constant 0 : i32
    %ne3A_67 = arith.cmpi ne, %rem3A_65, %ne3A_66 : i32
    %and3A_68 = arith.andi %ne3A_64, %ne3A_67 : i1
    %sub3A_69 = arith.constant 1 : i32
    %sub3A_70 = arith.subi %div3A_49, %sub3A_69 : i32
    %select_n3A_71 = arith.select %and3A_68, %sub3A_70, %div3A_49 : i32
    %while3A = arith.constant 0 : i32
    %while3A_72 = arith.subi %select_n3A_71, %select_n3A : i32
    %while3A_73 = arith.addi %select_n3A, %while3A_72 : i32
    %while3A_74 = arith.constant 1 : i32
    %while3A_75 = arith.divsi %while3A_72, %while3A_74 : i32
    %while3A_76 = arith.muli %while3A_75, %while3A_74 : i32
    %while3A_77 = arith.addi %select_n3A, %while3A_76 : i32
    %while3A_78 = arith.constant 1 : i32
    %while3A_79 = scf.for %while3A_93 = %select_n3A to %while3A_77 step %while3A_78 iter_args(%while3A_94 = %while3A) -> (i32)  : i32 {
      "tpu.region"() ({
        %run_scoped3A = tpu.sem_alloc : memref<!tpu.dma_semaphore, #tpu.memory_space<semaphore_mem>>
        %dma_start3A = arith.constant 0 : i32
        %dma_start3A_96 = tpu.memref_slice %arg2[%while3A_93, %dma_start3A] : memref<2500x128xi32, #tpu.memory_space<hbm>> -> memref<1x128xi32, #tpu.memory_space<hbm>>
        %dma_start3A_97 = tpu.memref_squeeze %dma_start3A_96 : memref<1x128xi32, #tpu.memory_space<hbm>> -> memref<128xi32, #tpu.memory_space<hbm>>
        %dma_start3A_98 = arith.constant 0 : i32
        %dma_start3A_99 = tpu.memref_slice %arg2[%while3A_93, %dma_start3A_98] : memref<2500x128xi32, #tpu.memory_space<hbm>> -> memref<1x128xi32, #tpu.memory_space<hbm>>
        %dma_start3A_100 = tpu.memref_squeeze %dma_start3A_99 : memref<1x128xi32, #tpu.memory_space<hbm>> -> memref<128xi32, #tpu.memory_space<hbm>>
        tpu.enqueue_dma source(%dma_start3A_100 : memref<128xi32, #tpu.memory_space<hbm>>) target(%arg5 : memref<128xi32, #tpu.memory_space<vmem>>) target_semaphore(%run_scoped3A : memref<!tpu.dma_semaphore, #tpu.memory_space<semaphore_mem>>)
        %dma_wait3A = arith.constant 0 : i32
        %dma_wait3A_101 = tpu.memref_slice %arg2[%while3A_93, %dma_wait3A] : memref<2500x128xi32, #tpu.memory_space<hbm>> -> memref<1x128xi32, #tpu.memory_space<hbm>>
        %dma_wait3A_102 = tpu.memref_squeeze %dma_wait3A_101 : memref<1x128xi32, #tpu.memory_space<hbm>> -> memref<128xi32, #tpu.memory_space<hbm>>
        %dma_wait3A_103 = arith.constant 0 : i32
        %dma_wait3A_104 = tpu.memref_slice %arg2[%while3A_93, %dma_wait3A_103] : memref<2500x128xi32, #tpu.memory_space<hbm>> -> memref<1x128xi32, #tpu.memory_space<hbm>>
        %dma_wait3A_105 = tpu.memref_squeeze %dma_wait3A_104 : memref<1x128xi32, #tpu.memory_space<hbm>> -> memref<128xi32, #tpu.memory_space<hbm>>
        tpu.wait_dma2 semaphore(%run_scoped3A : memref<!tpu.dma_semaphore, #tpu.memory_space<semaphore_mem>>) src(%dma_wait3A_105 : memref<128xi32, #tpu.memory_space<hbm>>) dst(%arg5 : memref<128xi32, #tpu.memory_space<vmem>>)
        tpu.yield
      }) : () -> ()
      "tpu.region"() ({
        %run_scoped3A = tpu.sem_alloc : memref<!tpu.dma_semaphore, #tpu.memory_space<semaphore_mem>>
        %dma_start3A = arith.constant 0 : i32
        %dma_start3A_96 = arith.constant 0 : i32
        %dma_start3A_97 = tpu.memref_slice %arg4[%dma_start3A, %dma_start3A_96] : memref<10240x128xf32, #tpu.memory_space<vmem_shared>> -> memref<10240x128xf32, #tpu.memory_space<vmem_shared>>
        tpu.enqueue_indirect_dma source(%arg6 : memref<128x128xf32, #tpu.memory_space<vmem>>) target(%dma_start3A_97 : memref<10240x128xf32, #tpu.memory_space<vmem_shared>>) offsets(%arg5 : memref<128xi32, #tpu.memory_space<vmem>>) semaphore(%run_scoped3A : memref<!tpu.dma_semaphore, #tpu.memory_space<semaphore_mem>>) {add = true}
        %dma_wait3A = arith.constant 0 : i32
        %dma_wait3A_98 = arith.constant 0 : i32
        %dma_wait3A_99 = tpu.memref_slice %arg4[%dma_wait3A, %dma_wait3A_98] : memref<10240x128xf32, #tpu.memory_space<vmem_shared>> -> memref<10240x128xf32, #tpu.memory_space<vmem_shared>>
        tpu.wait_indirect_dma semaphore(%run_scoped3A : memref<!tpu.dma_semaphore, #tpu.memory_space<semaphore_mem>>) src(%arg6 : memref<128x128xf32, #tpu.memory_space<vmem>>) dst(%dma_wait3A_99 : memref<10240x128xf32, #tpu.memory_space<vmem_shared>>)
        tpu.yield
      }) : () -> ()
      %while3A_95 = arith.constant 0 : i32
      scf.yield %while3A_95 : i32
    }
    %while3A_80 = arith.constant 1 : i32
    %while3A_81 = scf.for %while3A_93 = %while3A_77 to %while3A_73 step %while3A_80 iter_args(%while3A_94 = %while3A_79) -> (i32)  : i32 {
      "tpu.region"() ({
        %run_scoped3A = tpu.sem_alloc : memref<!tpu.dma_semaphore, #tpu.memory_space<semaphore_mem>>
        %dma_start3A = arith.constant 0 : i32
        %dma_start3A_96 = tpu.memref_slice %arg2[%while3A_93, %dma_start3A] : memref<2500x128xi32, #tpu.memory_space<hbm>> -> memref<1x128xi32, #tpu.memory_space<hbm>>
        %dma_start3A_97 = tpu.memref_squeeze %dma_start3A_96 : memref<1x128xi32, #tpu.memory_space<hbm>> -> memref<128xi32, #tpu.memory_space<hbm>>
        %dma_start3A_98 = arith.constant 0 : i32
        %dma_start3A_99 = tpu.memref_slice %arg2[%while3A_93, %dma_start3A_98] : memref<2500x128xi32, #tpu.memory_space<hbm>> -> memref<1x128xi32, #tpu.memory_space<hbm>>
        %dma_start3A_100 = tpu.memref_squeeze %dma_start3A_99 : memref<1x128xi32, #tpu.memory_space<hbm>> -> memref<128xi32, #tpu.memory_space<hbm>>
        tpu.enqueue_dma source(%dma_start3A_100 : memref<128xi32, #tpu.memory_space<hbm>>) target(%arg5 : memref<128xi32, #tpu.memory_space<vmem>>) target_semaphore(%run_scoped3A : memref<!tpu.dma_semaphore, #tpu.memory_space<semaphore_mem>>)
        %dma_wait3A = arith.constant 0 : i32
        %dma_wait3A_101 = tpu.memref_slice %arg2[%while3A_93, %dma_wait3A] : memref<2500x128xi32, #tpu.memory_space<hbm>> -> memref<1x128xi32, #tpu.memory_space<hbm>>
        %dma_wait3A_102 = tpu.memref_squeeze %dma_wait3A_101 : memref<1x128xi32, #tpu.memory_space<hbm>> -> memref<128xi32, #tpu.memory_space<hbm>>
        %dma_wait3A_103 = arith.constant 0 : i32
        %dma_wait3A_104 = tpu.memref_slice %arg2[%while3A_93, %dma_wait3A_103] : memref<2500x128xi32, #tpu.memory_space<hbm>> -> memref<1x128xi32, #tpu.memory_space<hbm>>
        %dma_wait3A_105 = tpu.memref_squeeze %dma_wait3A_104 : memref<1x128xi32, #tpu.memory_space<hbm>> -> memref<128xi32, #tpu.memory_space<hbm>>
        tpu.wait_dma2 semaphore(%run_scoped3A : memref<!tpu.dma_semaphore, #tpu.memory_space<semaphore_mem>>) src(%dma_wait3A_105 : memref<128xi32, #tpu.memory_space<hbm>>) dst(%arg5 : memref<128xi32, #tpu.memory_space<vmem>>)
        tpu.yield
      }) : () -> ()
      "tpu.region"() ({
        %run_scoped3A = tpu.sem_alloc : memref<!tpu.dma_semaphore, #tpu.memory_space<semaphore_mem>>
        %dma_start3A = arith.constant 0 : i32
        %dma_start3A_96 = arith.constant 0 : i32
        %dma_start3A_97 = tpu.memref_slice %arg4[%dma_start3A, %dma_start3A_96] : memref<10240x128xf32, #tpu.memory_space<vmem_shared>> -> memref<10240x128xf32, #tpu.memory_space<vmem_shared>>
        tpu.enqueue_indirect_dma source(%arg6 : memref<128x128xf32, #tpu.memory_space<vmem>>) target(%dma_start3A_97 : memref<10240x128xf32, #tpu.memory_space<vmem_shared>>) offsets(%arg5 : memref<128xi32, #tpu.memory_space<vmem>>) semaphore(%run_scoped3A : memref<!tpu.dma_semaphore, #tpu.memory_space<semaphore_mem>>) {add = true}
        %dma_wait3A = arith.constant 0 : i32
        %dma_wait3A_98 = arith.constant 0 : i32
        %dma_wait3A_99 = tpu.memref_slice %arg4[%dma_wait3A, %dma_wait3A_98] : memref<10240x128xf32, #tpu.memory_space<vmem_shared>> -> memref<10240x128xf32, #tpu.memory_space<vmem_shared>>
        tpu.wait_indirect_dma semaphore(%run_scoped3A : memref<!tpu.dma_semaphore, #tpu.memory_space<semaphore_mem>>) src(%arg6 : memref<128x128xf32, #tpu.memory_space<vmem>>) dst(%dma_wait3A_99 : memref<10240x128xf32, #tpu.memory_space<vmem_shared>>)
        tpu.yield
      }) : () -> ()
      %while3A_95 = arith.constant 0 : i32
      scf.yield %while3A_95 : i32
    }
    %barrier3A_82 = arith.constant 0 : index
    tpu.barrier barrier_id(%barrier3A_82)
    %add3A_83 = arith.constant 0 : i32
    %add3A_84 = arith.addi %mul3A_8, %add3A_83 : i32
    "tpu.region"() ({
      %run_scoped3A = tpu.sem_alloc : memref<!tpu.dma_semaphore, #tpu.memory_space<semaphore_mem>>
      %dma_start3A = arith.constant 0 : i32
      %dma_start3A_93 = tpu.memref_slice %arg3[%arg0, %add3A_84, %dma_start3A] : memref<2x10240x128xf32, #tpu.memory_space<hbm>> -> memref<1x128x128xf32, #tpu.memory_space<hbm>>
      %dma_start3A_94 = tpu.memref_squeeze %dma_start3A_93 : memref<1x128x128xf32, #tpu.memory_space<hbm>> -> memref<128x128xf32, #tpu.memory_space<hbm>>
      %dma_start3A_95 = arith.constant 0 : i32
      %dma_start3A_96 = tpu.memref_slice %arg4[%add3A_84, %dma_start3A_95] : memref<10240x128xf32, #tpu.memory_space<vmem_shared>> -> memref<128x128xf32, #tpu.memory_space<vmem_shared>>
      tpu.enqueue_dma source(%dma_start3A_96 : memref<128x128xf32, #tpu.memory_space<vmem_shared>>) target(%dma_start3A_94 : memref<128x128xf32, #tpu.memory_space<hbm>>) target_semaphore(%run_scoped3A : memref<!tpu.dma_semaphore, #tpu.memory_space<semaphore_mem>>)
      %dma_wait3A = arith.constant 0 : i32
      %dma_wait3A_97 = tpu.memref_slice %arg3[%arg0, %add3A_84, %dma_wait3A] : memref<2x10240x128xf32, #tpu.memory_space<hbm>> -> memref<1x128x128xf32, #tpu.memory_space<hbm>>
      %dma_wait3A_98 = tpu.memref_squeeze %dma_wait3A_97 : memref<1x128x128xf32, #tpu.memory_space<hbm>> -> memref<128x128xf32, #tpu.memory_space<hbm>>
      %dma_wait3A_99 = arith.constant 0 : i32
      %dma_wait3A_100 = tpu.memref_slice %arg4[%add3A_84, %dma_wait3A_99] : memref<10240x128xf32, #tpu.memory_space<vmem_shared>> -> memref<128x128xf32, #tpu.memory_space<vmem_shared>>
      tpu.wait_dma2 semaphore(%run_scoped3A : memref<!tpu.dma_semaphore, #tpu.memory_space<semaphore_mem>>) src(%dma_wait3A_100 : memref<128x128xf32, #tpu.memory_space<vmem_shared>>) dst(%dma_wait3A_98 : memref<128x128xf32, #tpu.memory_space<hbm>>)
      tpu.yield
    }) : () -> ()
    %add3A_85 = arith.constant 128 : i32
    %add3A_86 = arith.addi %mul3A_8, %add3A_85 : i32
    "tpu.region"() ({
      %run_scoped3A = tpu.sem_alloc : memref<!tpu.dma_semaphore, #tpu.memory_space<semaphore_mem>>
      %dma_start3A = arith.constant 0 : i32
      %dma_start3A_93 = tpu.memref_slice %arg3[%arg0, %add3A_86, %dma_start3A] : memref<2x10240x128xf32, #tpu.memory_space<hbm>> -> memref<1x128x128xf32, #tpu.memory_space<hbm>>
      %dma_start3A_94 = tpu.memref_squeeze %dma_start3A_93 : memref<1x128x128xf32, #tpu.memory_space<hbm>> -> memref<128x128xf32, #tpu.memory_space<hbm>>
      %dma_start3A_95 = arith.constant 0 : i32
      %dma_start3A_96 = tpu.memref_slice %arg4[%add3A_86, %dma_start3A_95] : memref<10240x128xf32, #tpu.memory_space<vmem_shared>> -> memref<128x128xf32, #tpu.memory_space<vmem_shared>>
      tpu.enqueue_dma source(%dma_start3A_96 : memref<128x128xf32, #tpu.memory_space<vmem_shared>>) target(%dma_start3A_94 : memref<128x128xf32, #tpu.memory_space<hbm>>) target_semaphore(%run_scoped3A : memref<!tpu.dma_semaphore, #tpu.memory_space<semaphore_mem>>)
      %dma_wait3A = arith.constant 0 : i32
      %dma_wait3A_97 = tpu.memref_slice %arg3[%arg0, %add3A_86, %dma_wait3A] : memref<2x10240x128xf32, #tpu.memory_space<hbm>> -> memref<1x128x128xf32, #tpu.memory_space<hbm>>
      %dma_wait3A_98 = tpu.memref_squeeze %dma_wait3A_97 : memref<1x128x128xf32, #tpu.memory_space<hbm>> -> memref<128x128xf32, #tpu.memory_space<hbm>>
      %dma_wait3A_99 = arith.constant 0 : i32
      %dma_wait3A_100 = tpu.memref_slice %arg4[%add3A_86, %dma_wait3A_99] : memref<10240x128xf32, #tpu.memory_space<vmem_shared>> -> memref<128x128xf32, #tpu.memory_space<vmem_shared>>
      tpu.wait_dma2 semaphore(%run_scoped3A : memref<!tpu.dma_semaphore, #tpu.memory_space<semaphore_mem>>) src(%dma_wait3A_100 : memref<128x128xf32, #tpu.memory_space<vmem_shared>>) dst(%dma_wait3A_98 : memref<128x128xf32, #tpu.memory_space<hbm>>)
      tpu.yield
    }) : () -> ()
    %add3A_87 = arith.constant 256 : i32
    %add3A_88 = arith.addi %mul3A_8, %add3A_87 : i32
    "tpu.region"() ({
      %run_scoped3A = tpu.sem_alloc : memref<!tpu.dma_semaphore, #tpu.memory_space<semaphore_mem>>
      %dma_start3A = arith.constant 0 : i32
      %dma_start3A_93 = tpu.memref_slice %arg3[%arg0, %add3A_88, %dma_start3A] : memref<2x10240x128xf32, #tpu.memory_space<hbm>> -> memref<1x128x128xf32, #tpu.memory_space<hbm>>
      %dma_start3A_94 = tpu.memref_squeeze %dma_start3A_93 : memref<1x128x128xf32, #tpu.memory_space<hbm>> -> memref<128x128xf32, #tpu.memory_space<hbm>>
      %dma_start3A_95 = arith.constant 0 : i32
      %dma_start3A_96 = tpu.memref_slice %arg4[%add3A_88, %dma_start3A_95] : memref<10240x128xf32, #tpu.memory_space<vmem_shared>> -> memref<128x128xf32, #tpu.memory_space<vmem_shared>>
      tpu.enqueue_dma source(%dma_start3A_96 : memref<128x128xf32, #tpu.memory_space<vmem_shared>>) target(%dma_start3A_94 : memref<128x128xf32, #tpu.memory_space<hbm>>) target_semaphore(%run_scoped3A : memref<!tpu.dma_semaphore, #tpu.memory_space<semaphore_mem>>)
      %dma_wait3A = arith.constant 0 : i32
      %dma_wait3A_97 = tpu.memref_slice %arg3[%arg0, %add3A_88, %dma_wait3A] : memref<2x10240x128xf32, #tpu.memory_space<hbm>> -> memref<1x128x128xf32, #tpu.memory_space<hbm>>
      %dma_wait3A_98 = tpu.memref_squeeze %dma_wait3A_97 : memref<1x128x128xf32, #tpu.memory_space<hbm>> -> memref<128x128xf32, #tpu.memory_space<hbm>>
      %dma_wait3A_99 = arith.constant 0 : i32
      %dma_wait3A_100 = tpu.memref_slice %arg4[%add3A_88, %dma_wait3A_99] : memref<10240x128xf32, #tpu.memory_space<vmem_shared>> -> memref<128x128xf32, #tpu.memory_space<vmem_shared>>
      tpu.wait_dma2 semaphore(%run_scoped3A : memref<!tpu.dma_semaphore, #tpu.memory_space<semaphore_mem>>) src(%dma_wait3A_100 : memref<128x128xf32, #tpu.memory_space<vmem_shared>>) dst(%dma_wait3A_98 : memref<128x128xf32, #tpu.memory_space<hbm>>)
      tpu.yield
    }) : () -> ()
    %add3A_89 = arith.constant 384 : i32
    %add3A_90 = arith.addi %mul3A_8, %add3A_89 : i32
    "tpu.region"() ({
      %run_scoped3A = tpu.sem_alloc : memref<!tpu.dma_semaphore, #tpu.memory_space<semaphore_mem>>
      %dma_start3A = arith.constant 0 : i32
      %dma_start3A_93 = tpu.memref_slice %arg3[%arg0, %add3A_90, %dma_start3A] : memref<2x10240x128xf32, #tpu.memory_space<hbm>> -> memref<1x128x128xf32, #tpu.memory_space<hbm>>
      %dma_start3A_94 = tpu.memref_squeeze %dma_start3A_93 : memref<1x128x128xf32, #tpu.memory_space<hbm>> -> memref<128x128xf32, #tpu.memory_space<hbm>>
      %dma_start3A_95 = arith.constant 0 : i32
      %dma_start3A_96 = tpu.memref_slice %arg4[%add3A_90, %dma_start3A_95] : memref<10240x128xf32, #tpu.memory_space<vmem_shared>> -> memref<128x128xf32, #tpu.memory_space<vmem_shared>>
      tpu.enqueue_dma source(%dma_start3A_96 : memref<128x128xf32, #tpu.memory_space<vmem_shared>>) target(%dma_start3A_94 : memref<128x128xf32, #tpu.memory_space<hbm>>) target_semaphore(%run_scoped3A : memref<!tpu.dma_semaphore, #tpu.memory_space<semaphore_mem>>)
      %dma_wait3A = arith.constant 0 : i32
      %dma_wait3A_97 = tpu.memref_slice %arg3[%arg0, %add3A_90, %dma_wait3A] : memref<2x10240x128xf32, #tpu.memory_space<hbm>> -> memref<1x128x128xf32, #tpu.memory_space<hbm>>
      %dma_wait3A_98 = tpu.memref_squeeze %dma_wait3A_97 : memref<1x128x128xf32, #tpu.memory_space<hbm>> -> memref<128x128xf32, #tpu.memory_space<hbm>>
      %dma_wait3A_99 = arith.constant 0 : i32
      %dma_wait3A_100 = tpu.memref_slice %arg4[%add3A_90, %dma_wait3A_99] : memref<10240x128xf32, #tpu.memory_space<vmem_shared>> -> memref<128x128xf32, #tpu.memory_space<vmem_shared>>
      tpu.wait_dma2 semaphore(%run_scoped3A : memref<!tpu.dma_semaphore, #tpu.memory_space<semaphore_mem>>) src(%dma_wait3A_100 : memref<128x128xf32, #tpu.memory_space<vmem_shared>>) dst(%dma_wait3A_98 : memref<128x128xf32, #tpu.memory_space<hbm>>)
      tpu.yield
    }) : () -> ()
    %add3A_91 = arith.constant 512 : i32
    %add3A_92 = arith.addi %mul3A_8, %add3A_91 : i32
    "tpu.region"() ({
      %run_scoped3A = tpu.sem_alloc : memref<!tpu.dma_semaphore, #tpu.memory_space<semaphore_mem>>
      %dma_start3A = arith.constant 0 : i32
      %dma_start3A_93 = tpu.memref_slice %arg3[%arg0, %add3A_92, %dma_start3A] : memref<2x10240x128xf32, #tpu.memory_space<hbm>> -> memref<1x128x128xf32, #tpu.memory_space<hbm>>
      %dma_start3A_94 = tpu.memref_squeeze %dma_start3A_93 : memref<1x128x128xf32, #tpu.memory_space<hbm>> -> memref<128x128xf32, #tpu.memory_space<hbm>>
      %dma_start3A_95 = arith.constant 0 : i32
      %dma_start3A_96 = tpu.memref_slice %arg4[%add3A_92, %dma_start3A_95] : memref<10240x128xf32, #tpu.memory_space<vmem_shared>> -> memref<128x128xf32, #tpu.memory_space<vmem_shared>>
      tpu.enqueue_dma source(%dma_start3A_96 : memref<128x128xf32, #tpu.memory_space<vmem_shared>>) target(%dma_start3A_94 : memref<128x128xf32, #tpu.memory_space<hbm>>) target_semaphore(%run_scoped3A : memref<!tpu.dma_semaphore, #tpu.memory_space<semaphore_mem>>)
      %dma_wait3A = arith.constant 0 : i32
      %dma_wait3A_97 = tpu.memref_slice %arg3[%arg0, %add3A_92, %dma_wait3A] : memref<2x10240x128xf32, #tpu.memory_space<hbm>> -> memref<1x128x128xf32, #tpu.memory_space<hbm>>
      %dma_wait3A_98 = tpu.memref_squeeze %dma_wait3A_97 : memref<1x128x128xf32, #tpu.memory_space<hbm>> -> memref<128x128xf32, #tpu.memory_space<hbm>>
      %dma_wait3A_99 = arith.constant 0 : i32
      %dma_wait3A_100 = tpu.memref_slice %arg4[%add3A_92, %dma_wait3A_99] : memref<10240x128xf32, #tpu.memory_space<vmem_shared>> -> memref<128x128xf32, #tpu.memory_space<vmem_shared>>
      tpu.wait_dma2 semaphore(%run_scoped3A : memref<!tpu.dma_semaphore, #tpu.memory_space<semaphore_mem>>) src(%dma_wait3A_100 : memref<128x128xf32, #tpu.memory_space<vmem_shared>>) dst(%dma_wait3A_98 : memref<128x128xf32, #tpu.memory_space<hbm>>)
      tpu.yield
    }) : () -> ()
    return
  }
}

#map = affine_map<(d0, d1) -> (0, 0)>
module attributes {stable_mosaic.version = 14 : i64} {
  func.func @_decode_body(%arg0: i32, %arg1: i32, %arg2: memref<1568x128xi32, #tpu.memory_space<hbm>>, %arg3: memref<1568x128xi32, #tpu.memory_space<hbm>>, %arg4: memref<10000x128xf32, #tpu.memory_space<hbm>>, %arg5: memref<200704x16xf32, #tpu.memory_space<hbm>>, %arg6: memref<128xi32, #tpu.memory_space<vmem>>, %arg7: memref<128xi32, #tpu.memory_space<vmem>>, %arg8: memref<128x128xf32, #tpu.memory_space<vmem>>, %arg9: memref<128x128xf32, #tpu.memory_space<vmem>>, %arg10: memref<128x16xf32, #tpu.memory_space<vmem>>, %arg11: memref<!tpu.dma_semaphore, #tpu.memory_space<semaphore_mem>>) attributes {dimension_semantics = [#tpu.dimension_semantics<core_parallel>, #tpu.dimension_semantics<subcore_parallel>], iteration_bounds = array<i64: 2, 16>, scalar_prefetch = 0 : i64, scratch_operands = 6 : i64, tpu.core_type = #tpu.core_type<sc_vector_subcore>, window_params = [{transform_indices = #map}, {transform_indices = #map}, {transform_indices = #map}, {transform_indices = #map}]} {
    %mul3A = arith.constant 16 : i32
    %mul3A_0 = arith.muli %arg0, %mul3A : i32
    %add3A = arith.addi %mul3A_0, %arg1 : i32
    %scan3A = arith.constant 0 : i32
    %scan3A_1 = arith.constant 0 : i32
    %scan3A_2 = arith.constant 49 : i32
    %scan3A_3 = arith.addi %scan3A_1, %scan3A_2 : i32
    %scan3A_4 = arith.constant 1 : i32
    %scan3A_5 = scf.for %scan3A_7 = %scan3A_1 to %scan3A_3 step %scan3A_4 iter_args(%scan3A_8 = %scan3A) -> (i32)  : i32 {
      %mul3A_9 = arith.constant 49 : i32
      %mul3A_10 = arith.muli %add3A, %mul3A_9 : i32
      %add3A_11 = arith.addi %mul3A_10, %scan3A_7 : i32
      "tpu.region"() ({
        %run_scoped3A = tpu.sem_alloc : memref<!tpu.dma_semaphore, #tpu.memory_space<semaphore_mem>>
        %dma_start3A_32 = arith.constant 0 : i32
        %dma_start3A_33 = tpu.memref_slice %arg2[%add3A_11, %dma_start3A_32] : memref<1568x128xi32, #tpu.memory_space<hbm>> -> memref<1x128xi32, #tpu.memory_space<hbm>>
        %dma_start3A_34 = tpu.memref_squeeze %dma_start3A_33 : memref<1x128xi32, #tpu.memory_space<hbm>> -> memref<128xi32, #tpu.memory_space<hbm>>
        %dma_start3A_35 = arith.constant 0 : i32
        %dma_start3A_36 = tpu.memref_slice %arg2[%add3A_11, %dma_start3A_35] : memref<1568x128xi32, #tpu.memory_space<hbm>> -> memref<1x128xi32, #tpu.memory_space<hbm>>
        %dma_start3A_37 = tpu.memref_squeeze %dma_start3A_36 : memref<1x128xi32, #tpu.memory_space<hbm>> -> memref<128xi32, #tpu.memory_space<hbm>>
        tpu.enqueue_dma source(%dma_start3A_37 : memref<128xi32, #tpu.memory_space<hbm>>) target(%arg6 : memref<128xi32, #tpu.memory_space<vmem>>) target_semaphore(%run_scoped3A : memref<!tpu.dma_semaphore, #tpu.memory_space<semaphore_mem>>)
        %dma_wait3A_38 = arith.constant 0 : i32
        %dma_wait3A_39 = tpu.memref_slice %arg2[%add3A_11, %dma_wait3A_38] : memref<1568x128xi32, #tpu.memory_space<hbm>> -> memref<1x128xi32, #tpu.memory_space<hbm>>
        %dma_wait3A_40 = tpu.memref_squeeze %dma_wait3A_39 : memref<1x128xi32, #tpu.memory_space<hbm>> -> memref<128xi32, #tpu.memory_space<hbm>>
        %dma_wait3A_41 = arith.constant 0 : i32
        %dma_wait3A_42 = tpu.memref_slice %arg2[%add3A_11, %dma_wait3A_41] : memref<1568x128xi32, #tpu.memory_space<hbm>> -> memref<1x128xi32, #tpu.memory_space<hbm>>
        %dma_wait3A_43 = tpu.memref_squeeze %dma_wait3A_42 : memref<1x128xi32, #tpu.memory_space<hbm>> -> memref<128xi32, #tpu.memory_space<hbm>>
        tpu.wait_dma2 semaphore(%run_scoped3A : memref<!tpu.dma_semaphore, #tpu.memory_space<semaphore_mem>>) src(%dma_wait3A_43 : memref<128xi32, #tpu.memory_space<hbm>>) dst(%arg6 : memref<128xi32, #tpu.memory_space<vmem>>)
        tpu.yield
      }) : () -> ()
      "tpu.region"() ({
        %run_scoped3A = tpu.sem_alloc : memref<!tpu.dma_semaphore, #tpu.memory_space<semaphore_mem>>
        %dma_start3A_32 = arith.constant 0 : i32
        %dma_start3A_33 = tpu.memref_slice %arg3[%add3A_11, %dma_start3A_32] : memref<1568x128xi32, #tpu.memory_space<hbm>> -> memref<1x128xi32, #tpu.memory_space<hbm>>
        %dma_start3A_34 = tpu.memref_squeeze %dma_start3A_33 : memref<1x128xi32, #tpu.memory_space<hbm>> -> memref<128xi32, #tpu.memory_space<hbm>>
        %dma_start3A_35 = arith.constant 0 : i32
        %dma_start3A_36 = tpu.memref_slice %arg3[%add3A_11, %dma_start3A_35] : memref<1568x128xi32, #tpu.memory_space<hbm>> -> memref<1x128xi32, #tpu.memory_space<hbm>>
        %dma_start3A_37 = tpu.memref_squeeze %dma_start3A_36 : memref<1x128xi32, #tpu.memory_space<hbm>> -> memref<128xi32, #tpu.memory_space<hbm>>
        tpu.enqueue_dma source(%dma_start3A_37 : memref<128xi32, #tpu.memory_space<hbm>>) target(%arg7 : memref<128xi32, #tpu.memory_space<vmem>>) target_semaphore(%run_scoped3A : memref<!tpu.dma_semaphore, #tpu.memory_space<semaphore_mem>>)
        %dma_wait3A_38 = arith.constant 0 : i32
        %dma_wait3A_39 = tpu.memref_slice %arg3[%add3A_11, %dma_wait3A_38] : memref<1568x128xi32, #tpu.memory_space<hbm>> -> memref<1x128xi32, #tpu.memory_space<hbm>>
        %dma_wait3A_40 = tpu.memref_squeeze %dma_wait3A_39 : memref<1x128xi32, #tpu.memory_space<hbm>> -> memref<128xi32, #tpu.memory_space<hbm>>
        %dma_wait3A_41 = arith.constant 0 : i32
        %dma_wait3A_42 = tpu.memref_slice %arg3[%add3A_11, %dma_wait3A_41] : memref<1568x128xi32, #tpu.memory_space<hbm>> -> memref<1x128xi32, #tpu.memory_space<hbm>>
        %dma_wait3A_43 = tpu.memref_squeeze %dma_wait3A_42 : memref<1x128xi32, #tpu.memory_space<hbm>> -> memref<128xi32, #tpu.memory_space<hbm>>
        tpu.wait_dma2 semaphore(%run_scoped3A : memref<!tpu.dma_semaphore, #tpu.memory_space<semaphore_mem>>) src(%dma_wait3A_43 : memref<128xi32, #tpu.memory_space<hbm>>) dst(%arg7 : memref<128xi32, #tpu.memory_space<vmem>>)
        tpu.yield
      }) : () -> ()
      %dma_start3A = arith.constant 0 : i32
      %dma_start3A_12 = arith.constant 0 : i32
      %dma_start3A_13 = tpu.memref_slice %arg4[%dma_start3A, %dma_start3A_12] : memref<10000x128xf32, #tpu.memory_space<hbm>> -> memref<10000x128xf32, #tpu.memory_space<hbm>>
      tpu.enqueue_indirect_dma source(%dma_start3A_13 : memref<10000x128xf32, #tpu.memory_space<hbm>>) target(%arg8 : memref<128x128xf32, #tpu.memory_space<vmem>>) offsets(%arg6 : memref<128xi32, #tpu.memory_space<vmem>>) semaphore(%arg11 : memref<!tpu.dma_semaphore, #tpu.memory_space<semaphore_mem>>)
      %dma_start3A_14 = arith.constant 0 : i32
      %dma_start3A_15 = arith.constant 0 : i32
      %dma_start3A_16 = tpu.memref_slice %arg4[%dma_start3A_14, %dma_start3A_15] : memref<10000x128xf32, #tpu.memory_space<hbm>> -> memref<10000x128xf32, #tpu.memory_space<hbm>>
      tpu.enqueue_indirect_dma source(%dma_start3A_16 : memref<10000x128xf32, #tpu.memory_space<hbm>>) target(%arg9 : memref<128x128xf32, #tpu.memory_space<vmem>>) offsets(%arg7 : memref<128xi32, #tpu.memory_space<vmem>>) semaphore(%arg11 : memref<!tpu.dma_semaphore, #tpu.memory_space<semaphore_mem>>)
      %dma_wait3A = arith.constant 0 : i32
      %dma_wait3A_17 = arith.constant 0 : i32
      %dma_wait3A_18 = tpu.memref_slice %arg4[%dma_wait3A, %dma_wait3A_17] : memref<10000x128xf32, #tpu.memory_space<hbm>> -> memref<10000x128xf32, #tpu.memory_space<hbm>>
      tpu.wait_indirect_dma semaphore(%arg11 : memref<!tpu.dma_semaphore, #tpu.memory_space<semaphore_mem>>) src(%dma_wait3A_18 : memref<10000x128xf32, #tpu.memory_space<hbm>>) dst(%arg8 : memref<128x128xf32, #tpu.memory_space<vmem>>)
      %dma_wait3A_19 = arith.constant 0 : i32
      %dma_wait3A_20 = arith.constant 0 : i32
      %dma_wait3A_21 = tpu.memref_slice %arg4[%dma_wait3A_19, %dma_wait3A_20] : memref<10000x128xf32, #tpu.memory_space<hbm>> -> memref<10000x128xf32, #tpu.memory_space<hbm>>
      tpu.wait_indirect_dma semaphore(%arg11 : memref<!tpu.dma_semaphore, #tpu.memory_space<semaphore_mem>>) src(%dma_wait3A_21 : memref<10000x128xf32, #tpu.memory_space<hbm>>) dst(%arg9 : memref<128x128xf32, #tpu.memory_space<vmem>>)
      %scan3A_22 = arith.constant 0 : i32
      %scan3A_23 = arith.constant 0 : i32
      %scan3A_24 = arith.constant 128 : i32
      %scan3A_25 = arith.addi %scan3A_23, %scan3A_24 : i32
      %scan3A_26 = arith.constant 1 : i32
      %scan3A_27 = scf.for %scan3A_32 = %scan3A_23 to %scan3A_25 step %scan3A_26 iter_args(%scan3A_33 = %scan3A_22) -> (i32)  : i32 {
        %broadcast_in_dim3A = arith.constant 0.000000e+00 : f32
        %broadcast_in_dim3A_34 = vector.broadcast %broadcast_in_dim3A : f32 to vector<16xf32>
        %get3A = arith.index_cast %scan3A_32 : i32 to index
        %get3A_35 = arith.constant 0 : index
        %get3A_36 = tpu.vector_load %arg8[%get3A, %get3A_35] {strides = array<i32>} : memref<128x128xf32, #tpu.memory_space<vmem>>, vector<1x16xf32>,
        %get3A_37 = vector.shape_cast %get3A_36 : vector<1x16xf32> to vector<16xf32>
        %get3A_38 = arith.index_cast %scan3A_32 : i32 to index
        %get3A_39 = arith.constant 0 : index
        %get3A_40 = tpu.vector_load %arg9[%get3A_38, %get3A_39] {strides = array<i32>} : memref<128x128xf32, #tpu.memory_space<vmem>>, vector<1x16xf32>,
        %get3A_41 = vector.shape_cast %get3A_40 : vector<1x16xf32> to vector<16xf32>
        %mul3A_42 = arith.mulf %get3A_37, %get3A_41 : vector<16xf32>
        %add3A_43 = arith.addf %broadcast_in_dim3A_34, %mul3A_42 : vector<16xf32>
        %get3A_44 = arith.index_cast %scan3A_32 : i32 to index
        %get3A_45 = arith.constant 16 : index
        %get3A_46 = tpu.vector_load %arg8[%get3A_44, %get3A_45] {strides = array<i32>} : memref<128x128xf32, #tpu.memory_space<vmem>>, vector<1x16xf32>,
        %get3A_47 = vector.shape_cast %get3A_46 : vector<1x16xf32> to vector<16xf32>
        %get3A_48 = arith.index_cast %scan3A_32 : i32 to index
        %get3A_49 = arith.constant 16 : index
        %get3A_50 = tpu.vector_load %arg9[%get3A_48, %get3A_49] {strides = array<i32>} : memref<128x128xf32, #tpu.memory_space<vmem>>, vector<1x16xf32>,
        %get3A_51 = vector.shape_cast %get3A_50 : vector<1x16xf32> to vector<16xf32>
        %mul3A_52 = arith.mulf %get3A_47, %get3A_51 : vector<16xf32>
        %add3A_53 = arith.addf %add3A_43, %mul3A_52 : vector<16xf32>
        %get3A_54 = arith.index_cast %scan3A_32 : i32 to index
        %get3A_55 = arith.constant 32 : index
        %get3A_56 = tpu.vector_load %arg8[%get3A_54, %get3A_55] {strides = array<i32>} : memref<128x128xf32, #tpu.memory_space<vmem>>, vector<1x16xf32>,
        %get3A_57 = vector.shape_cast %get3A_56 : vector<1x16xf32> to vector<16xf32>
        %get3A_58 = arith.index_cast %scan3A_32 : i32 to index
        %get3A_59 = arith.constant 32 : index
        %get3A_60 = tpu.vector_load %arg9[%get3A_58, %get3A_59] {strides = array<i32>} : memref<128x128xf32, #tpu.memory_space<vmem>>, vector<1x16xf32>,
        %get3A_61 = vector.shape_cast %get3A_60 : vector<1x16xf32> to vector<16xf32>
        %mul3A_62 = arith.mulf %get3A_57, %get3A_61 : vector<16xf32>
        %add3A_63 = arith.addf %add3A_53, %mul3A_62 : vector<16xf32>
        %get3A_64 = arith.index_cast %scan3A_32 : i32 to index
        %get3A_65 = arith.constant 48 : index
        %get3A_66 = tpu.vector_load %arg8[%get3A_64, %get3A_65] {strides = array<i32>} : memref<128x128xf32, #tpu.memory_space<vmem>>, vector<1x16xf32>,
        %get3A_67 = vector.shape_cast %get3A_66 : vector<1x16xf32> to vector<16xf32>
        %get3A_68 = arith.index_cast %scan3A_32 : i32 to index
        %get3A_69 = arith.constant 48 : index
        %get3A_70 = tpu.vector_load %arg9[%get3A_68, %get3A_69] {strides = array<i32>} : memref<128x128xf32, #tpu.memory_space<vmem>>, vector<1x16xf32>,
        %get3A_71 = vector.shape_cast %get3A_70 : vector<1x16xf32> to vector<16xf32>
        %mul3A_72 = arith.mulf %get3A_67, %get3A_71 : vector<16xf32>
        %add3A_73 = arith.addf %add3A_63, %mul3A_72 : vector<16xf32>
        %get3A_74 = arith.index_cast %scan3A_32 : i32 to index
        %get3A_75 = arith.constant 64 : index
        %get3A_76 = tpu.vector_load %arg8[%get3A_74, %get3A_75] {strides = array<i32>} : memref<128x128xf32, #tpu.memory_space<vmem>>, vector<1x16xf32>,
        %get3A_77 = vector.shape_cast %get3A_76 : vector<1x16xf32> to vector<16xf32>
        %get3A_78 = arith.index_cast %scan3A_32 : i32 to index
        %get3A_79 = arith.constant 64 : index
        %get3A_80 = tpu.vector_load %arg9[%get3A_78, %get3A_79] {strides = array<i32>} : memref<128x128xf32, #tpu.memory_space<vmem>>, vector<1x16xf32>,
        %get3A_81 = vector.shape_cast %get3A_80 : vector<1x16xf32> to vector<16xf32>
        %mul3A_82 = arith.mulf %get3A_77, %get3A_81 : vector<16xf32>
        %add3A_83 = arith.addf %add3A_73, %mul3A_82 : vector<16xf32>
        %get3A_84 = arith.index_cast %scan3A_32 : i32 to index
        %get3A_85 = arith.constant 80 : index
        %get3A_86 = tpu.vector_load %arg8[%get3A_84, %get3A_85] {strides = array<i32>} : memref<128x128xf32, #tpu.memory_space<vmem>>, vector<1x16xf32>,
        %get3A_87 = vector.shape_cast %get3A_86 : vector<1x16xf32> to vector<16xf32>
        %get3A_88 = arith.index_cast %scan3A_32 : i32 to index
        %get3A_89 = arith.constant 80 : index
        %get3A_90 = tpu.vector_load %arg9[%get3A_88, %get3A_89] {strides = array<i32>} : memref<128x128xf32, #tpu.memory_space<vmem>>, vector<1x16xf32>,
        %get3A_91 = vector.shape_cast %get3A_90 : vector<1x16xf32> to vector<16xf32>
        %mul3A_92 = arith.mulf %get3A_87, %get3A_91 : vector<16xf32>
        %add3A_93 = arith.addf %add3A_83, %mul3A_92 : vector<16xf32>
        %get3A_94 = arith.index_cast %scan3A_32 : i32 to index
        %get3A_95 = arith.constant 96 : index
        %get3A_96 = tpu.vector_load %arg8[%get3A_94, %get3A_95] {strides = array<i32>} : memref<128x128xf32, #tpu.memory_space<vmem>>, vector<1x16xf32>,
        %get3A_97 = vector.shape_cast %get3A_96 : vector<1x16xf32> to vector<16xf32>
        %get3A_98 = arith.index_cast %scan3A_32 : i32 to index
        %get3A_99 = arith.constant 96 : index
        %get3A_100 = tpu.vector_load %arg9[%get3A_98, %get3A_99] {strides = array<i32>} : memref<128x128xf32, #tpu.memory_space<vmem>>, vector<1x16xf32>,
        %get3A_101 = vector.shape_cast %get3A_100 : vector<1x16xf32> to vector<16xf32>
        %mul3A_102 = arith.mulf %get3A_97, %get3A_101 : vector<16xf32>
        %add3A_103 = arith.addf %add3A_93, %mul3A_102 : vector<16xf32>
        %get3A_104 = arith.index_cast %scan3A_32 : i32 to index
        %get3A_105 = arith.constant 112 : index
        %get3A_106 = tpu.vector_load %arg8[%get3A_104, %get3A_105] {strides = array<i32>} : memref<128x128xf32, #tpu.memory_space<vmem>>, vector<1x16xf32>,
        %get3A_107 = vector.shape_cast %get3A_106 : vector<1x16xf32> to vector<16xf32>
        %get3A_108 = arith.index_cast %scan3A_32 : i32 to index
        %get3A_109 = arith.constant 112 : index
        %get3A_110 = tpu.vector_load %arg9[%get3A_108, %get3A_109] {strides = array<i32>} : memref<128x128xf32, #tpu.memory_space<vmem>>, vector<1x16xf32>,
        %get3A_111 = vector.shape_cast %get3A_110 : vector<1x16xf32> to vector<16xf32>
        %mul3A_112 = arith.mulf %get3A_107, %get3A_111 : vector<16xf32>
        %add3A_113 = arith.addf %add3A_103, %mul3A_112 : vector<16xf32>
        %swap3A = arith.index_cast %scan3A_32 : i32 to index
        %swap3A_114 = arith.constant 0 : index
        %swap3A_115 = tpu.vector_load %arg10[%swap3A, %swap3A_114] {strides = array<i32>} : memref<128x16xf32, #tpu.memory_space<vmem>>, vector<1x16xf32>,
        %swap3A_116 = vector.shape_cast %swap3A_115 : vector<1x16xf32> to vector<16xf32>
        %swap3A_117 = vector.shape_cast %add3A_113 : vector<16xf32> to vector<1x16xf32>
        tpu.vector_store %arg10[%swap3A, %swap3A_114], %swap3A_117 {strides = array<i32>} : memref<128x16xf32, #tpu.memory_space<vmem>>, vector<1x16xf32>,
        %scan3A_118 = arith.constant 0 : i32
        scf.yield %scan3A_118 : i32
      }
      %scan3A_28 = arith.constant 128 : i32
      %mul3A_29 = arith.constant 128 : i32
      %mul3A_30 = arith.muli %add3A_11, %mul3A_29 : i32
      "tpu.region"() ({
        %run_scoped3A = tpu.sem_alloc : memref<!tpu.dma_semaphore, #tpu.memory_space<semaphore_mem>>
        %dma_start3A_32 = arith.constant 0 : i32
        %dma_start3A_33 = tpu.memref_slice %arg5[%mul3A_30, %dma_start3A_32] : memref<200704x16xf32, #tpu.memory_space<hbm>> -> memref<128x16xf32, #tpu.memory_space<hbm>>
        %dma_start3A_34 = arith.constant 0 : i32
        %dma_start3A_35 = tpu.memref_slice %arg5[%mul3A_30, %dma_start3A_34] : memref<200704x16xf32, #tpu.memory_space<hbm>> -> memref<128x16xf32, #tpu.memory_space<hbm>>
        tpu.enqueue_dma source(%arg10 : memref<128x16xf32, #tpu.memory_space<vmem>>) target(%dma_start3A_35 : memref<128x16xf32, #tpu.memory_space<hbm>>) target_semaphore(%run_scoped3A : memref<!tpu.dma_semaphore, #tpu.memory_space<semaphore_mem>>)
        %dma_wait3A_36 = arith.constant 0 : i32
        %dma_wait3A_37 = tpu.memref_slice %arg5[%mul3A_30, %dma_wait3A_36] : memref<200704x16xf32, #tpu.memory_space<hbm>> -> memref<128x16xf32, #tpu.memory_space<hbm>>
        %dma_wait3A_38 = arith.constant 0 : i32
        %dma_wait3A_39 = tpu.memref_slice %arg5[%mul3A_30, %dma_wait3A_38] : memref<200704x16xf32, #tpu.memory_space<hbm>> -> memref<128x16xf32, #tpu.memory_space<hbm>>
        tpu.wait_dma2 semaphore(%run_scoped3A : memref<!tpu.dma_semaphore, #tpu.memory_space<semaphore_mem>>) src(%arg10 : memref<128x16xf32, #tpu.memory_space<vmem>>) dst(%dma_wait3A_39 : memref<128x16xf32, #tpu.memory_space<hbm>>)
        tpu.yield
      }) : () -> ()
      %scan3A_31 = arith.constant 0 : i32
      scf.yield %scan3A_31 : i32
    }
    %scan3A_6 = arith.constant 49 : i32
    return
  }
}

#map = affine_map<(d0, d1) -> (0, 0)>
#map1 = affine_map<(d0, d1) -> (0, 0, 0)>
module attributes {stable_mosaic.version = 14 : i64} {
  func.func @_agg_body(%arg0: i32, %arg1: i32, %arg2: memref<2500x128xi32, #tpu.memory_space<hbm>>, %arg3: memref<2500x128xi32, #tpu.memory_space<hbm>>, %arg4: memref<10000x128xf32, #tpu.memory_space<hbm>>, %arg5: memref<2x10240x128xf32, #tpu.memory_space<hbm>>, %arg6: memref<10240x128xf32, #tpu.memory_space<vmem_shared>>, %arg7: memref<128xi32, #tpu.memory_space<vmem>>, %arg8: memref<128xi32, #tpu.memory_space<vmem>>, %arg9: memref<128x128xf32, #tpu.memory_space<vmem>>, %arg10: memref<!tpu.dma_semaphore, #tpu.memory_space<semaphore_mem>>) attributes {dimension_semantics = [#tpu.dimension_semantics<core_parallel>, #tpu.dimension_semantics<subcore_parallel>], iteration_bounds = array<i64: 2, 16>, scalar_prefetch = 0 : i64, scratch_operands = 5 : i64, tpu.core_type = #tpu.core_type<sc_vector_subcore>, window_params = [{transform_indices = #map}, {transform_indices = #map}, {transform_indices = #map}, {transform_indices = #map1}]} {
    %mul3A = arith.constant 16 : i32
    %mul3A_0 = arith.muli %arg0, %mul3A : i32
    %add3A = arith.addi %mul3A_0, %arg1 : i32
    %scan3A = arith.constant 0 : i32
    %scan3A_1 = arith.constant 0 : i32
    %scan3A_2 = arith.constant 128 : i32
    %scan3A_3 = arith.addi %scan3A_1, %scan3A_2 : i32
    %scan3A_4 = arith.constant 1 : i32
    %scan3A_5 = scf.for %scan3A_86 = %scan3A_1 to %scan3A_3 step %scan3A_4 iter_args(%scan3A_87 = %scan3A) -> (i32)  : i32 {
      %broadcast_in_dim3A = arith.constant 0.000000e+00 : f32
      %broadcast_in_dim3A_88 = vector.broadcast %broadcast_in_dim3A : f32 to vector<16xf32>
      %swap3A = arith.index_cast %scan3A_86 : i32 to index
      %swap3A_89 = arith.constant 0 : index
      %swap3A_90 = tpu.vector_load %arg9[%swap3A, %swap3A_89] {strides = array<i32>} : memref<128x128xf32, #tpu.memory_space<vmem>>, vector<1x16xf32>,
      %swap3A_91 = vector.shape_cast %swap3A_90 : vector<1x16xf32> to vector<16xf32>
      %swap3A_92 = vector.shape_cast %broadcast_in_dim3A_88 : vector<16xf32> to vector<1x16xf32>
      tpu.vector_store %arg9[%swap3A, %swap3A_89], %swap3A_92 {strides = array<i32>} : memref<128x128xf32, #tpu.memory_space<vmem>>, vector<1x16xf32>,
      %broadcast_in_dim3A_93 = arith.constant 0.000000e+00 : f32
      %broadcast_in_dim3A_94 = vector.broadcast %broadcast_in_dim3A_93 : f32 to vector<16xf32>
      %swap3A_95 = arith.index_cast %scan3A_86 : i32 to index
      %swap3A_96 = arith.constant 16 : index
      %swap3A_97 = tpu.vector_load %arg9[%swap3A_95, %swap3A_96] {strides = array<i32>} : memref<128x128xf32, #tpu.memory_space<vmem>>, vector<1x16xf32>,
      %swap3A_98 = vector.shape_cast %swap3A_97 : vector<1x16xf32> to vector<16xf32>
      %swap3A_99 = vector.shape_cast %broadcast_in_dim3A_94 : vector<16xf32> to vector<1x16xf32>
      tpu.vector_store %arg9[%swap3A_95, %swap3A_96], %swap3A_99 {strides = array<i32>} : memref<128x128xf32, #tpu.memory_space<vmem>>, vector<1x16xf32>,
      %broadcast_in_dim3A_100 = arith.constant 0.000000e+00 : f32
      %broadcast_in_dim3A_101 = vector.broadcast %broadcast_in_dim3A_100 : f32 to vector<16xf32>
      %swap3A_102 = arith.index_cast %scan3A_86 : i32 to index
      %swap3A_103 = arith.constant 32 : index
      %swap3A_104 = tpu.vector_load %arg9[%swap3A_102, %swap3A_103] {strides = array<i32>} : memref<128x128xf32, #tpu.memory_space<vmem>>, vector<1x16xf32>,
      %swap3A_105 = vector.shape_cast %swap3A_104 : vector<1x16xf32> to vector<16xf32>
      %swap3A_106 = vector.shape_cast %broadcast_in_dim3A_101 : vector<16xf32> to vector<1x16xf32>
      tpu.vector_store %arg9[%swap3A_102, %swap3A_103], %swap3A_106 {strides = array<i32>} : memref<128x128xf32, #tpu.memory_space<vmem>>, vector<1x16xf32>,
      %broadcast_in_dim3A_107 = arith.constant 0.000000e+00 : f32
      %broadcast_in_dim3A_108 = vector.broadcast %broadcast_in_dim3A_107 : f32 to vector<16xf32>
      %swap3A_109 = arith.index_cast %scan3A_86 : i32 to index
      %swap3A_110 = arith.constant 48 : index
      %swap3A_111 = tpu.vector_load %arg9[%swap3A_109, %swap3A_110] {strides = array<i32>} : memref<128x128xf32, #tpu.memory_space<vmem>>, vector<1x16xf32>,
      %swap3A_112 = vector.shape_cast %swap3A_111 : vector<1x16xf32> to vector<16xf32>
      %swap3A_113 = vector.shape_cast %broadcast_in_dim3A_108 : vector<16xf32> to vector<1x16xf32>
      tpu.vector_store %arg9[%swap3A_109, %swap3A_110], %swap3A_113 {strides = array<i32>} : memref<128x128xf32, #tpu.memory_space<vmem>>, vector<1x16xf32>,
      %broadcast_in_dim3A_114 = arith.constant 0.000000e+00 : f32
      %broadcast_in_dim3A_115 = vector.broadcast %broadcast_in_dim3A_114 : f32 to vector<16xf32>
      %swap3A_116 = arith.index_cast %scan3A_86 : i32 to index
      %swap3A_117 = arith.constant 64 : index
      %swap3A_118 = tpu.vector_load %arg9[%swap3A_116, %swap3A_117] {strides = array<i32>} : memref<128x128xf32, #tpu.memory_space<vmem>>, vector<1x16xf32>,
      %swap3A_119 = vector.shape_cast %swap3A_118 : vector<1x16xf32> to vector<16xf32>
      %swap3A_120 = vector.shape_cast %broadcast_in_dim3A_115 : vector<16xf32> to vector<1x16xf32>
      tpu.vector_store %arg9[%swap3A_116, %swap3A_117], %swap3A_120 {strides = array<i32>} : memref<128x128xf32, #tpu.memory_space<vmem>>, vector<1x16xf32>,
      %broadcast_in_dim3A_121 = arith.constant 0.000000e+00 : f32
      %broadcast_in_dim3A_122 = vector.broadcast %broadcast_in_dim3A_121 : f32 to vector<16xf32>
      %swap3A_123 = arith.index_cast %scan3A_86 : i32 to index
      %swap3A_124 = arith.constant 80 : index
      %swap3A_125 = tpu.vector_load %arg9[%swap3A_123, %swap3A_124] {strides = array<i32>} : memref<128x128xf32, #tpu.memory_space<vmem>>, vector<1x16xf32>,
      %swap3A_126 = vector.shape_cast %swap3A_125 : vector<1x16xf32> to vector<16xf32>
      %swap3A_127 = vector.shape_cast %broadcast_in_dim3A_122 : vector<16xf32> to vector<1x16xf32>
      tpu.vector_store %arg9[%swap3A_123, %swap3A_124], %swap3A_127 {strides = array<i32>} : memref<128x128xf32, #tpu.memory_space<vmem>>, vector<1x16xf32>,
      %broadcast_in_dim3A_128 = arith.constant 0.000000e+00 : f32
      %broadcast_in_dim3A_129 = vector.broadcast %broadcast_in_dim3A_128 : f32 to vector<16xf32>
      %swap3A_130 = arith.index_cast %scan3A_86 : i32 to index
      %swap3A_131 = arith.constant 96 : index
      %swap3A_132 = tpu.vector_load %arg9[%swap3A_130, %swap3A_131] {strides = array<i32>} : memref<128x128xf32, #tpu.memory_space<vmem>>, vector<1x16xf32>,
      %swap3A_133 = vector.shape_cast %swap3A_132 : vector<1x16xf32> to vector<16xf32>
      %swap3A_134 = vector.shape_cast %broadcast_in_dim3A_129 : vector<16xf32> to vector<1x16xf32>
      tpu.vector_store %arg9[%swap3A_130, %swap3A_131], %swap3A_134 {strides = array<i32>} : memref<128x128xf32, #tpu.memory_space<vmem>>, vector<1x16xf32>,
      %broadcast_in_dim3A_135 = arith.constant 0.000000e+00 : f32
      %broadcast_in_dim3A_136 = vector.broadcast %broadcast_in_dim3A_135 : f32 to vector<16xf32>
      %swap3A_137 = arith.index_cast %scan3A_86 : i32 to index
      %swap3A_138 = arith.constant 112 : index
      %swap3A_139 = tpu.vector_load %arg9[%swap3A_137, %swap3A_138] {strides = array<i32>} : memref<128x128xf32, #tpu.memory_space<vmem>>, vector<1x16xf32>,
      %swap3A_140 = vector.shape_cast %swap3A_139 : vector<1x16xf32> to vector<16xf32>
      %swap3A_141 = vector.shape_cast %broadcast_in_dim3A_136 : vector<16xf32> to vector<1x16xf32>
      tpu.vector_store %arg9[%swap3A_137, %swap3A_138], %swap3A_141 {strides = array<i32>} : memref<128x128xf32, #tpu.memory_space<vmem>>, vector<1x16xf32>,
      %scan3A_142 = arith.constant 0 : i32
      scf.yield %scan3A_142 : i32
    }
    %scan3A_6 = arith.constant 128 : i32
    %mul3A_7 = arith.constant 640 : i32
    %mul3A_8 = arith.muli %arg1, %mul3A_7 : i32
    %add3A_9 = arith.constant 0 : i32
    %add3A_10 = arith.addi %mul3A_8, %add3A_9 : i32
    "tpu.region"() ({
      %run_scoped3A = tpu.sem_alloc : memref<!tpu.dma_semaphore, #tpu.memory_space<semaphore_mem>>
      %dma_start3A = arith.constant 0 : i32
      %dma_start3A_86 = arith.constant 0 : i32
      %dma_start3A_87 = tpu.memref_slice %arg9[%dma_start3A, %dma_start3A_86] : memref<128x128xf32, #tpu.memory_space<vmem>> -> memref<128x128xf32, #tpu.memory_space<vmem>>
      %dma_start3A_88 = arith.constant 0 : i32
      %dma_start3A_89 = tpu.memref_slice %arg6[%add3A_10, %dma_start3A_88] : memref<10240x128xf32, #tpu.memory_space<vmem_shared>> -> memref<128x128xf32, #tpu.memory_space<vmem_shared>>
      %dma_start3A_90 = arith.constant 0 : i32
      %dma_start3A_91 = tpu.memref_slice %arg6[%add3A_10, %dma_start3A_90] : memref<10240x128xf32, #tpu.memory_space<vmem_shared>> -> memref<128x128xf32, #tpu.memory_space<vmem_shared>>
      %dma_start3A_92 = arith.constant 0 : i32
      %dma_start3A_93 = arith.constant 0 : i32
      %dma_start3A_94 = tpu.memref_slice %arg9[%dma_start3A_92, %dma_start3A_93] : memref<128x128xf32, #tpu.memory_space<vmem>> -> memref<128x128xf32, #tpu.memory_space<vmem>>
      tpu.enqueue_dma source(%dma_start3A_94 : memref<128x128xf32, #tpu.memory_space<vmem>>) target(%dma_start3A_91 : memref<128x128xf32, #tpu.memory_space<vmem_shared>>) target_semaphore(%run_scoped3A : memref<!tpu.dma_semaphore, #tpu.memory_space<semaphore_mem>>)
      %dma_wait3A = arith.constant 0 : i32
      %dma_wait3A_95 = arith.constant 0 : i32
      %dma_wait3A_96 = tpu.memref_slice %arg9[%dma_wait3A, %dma_wait3A_95] : memref<128x128xf32, #tpu.memory_space<vmem>> -> memref<128x128xf32, #tpu.memory_space<vmem>>
      %dma_wait3A_97 = arith.constant 0 : i32
      %dma_wait3A_98 = tpu.memref_slice %arg6[%add3A_10, %dma_wait3A_97] : memref<10240x128xf32, #tpu.memory_space<vmem_shared>> -> memref<128x128xf32, #tpu.memory_space<vmem_shared>>
      %dma_wait3A_99 = arith.constant 0 : i32
      %dma_wait3A_100 = tpu.memref_slice %arg6[%add3A_10, %dma_wait3A_99] : memref<10240x128xf32, #tpu.memory_space<vmem_shared>> -> memref<128x128xf32, #tpu.memory_space<vmem_shared>>
      %dma_wait3A_101 = arith.constant 0 : i32
      %dma_wait3A_102 = arith.constant 0 : i32
      %dma_wait3A_103 = tpu.memref_slice %arg9[%dma_wait3A_101, %dma_wait3A_102] : memref<128x128xf32, #tpu.memory_space<vmem>> -> memref<128x128xf32, #tpu.memory_space<vmem>>
      tpu.wait_dma2 semaphore(%run_scoped3A : memref<!tpu.dma_semaphore, #tpu.memory_space<semaphore_mem>>) src(%dma_wait3A_103 : memref<128x128xf32, #tpu.memory_space<vmem>>) dst(%dma_wait3A_100 : memref<128x128xf32, #tpu.memory_space<vmem_shared>>)
      tpu.yield
    }) : () -> ()
    %add3A_11 = arith.constant 128 : i32
    %add3A_12 = arith.addi %mul3A_8, %add3A_11 : i32
    "tpu.region"() ({
      %run_scoped3A = tpu.sem_alloc : memref<!tpu.dma_semaphore, #tpu.memory_space<semaphore_mem>>
      %dma_start3A = arith.constant 0 : i32
      %dma_start3A_86 = arith.constant 0 : i32
      %dma_start3A_87 = tpu.memref_slice %arg9[%dma_start3A, %dma_start3A_86] : memref<128x128xf32, #tpu.memory_space<vmem>> -> memref<128x128xf32, #tpu.memory_space<vmem>>
      %dma_start3A_88 = arith.constant 0 : i32
      %dma_start3A_89 = tpu.memref_slice %arg6[%add3A_12, %dma_start3A_88] : memref<10240x128xf32, #tpu.memory_space<vmem_shared>> -> memref<128x128xf32, #tpu.memory_space<vmem_shared>>
      %dma_start3A_90 = arith.constant 0 : i32
      %dma_start3A_91 = tpu.memref_slice %arg6[%add3A_12, %dma_start3A_90] : memref<10240x128xf32, #tpu.memory_space<vmem_shared>> -> memref<128x128xf32, #tpu.memory_space<vmem_shared>>
      %dma_start3A_92 = arith.constant 0 : i32
      %dma_start3A_93 = arith.constant 0 : i32
      %dma_start3A_94 = tpu.memref_slice %arg9[%dma_start3A_92, %dma_start3A_93] : memref<128x128xf32, #tpu.memory_space<vmem>> -> memref<128x128xf32, #tpu.memory_space<vmem>>
      tpu.enqueue_dma source(%dma_start3A_94 : memref<128x128xf32, #tpu.memory_space<vmem>>) target(%dma_start3A_91 : memref<128x128xf32, #tpu.memory_space<vmem_shared>>) target_semaphore(%run_scoped3A : memref<!tpu.dma_semaphore, #tpu.memory_space<semaphore_mem>>)
      %dma_wait3A = arith.constant 0 : i32
      %dma_wait3A_95 = arith.constant 0 : i32
      %dma_wait3A_96 = tpu.memref_slice %arg9[%dma_wait3A, %dma_wait3A_95] : memref<128x128xf32, #tpu.memory_space<vmem>> -> memref<128x128xf32, #tpu.memory_space<vmem>>
      %dma_wait3A_97 = arith.constant 0 : i32
      %dma_wait3A_98 = tpu.memref_slice %arg6[%add3A_12, %dma_wait3A_97] : memref<10240x128xf32, #tpu.memory_space<vmem_shared>> -> memref<128x128xf32, #tpu.memory_space<vmem_shared>>
      %dma_wait3A_99 = arith.constant 0 : i32
      %dma_wait3A_100 = tpu.memref_slice %arg6[%add3A_12, %dma_wait3A_99] : memref<10240x128xf32, #tpu.memory_space<vmem_shared>> -> memref<128x128xf32, #tpu.memory_space<vmem_shared>>
      %dma_wait3A_101 = arith.constant 0 : i32
      %dma_wait3A_102 = arith.constant 0 : i32
      %dma_wait3A_103 = tpu.memref_slice %arg9[%dma_wait3A_101, %dma_wait3A_102] : memref<128x128xf32, #tpu.memory_space<vmem>> -> memref<128x128xf32, #tpu.memory_space<vmem>>
      tpu.wait_dma2 semaphore(%run_scoped3A : memref<!tpu.dma_semaphore, #tpu.memory_space<semaphore_mem>>) src(%dma_wait3A_103 : memref<128x128xf32, #tpu.memory_space<vmem>>) dst(%dma_wait3A_100 : memref<128x128xf32, #tpu.memory_space<vmem_shared>>)
      tpu.yield
    }) : () -> ()
    %add3A_13 = arith.constant 256 : i32
    %add3A_14 = arith.addi %mul3A_8, %add3A_13 : i32
    "tpu.region"() ({
      %run_scoped3A = tpu.sem_alloc : memref<!tpu.dma_semaphore, #tpu.memory_space<semaphore_mem>>
      %dma_start3A = arith.constant 0 : i32
      %dma_start3A_86 = arith.constant 0 : i32
      %dma_start3A_87 = tpu.memref_slice %arg9[%dma_start3A, %dma_start3A_86] : memref<128x128xf32, #tpu.memory_space<vmem>> -> memref<128x128xf32, #tpu.memory_space<vmem>>
      %dma_start3A_88 = arith.constant 0 : i32
      %dma_start3A_89 = tpu.memref_slice %arg6[%add3A_14, %dma_start3A_88] : memref<10240x128xf32, #tpu.memory_space<vmem_shared>> -> memref<128x128xf32, #tpu.memory_space<vmem_shared>>
      %dma_start3A_90 = arith.constant 0 : i32
      %dma_start3A_91 = tpu.memref_slice %arg6[%add3A_14, %dma_start3A_90] : memref<10240x128xf32, #tpu.memory_space<vmem_shared>> -> memref<128x128xf32, #tpu.memory_space<vmem_shared>>
      %dma_start3A_92 = arith.constant 0 : i32
      %dma_start3A_93 = arith.constant 0 : i32
      %dma_start3A_94 = tpu.memref_slice %arg9[%dma_start3A_92, %dma_start3A_93] : memref<128x128xf32, #tpu.memory_space<vmem>> -> memref<128x128xf32, #tpu.memory_space<vmem>>
      tpu.enqueue_dma source(%dma_start3A_94 : memref<128x128xf32, #tpu.memory_space<vmem>>) target(%dma_start3A_91 : memref<128x128xf32, #tpu.memory_space<vmem_shared>>) target_semaphore(%run_scoped3A : memref<!tpu.dma_semaphore, #tpu.memory_space<semaphore_mem>>)
      %dma_wait3A = arith.constant 0 : i32
      %dma_wait3A_95 = arith.constant 0 : i32
      %dma_wait3A_96 = tpu.memref_slice %arg9[%dma_wait3A, %dma_wait3A_95] : memref<128x128xf32, #tpu.memory_space<vmem>> -> memref<128x128xf32, #tpu.memory_space<vmem>>
      %dma_wait3A_97 = arith.constant 0 : i32
      %dma_wait3A_98 = tpu.memref_slice %arg6[%add3A_14, %dma_wait3A_97] : memref<10240x128xf32, #tpu.memory_space<vmem_shared>> -> memref<128x128xf32, #tpu.memory_space<vmem_shared>>
      %dma_wait3A_99 = arith.constant 0 : i32
      %dma_wait3A_100 = tpu.memref_slice %arg6[%add3A_14, %dma_wait3A_99] : memref<10240x128xf32, #tpu.memory_space<vmem_shared>> -> memref<128x128xf32, #tpu.memory_space<vmem_shared>>
      %dma_wait3A_101 = arith.constant 0 : i32
      %dma_wait3A_102 = arith.constant 0 : i32
      %dma_wait3A_103 = tpu.memref_slice %arg9[%dma_wait3A_101, %dma_wait3A_102] : memref<128x128xf32, #tpu.memory_space<vmem>> -> memref<128x128xf32, #tpu.memory_space<vmem>>
      tpu.wait_dma2 semaphore(%run_scoped3A : memref<!tpu.dma_semaphore, #tpu.memory_space<semaphore_mem>>) src(%dma_wait3A_103 : memref<128x128xf32, #tpu.memory_space<vmem>>) dst(%dma_wait3A_100 : memref<128x128xf32, #tpu.memory_space<vmem_shared>>)
      tpu.yield
    }) : () -> ()
    %add3A_15 = arith.constant 384 : i32
    %add3A_16 = arith.addi %mul3A_8, %add3A_15 : i32
    "tpu.region"() ({
      %run_scoped3A = tpu.sem_alloc : memref<!tpu.dma_semaphore, #tpu.memory_space<semaphore_mem>>
      %dma_start3A = arith.constant 0 : i32
      %dma_start3A_86 = arith.constant 0 : i32
      %dma_start3A_87 = tpu.memref_slice %arg9[%dma_start3A, %dma_start3A_86] : memref<128x128xf32, #tpu.memory_space<vmem>> -> memref<128x128xf32, #tpu.memory_space<vmem>>
      %dma_start3A_88 = arith.constant 0 : i32
      %dma_start3A_89 = tpu.memref_slice %arg6[%add3A_16, %dma_start3A_88] : memref<10240x128xf32, #tpu.memory_space<vmem_shared>> -> memref<128x128xf32, #tpu.memory_space<vmem_shared>>
      %dma_start3A_90 = arith.constant 0 : i32
      %dma_start3A_91 = tpu.memref_slice %arg6[%add3A_16, %dma_start3A_90] : memref<10240x128xf32, #tpu.memory_space<vmem_shared>> -> memref<128x128xf32, #tpu.memory_space<vmem_shared>>
      %dma_start3A_92 = arith.constant 0 : i32
      %dma_start3A_93 = arith.constant 0 : i32
      %dma_start3A_94 = tpu.memref_slice %arg9[%dma_start3A_92, %dma_start3A_93] : memref<128x128xf32, #tpu.memory_space<vmem>> -> memref<128x128xf32, #tpu.memory_space<vmem>>
      tpu.enqueue_dma source(%dma_start3A_94 : memref<128x128xf32, #tpu.memory_space<vmem>>) target(%dma_start3A_91 : memref<128x128xf32, #tpu.memory_space<vmem_shared>>) target_semaphore(%run_scoped3A : memref<!tpu.dma_semaphore, #tpu.memory_space<semaphore_mem>>)
      %dma_wait3A = arith.constant 0 : i32
      %dma_wait3A_95 = arith.constant 0 : i32
      %dma_wait3A_96 = tpu.memref_slice %arg9[%dma_wait3A, %dma_wait3A_95] : memref<128x128xf32, #tpu.memory_space<vmem>> -> memref<128x128xf32, #tpu.memory_space<vmem>>
      %dma_wait3A_97 = arith.constant 0 : i32
      %dma_wait3A_98 = tpu.memref_slice %arg6[%add3A_16, %dma_wait3A_97] : memref<10240x128xf32, #tpu.memory_space<vmem_shared>> -> memref<128x128xf32, #tpu.memory_space<vmem_shared>>
      %dma_wait3A_99 = arith.constant 0 : i32
      %dma_wait3A_100 = tpu.memref_slice %arg6[%add3A_16, %dma_wait3A_99] : memref<10240x128xf32, #tpu.memory_space<vmem_shared>> -> memref<128x128xf32, #tpu.memory_space<vmem_shared>>
      %dma_wait3A_101 = arith.constant 0 : i32
      %dma_wait3A_102 = arith.constant 0 : i32
      %dma_wait3A_103 = tpu.memref_slice %arg9[%dma_wait3A_101, %dma_wait3A_102] : memref<128x128xf32, #tpu.memory_space<vmem>> -> memref<128x128xf32, #tpu.memory_space<vmem>>
      tpu.wait_dma2 semaphore(%run_scoped3A : memref<!tpu.dma_semaphore, #tpu.memory_space<semaphore_mem>>) src(%dma_wait3A_103 : memref<128x128xf32, #tpu.memory_space<vmem>>) dst(%dma_wait3A_100 : memref<128x128xf32, #tpu.memory_space<vmem_shared>>)
      tpu.yield
    }) : () -> ()
    %add3A_17 = arith.constant 512 : i32
    %add3A_18 = arith.addi %mul3A_8, %add3A_17 : i32
    "tpu.region"() ({
      %run_scoped3A = tpu.sem_alloc : memref<!tpu.dma_semaphore, #tpu.memory_space<semaphore_mem>>
      %dma_start3A = arith.constant 0 : i32
      %dma_start3A_86 = arith.constant 0 : i32
      %dma_start3A_87 = tpu.memref_slice %arg9[%dma_start3A, %dma_start3A_86] : memref<128x128xf32, #tpu.memory_space<vmem>> -> memref<128x128xf32, #tpu.memory_space<vmem>>
      %dma_start3A_88 = arith.constant 0 : i32
      %dma_start3A_89 = tpu.memref_slice %arg6[%add3A_18, %dma_start3A_88] : memref<10240x128xf32, #tpu.memory_space<vmem_shared>> -> memref<128x128xf32, #tpu.memory_space<vmem_shared>>
      %dma_start3A_90 = arith.constant 0 : i32
      %dma_start3A_91 = tpu.memref_slice %arg6[%add3A_18, %dma_start3A_90] : memref<10240x128xf32, #tpu.memory_space<vmem_shared>> -> memref<128x128xf32, #tpu.memory_space<vmem_shared>>
      %dma_start3A_92 = arith.constant 0 : i32
      %dma_start3A_93 = arith.constant 0 : i32
      %dma_start3A_94 = tpu.memref_slice %arg9[%dma_start3A_92, %dma_start3A_93] : memref<128x128xf32, #tpu.memory_space<vmem>> -> memref<128x128xf32, #tpu.memory_space<vmem>>
      tpu.enqueue_dma source(%dma_start3A_94 : memref<128x128xf32, #tpu.memory_space<vmem>>) target(%dma_start3A_91 : memref<128x128xf32, #tpu.memory_space<vmem_shared>>) target_semaphore(%run_scoped3A : memref<!tpu.dma_semaphore, #tpu.memory_space<semaphore_mem>>)
      %dma_wait3A = arith.constant 0 : i32
      %dma_wait3A_95 = arith.constant 0 : i32
      %dma_wait3A_96 = tpu.memref_slice %arg9[%dma_wait3A, %dma_wait3A_95] : memref<128x128xf32, #tpu.memory_space<vmem>> -> memref<128x128xf32, #tpu.memory_space<vmem>>
      %dma_wait3A_97 = arith.constant 0 : i32
      %dma_wait3A_98 = tpu.memref_slice %arg6[%add3A_18, %dma_wait3A_97] : memref<10240x128xf32, #tpu.memory_space<vmem_shared>> -> memref<128x128xf32, #tpu.memory_space<vmem_shared>>
      %dma_wait3A_99 = arith.constant 0 : i32
      %dma_wait3A_100 = tpu.memref_slice %arg6[%add3A_18, %dma_wait3A_99] : memref<10240x128xf32, #tpu.memory_space<vmem_shared>> -> memref<128x128xf32, #tpu.memory_space<vmem_shared>>
      %dma_wait3A_101 = arith.constant 0 : i32
      %dma_wait3A_102 = arith.constant 0 : i32
      %dma_wait3A_103 = tpu.memref_slice %arg9[%dma_wait3A_101, %dma_wait3A_102] : memref<128x128xf32, #tpu.memory_space<vmem>> -> memref<128x128xf32, #tpu.memory_space<vmem>>
      tpu.wait_dma2 semaphore(%run_scoped3A : memref<!tpu.dma_semaphore, #tpu.memory_space<semaphore_mem>>) src(%dma_wait3A_103 : memref<128x128xf32, #tpu.memory_space<vmem>>) dst(%dma_wait3A_100 : memref<128x128xf32, #tpu.memory_space<vmem_shared>>)
      tpu.yield
    }) : () -> ()
    %barrier3A = arith.constant 0 : index
    tpu.barrier barrier_id(%barrier3A)
    %mul3A_19 = arith.constant 2500 : i32
    %mul3A_20 = arith.muli %add3A, %mul3A_19 : i32
    %jit3A = arith.constant 32 : i32
    %div3A = arith.divsi %mul3A_20, %jit3A : i32
    %sign3A = arith.constant 0 : i32
    %sign3A_21 = arith.cmpi sgt, %mul3A_20, %sign3A : i32
    %sign3A_22 = arith.extui %sign3A_21 : i1 to i32
    %sign3A_23 = arith.constant 0 : i32
    %sign3A_24 = arith.cmpi slt, %mul3A_20, %sign3A_23 : i32
    %sign3A_25 = arith.extui %sign3A_24 : i1 to i32
    %sign3A_26 = arith.subi %sign3A_22, %sign3A_25 : i32
    %sign3A_27 = arith.constant 0 : i32
    %sign3A_28 = arith.cmpi sgt, %jit3A, %sign3A_27 : i32
    %sign3A_29 = arith.extui %sign3A_28 : i1 to i32
    %sign3A_30 = arith.constant 0 : i32
    %sign3A_31 = arith.cmpi slt, %jit3A, %sign3A_30 : i32
    %sign3A_32 = arith.extui %sign3A_31 : i1 to i32
    %sign3A_33 = arith.subi %sign3A_29, %sign3A_32 : i32
    %ne3A = arith.cmpi ne, %sign3A_26, %sign3A_33 : i32
    %rem3A = arith.remsi %mul3A_20, %jit3A : i32
    %ne3A_34 = arith.constant 0 : i32
    %ne3A_35 = arith.cmpi ne, %rem3A, %ne3A_34 : i32
    %and3A = arith.andi %ne3A, %ne3A_35 : i1
    %sub3A = arith.constant 1 : i32
    %sub3A_36 = arith.subi %div3A, %sub3A : i32
    %select_n3A = arith.select %and3A, %sub3A_36, %div3A : i32
    %add3A_37 = arith.constant 1 : i32
    %add3A_38 = arith.addi %add3A, %add3A_37 : i32
    %mul3A_39 = arith.constant 2500 : i32
    %mul3A_40 = arith.muli %add3A_38, %mul3A_39 : i32
    %jit3A_41 = arith.constant 32 : i32
    %div3A_42 = arith.divsi %mul3A_40, %jit3A_41 : i32
    %sign3A_43 = arith.constant 0 : i32
    %sign3A_44 = arith.cmpi sgt, %mul3A_40, %sign3A_43 : i32
    %sign3A_45 = arith.extui %sign3A_44 : i1 to i32
    %sign3A_46 = arith.constant 0 : i32
    %sign3A_47 = arith.cmpi slt, %mul3A_40, %sign3A_46 : i32
    %sign3A_48 = arith.extui %sign3A_47 : i1 to i32
    %sign3A_49 = arith.subi %sign3A_45, %sign3A_48 : i32
    %sign3A_50 = arith.constant 0 : i32
    %sign3A_51 = arith.cmpi sgt, %jit3A_41, %sign3A_50 : i32
    %sign3A_52 = arith.extui %sign3A_51 : i1 to i32
    %sign3A_53 = arith.constant 0 : i32
    %sign3A_54 = arith.cmpi slt, %jit3A_41, %sign3A_53 : i32
    %sign3A_55 = arith.extui %sign3A_54 : i1 to i32
    %sign3A_56 = arith.subi %sign3A_52, %sign3A_55 : i32
    %ne3A_57 = arith.cmpi ne, %sign3A_49, %sign3A_56 : i32
    %rem3A_58 = arith.remsi %mul3A_40, %jit3A_41 : i32
    %ne3A_59 = arith.constant 0 : i32
    %ne3A_60 = arith.cmpi ne, %rem3A_58, %ne3A_59 : i32
    %and3A_61 = arith.andi %ne3A_57, %ne3A_60 : i1
    %sub3A_62 = arith.constant 1 : i32
    %sub3A_63 = arith.subi %div3A_42, %sub3A_62 : i32
    %select_n3A_64 = arith.select %and3A_61, %sub3A_63, %div3A_42 : i32
    %while3A = arith.constant 0 : i32
    %while3A_65 = arith.subi %select_n3A_64, %select_n3A : i32
    %while3A_66 = arith.addi %select_n3A, %while3A_65 : i32
    %while3A_67 = arith.constant 1 : i32
    %while3A_68 = arith.divsi %while3A_65, %while3A_67 : i32
    %while3A_69 = arith.muli %while3A_68, %while3A_67 : i32
    %while3A_70 = arith.addi %select_n3A, %while3A_69 : i32
    %while3A_71 = arith.constant 1 : i32
    %while3A_72 = scf.for %while3A_86 = %select_n3A to %while3A_70 step %while3A_71 iter_args(%while3A_87 = %while3A) -> (i32)  : i32 {
      "tpu.region"() ({
        %run_scoped3A = tpu.sem_alloc : memref<!tpu.dma_semaphore, #tpu.memory_space<semaphore_mem>>
        %dma_start3A_93 = arith.constant 0 : i32
        %dma_start3A_94 = tpu.memref_slice %arg2[%while3A_86, %dma_start3A_93] : memref<2500x128xi32, #tpu.memory_space<hbm>> -> memref<1x128xi32, #tpu.memory_space<hbm>>
        %dma_start3A_95 = tpu.memref_squeeze %dma_start3A_94 : memref<1x128xi32, #tpu.memory_space<hbm>> -> memref<128xi32, #tpu.memory_space<hbm>>
        %dma_start3A_96 = arith.constant 0 : i32
        %dma_start3A_97 = tpu.memref_slice %arg2[%while3A_86, %dma_start3A_96] : memref<2500x128xi32, #tpu.memory_space<hbm>> -> memref<1x128xi32, #tpu.memory_space<hbm>>
        %dma_start3A_98 = tpu.memref_squeeze %dma_start3A_97 : memref<1x128xi32, #tpu.memory_space<hbm>> -> memref<128xi32, #tpu.memory_space<hbm>>
        tpu.enqueue_dma source(%dma_start3A_98 : memref<128xi32, #tpu.memory_space<hbm>>) target(%arg7 : memref<128xi32, #tpu.memory_space<vmem>>) target_semaphore(%run_scoped3A : memref<!tpu.dma_semaphore, #tpu.memory_space<semaphore_mem>>)
        %dma_wait3A_99 = arith.constant 0 : i32
        %dma_wait3A_100 = tpu.memref_slice %arg2[%while3A_86, %dma_wait3A_99] : memref<2500x128xi32, #tpu.memory_space<hbm>> -> memref<1x128xi32, #tpu.memory_space<hbm>>
        %dma_wait3A_101 = tpu.memref_squeeze %dma_wait3A_100 : memref<1x128xi32, #tpu.memory_space<hbm>> -> memref<128xi32, #tpu.memory_space<hbm>>
        %dma_wait3A_102 = arith.constant 0 : i32
        %dma_wait3A_103 = tpu.memref_slice %arg2[%while3A_86, %dma_wait3A_102] : memref<2500x128xi32, #tpu.memory_space<hbm>> -> memref<1x128xi32, #tpu.memory_space<hbm>>
        %dma_wait3A_104 = tpu.memref_squeeze %dma_wait3A_103 : memref<1x128xi32, #tpu.memory_space<hbm>> -> memref<128xi32, #tpu.memory_space<hbm>>
        tpu.wait_dma2 semaphore(%run_scoped3A : memref<!tpu.dma_semaphore, #tpu.memory_space<semaphore_mem>>) src(%dma_wait3A_104 : memref<128xi32, #tpu.memory_space<hbm>>) dst(%arg7 : memref<128xi32, #tpu.memory_space<vmem>>)
        tpu.yield
      }) : () -> ()
      "tpu.region"() ({
        %run_scoped3A = tpu.sem_alloc : memref<!tpu.dma_semaphore, #tpu.memory_space<semaphore_mem>>
        %dma_start3A_93 = arith.constant 0 : i32
        %dma_start3A_94 = tpu.memref_slice %arg3[%while3A_86, %dma_start3A_93] : memref<2500x128xi32, #tpu.memory_space<hbm>> -> memref<1x128xi32, #tpu.memory_space<hbm>>
        %dma_start3A_95 = tpu.memref_squeeze %dma_start3A_94 : memref<1x128xi32, #tpu.memory_space<hbm>> -> memref<128xi32, #tpu.memory_space<hbm>>
        %dma_start3A_96 = arith.constant 0 : i32
        %dma_start3A_97 = tpu.memref_slice %arg3[%while3A_86, %dma_start3A_96] : memref<2500x128xi32, #tpu.memory_space<hbm>> -> memref<1x128xi32, #tpu.memory_space<hbm>>
        %dma_start3A_98 = tpu.memref_squeeze %dma_start3A_97 : memref<1x128xi32, #tpu.memory_space<hbm>> -> memref<128xi32, #tpu.memory_space<hbm>>
        tpu.enqueue_dma source(%dma_start3A_98 : memref<128xi32, #tpu.memory_space<hbm>>) target(%arg8 : memref<128xi32, #tpu.memory_space<vmem>>) target_semaphore(%run_scoped3A : memref<!tpu.dma_semaphore, #tpu.memory_space<semaphore_mem>>)
        %dma_wait3A_99 = arith.constant 0 : i32
        %dma_wait3A_100 = tpu.memref_slice %arg3[%while3A_86, %dma_wait3A_99] : memref<2500x128xi32, #tpu.memory_space<hbm>> -> memref<1x128xi32, #tpu.memory_space<hbm>>
        %dma_wait3A_101 = tpu.memref_squeeze %dma_wait3A_100 : memref<1x128xi32, #tpu.memory_space<hbm>> -> memref<128xi32, #tpu.memory_space<hbm>>
        %dma_wait3A_102 = arith.constant 0 : i32
        %dma_wait3A_103 = tpu.memref_slice %arg3[%while3A_86, %dma_wait3A_102] : memref<2500x128xi32, #tpu.memory_space<hbm>> -> memref<1x128xi32, #tpu.memory_space<hbm>>
        %dma_wait3A_104 = tpu.memref_squeeze %dma_wait3A_103 : memref<1x128xi32, #tpu.memory_space<hbm>> -> memref<128xi32, #tpu.memory_space<hbm>>
        tpu.wait_dma2 semaphore(%run_scoped3A : memref<!tpu.dma_semaphore, #tpu.memory_space<semaphore_mem>>) src(%dma_wait3A_104 : memref<128xi32, #tpu.memory_space<hbm>>) dst(%arg8 : memref<128xi32, #tpu.memory_space<vmem>>)
        tpu.yield
      }) : () -> ()
      %dma_start3A = arith.constant 0 : i32
      %dma_start3A_88 = arith.constant 0 : i32
      %dma_start3A_89 = tpu.memref_slice %arg4[%dma_start3A, %dma_start3A_88] : memref<10000x128xf32, #tpu.memory_space<hbm>> -> memref<10000x128xf32, #tpu.memory_space<hbm>>
      tpu.enqueue_indirect_dma source(%dma_start3A_89 : memref<10000x128xf32, #tpu.memory_space<hbm>>) target(%arg9 : memref<128x128xf32, #tpu.memory_space<vmem>>) offsets(%arg7 : memref<128xi32, #tpu.memory_space<vmem>>) semaphore(%arg10 : memref<!tpu.dma_semaphore, #tpu.memory_space<semaphore_mem>>)
      %dma_wait3A = arith.constant 0 : i32
      %dma_wait3A_90 = arith.constant 0 : i32
      %dma_wait3A_91 = tpu.memref_slice %arg4[%dma_wait3A, %dma_wait3A_90] : memref<10000x128xf32, #tpu.memory_space<hbm>> -> memref<10000x128xf32, #tpu.memory_space<hbm>>
      tpu.wait_indirect_dma semaphore(%arg10 : memref<!tpu.dma_semaphore, #tpu.memory_space<semaphore_mem>>) src(%dma_wait3A_91 : memref<10000x128xf32, #tpu.memory_space<hbm>>) dst(%arg9 : memref<128x128xf32, #tpu.memory_space<vmem>>)
      "tpu.region"() ({
        %run_scoped3A = tpu.sem_alloc : memref<!tpu.dma_semaphore, #tpu.memory_space<semaphore_mem>>
        %dma_start3A_93 = arith.constant 0 : i32
        %dma_start3A_94 = arith.constant 0 : i32
        %dma_start3A_95 = tpu.memref_slice %arg6[%dma_start3A_93, %dma_start3A_94] : memref<10240x128xf32, #tpu.memory_space<vmem_shared>> -> memref<10240x128xf32, #tpu.memory_space<vmem_shared>>
        tpu.enqueue_indirect_dma source(%arg9 : memref<128x128xf32, #tpu.memory_space<vmem>>) target(%dma_start3A_95 : memref<10240x128xf32, #tpu.memory_space<vmem_shared>>) offsets(%arg8 : memref<128xi32, #tpu.memory_space<vmem>>) semaphore(%run_scoped3A : memref<!tpu.dma_semaphore, #tpu.memory_space<semaphore_mem>>) {add = true}
        %dma_wait3A_96 = arith.constant 0 : i32
        %dma_wait3A_97 = arith.constant 0 : i32
        %dma_wait3A_98 = tpu.memref_slice %arg6[%dma_wait3A_96, %dma_wait3A_97] : memref<10240x128xf32, #tpu.memory_space<vmem_shared>> -> memref<10240x128xf32, #tpu.memory_space<vmem_shared>>
        tpu.wait_indirect_dma semaphore(%run_scoped3A : memref<!tpu.dma_semaphore, #tpu.memory_space<semaphore_mem>>) src(%arg9 : memref<128x128xf32, #tpu.memory_space<vmem>>) dst(%dma_wait3A_98 : memref<10240x128xf32, #tpu.memory_space<vmem_shared>>)
        tpu.yield
      }) : () -> ()
      %while3A_92 = arith.constant 0 : i32
      scf.yield %while3A_92 : i32
    }
    %while3A_73 = arith.constant 1 : i32
    %while3A_74 = scf.for %while3A_86 = %while3A_70 to %while3A_66 step %while3A_73 iter_args(%while3A_87 = %while3A_72) -> (i32)  : i32 {
      "tpu.region"() ({
        %run_scoped3A = tpu.sem_alloc : memref<!tpu.dma_semaphore, #tpu.memory_space<semaphore_mem>>
        %dma_start3A_93 = arith.constant 0 : i32
        %dma_start3A_94 = tpu.memref_slice %arg2[%while3A_86, %dma_start3A_93] : memref<2500x128xi32, #tpu.memory_space<hbm>> -> memref<1x128xi32, #tpu.memory_space<hbm>>
        %dma_start3A_95 = tpu.memref_squeeze %dma_start3A_94 : memref<1x128xi32, #tpu.memory_space<hbm>> -> memref<128xi32, #tpu.memory_space<hbm>>
        %dma_start3A_96 = arith.constant 0 : i32
        %dma_start3A_97 = tpu.memref_slice %arg2[%while3A_86, %dma_start3A_96] : memref<2500x128xi32, #tpu.memory_space<hbm>> -> memref<1x128xi32, #tpu.memory_space<hbm>>
        %dma_start3A_98 = tpu.memref_squeeze %dma_start3A_97 : memref<1x128xi32, #tpu.memory_space<hbm>> -> memref<128xi32, #tpu.memory_space<hbm>>
        tpu.enqueue_dma source(%dma_start3A_98 : memref<128xi32, #tpu.memory_space<hbm>>) target(%arg7 : memref<128xi32, #tpu.memory_space<vmem>>) target_semaphore(%run_scoped3A : memref<!tpu.dma_semaphore, #tpu.memory_space<semaphore_mem>>)
        %dma_wait3A_99 = arith.constant 0 : i32
        %dma_wait3A_100 = tpu.memref_slice %arg2[%while3A_86, %dma_wait3A_99] : memref<2500x128xi32, #tpu.memory_space<hbm>> -> memref<1x128xi32, #tpu.memory_space<hbm>>
        %dma_wait3A_101 = tpu.memref_squeeze %dma_wait3A_100 : memref<1x128xi32, #tpu.memory_space<hbm>> -> memref<128xi32, #tpu.memory_space<hbm>>
        %dma_wait3A_102 = arith.constant 0 : i32
        %dma_wait3A_103 = tpu.memref_slice %arg2[%while3A_86, %dma_wait3A_102] : memref<2500x128xi32, #tpu.memory_space<hbm>> -> memref<1x128xi32, #tpu.memory_space<hbm>>
        %dma_wait3A_104 = tpu.memref_squeeze %dma_wait3A_103 : memref<1x128xi32, #tpu.memory_space<hbm>> -> memref<128xi32, #tpu.memory_space<hbm>>
        tpu.wait_dma2 semaphore(%run_scoped3A : memref<!tpu.dma_semaphore, #tpu.memory_space<semaphore_mem>>) src(%dma_wait3A_104 : memref<128xi32, #tpu.memory_space<hbm>>) dst(%arg7 : memref<128xi32, #tpu.memory_space<vmem>>)
        tpu.yield
      }) : () -> ()
      "tpu.region"() ({
        %run_scoped3A = tpu.sem_alloc : memref<!tpu.dma_semaphore, #tpu.memory_space<semaphore_mem>>
        %dma_start3A_93 = arith.constant 0 : i32
        %dma_start3A_94 = tpu.memref_slice %arg3[%while3A_86, %dma_start3A_93] : memref<2500x128xi32, #tpu.memory_space<hbm>> -> memref<1x128xi32, #tpu.memory_space<hbm>>
        %dma_start3A_95 = tpu.memref_squeeze %dma_start3A_94 : memref<1x128xi32, #tpu.memory_space<hbm>> -> memref<128xi32, #tpu.memory_space<hbm>>
        %dma_start3A_96 = arith.constant 0 : i32
        %dma_start3A_97 = tpu.memref_slice %arg3[%while3A_86, %dma_start3A_96] : memref<2500x128xi32, #tpu.memory_space<hbm>> -> memref<1x128xi32, #tpu.memory_space<hbm>>
        %dma_start3A_98 = tpu.memref_squeeze %dma_start3A_97 : memref<1x128xi32, #tpu.memory_space<hbm>> -> memref<128xi32, #tpu.memory_space<hbm>>
        tpu.enqueue_dma source(%dma_start3A_98 : memref<128xi32, #tpu.memory_space<hbm>>) target(%arg8 : memref<128xi32, #tpu.memory_space<vmem>>) target_semaphore(%run_scoped3A : memref<!tpu.dma_semaphore, #tpu.memory_space<semaphore_mem>>)
        %dma_wait3A_99 = arith.constant 0 : i32
        %dma_wait3A_100 = tpu.memref_slice %arg3[%while3A_86, %dma_wait3A_99] : memref<2500x128xi32, #tpu.memory_space<hbm>> -> memref<1x128xi32, #tpu.memory_space<hbm>>
        %dma_wait3A_101 = tpu.memref_squeeze %dma_wait3A_100 : memref<1x128xi32, #tpu.memory_space<hbm>> -> memref<128xi32, #tpu.memory_space<hbm>>
        %dma_wait3A_102 = arith.constant 0 : i32
        %dma_wait3A_103 = tpu.memref_slice %arg3[%while3A_86, %dma_wait3A_102] : memref<2500x128xi32, #tpu.memory_space<hbm>> -> memref<1x128xi32, #tpu.memory_space<hbm>>
        %dma_wait3A_104 = tpu.memref_squeeze %dma_wait3A_103 : memref<1x128xi32, #tpu.memory_space<hbm>> -> memref<128xi32, #tpu.memory_space<hbm>>
        tpu.wait_dma2 semaphore(%run_scoped3A : memref<!tpu.dma_semaphore, #tpu.memory_space<semaphore_mem>>) src(%dma_wait3A_104 : memref<128xi32, #tpu.memory_space<hbm>>) dst(%arg8 : memref<128xi32, #tpu.memory_space<vmem>>)
        tpu.yield
      }) : () -> ()
      %dma_start3A = arith.constant 0 : i32
      %dma_start3A_88 = arith.constant 0 : i32
      %dma_start3A_89 = tpu.memref_slice %arg4[%dma_start3A, %dma_start3A_88] : memref<10000x128xf32, #tpu.memory_space<hbm>> -> memref<10000x128xf32, #tpu.memory_space<hbm>>
      tpu.enqueue_indirect_dma source(%dma_start3A_89 : memref<10000x128xf32, #tpu.memory_space<hbm>>) target(%arg9 : memref<128x128xf32, #tpu.memory_space<vmem>>) offsets(%arg7 : memref<128xi32, #tpu.memory_space<vmem>>) semaphore(%arg10 : memref<!tpu.dma_semaphore, #tpu.memory_space<semaphore_mem>>)
      %dma_wait3A = arith.constant 0 : i32
      %dma_wait3A_90 = arith.constant 0 : i32
      %dma_wait3A_91 = tpu.memref_slice %arg4[%dma_wait3A, %dma_wait3A_90] : memref<10000x128xf32, #tpu.memory_space<hbm>> -> memref<10000x128xf32, #tpu.memory_space<hbm>>
      tpu.wait_indirect_dma semaphore(%arg10 : memref<!tpu.dma_semaphore, #tpu.memory_space<semaphore_mem>>) src(%dma_wait3A_91 : memref<10000x128xf32, #tpu.memory_space<hbm>>) dst(%arg9 : memref<128x128xf32, #tpu.memory_space<vmem>>)
      "tpu.region"() ({
        %run_scoped3A = tpu.sem_alloc : memref<!tpu.dma_semaphore, #tpu.memory_space<semaphore_mem>>
        %dma_start3A_93 = arith.constant 0 : i32
        %dma_start3A_94 = arith.constant 0 : i32
        %dma_start3A_95 = tpu.memref_slice %arg6[%dma_start3A_93, %dma_start3A_94] : memref<10240x128xf32, #tpu.memory_space<vmem_shared>> -> memref<10240x128xf32, #tpu.memory_space<vmem_shared>>
        tpu.enqueue_indirect_dma source(%arg9 : memref<128x128xf32, #tpu.memory_space<vmem>>) target(%dma_start3A_95 : memref<10240x128xf32, #tpu.memory_space<vmem_shared>>) offsets(%arg8 : memref<128xi32, #tpu.memory_space<vmem>>) semaphore(%run_scoped3A : memref<!tpu.dma_semaphore, #tpu.memory_space<semaphore_mem>>) {add = true}
        %dma_wait3A_96 = arith.constant 0 : i32
        %dma_wait3A_97 = arith.constant 0 : i32
        %dma_wait3A_98 = tpu.memref_slice %arg6[%dma_wait3A_96, %dma_wait3A_97] : memref<10240x128xf32, #tpu.memory_space<vmem_shared>> -> memref<10240x128xf32, #tpu.memory_space<vmem_shared>>
        tpu.wait_indirect_dma semaphore(%run_scoped3A : memref<!tpu.dma_semaphore, #tpu.memory_space<semaphore_mem>>) src(%arg9 : memref<128x128xf32, #tpu.memory_space<vmem>>) dst(%dma_wait3A_98 : memref<10240x128xf32, #tpu.memory_space<vmem_shared>>)
        tpu.yield
      }) : () -> ()
      %while3A_92 = arith.constant 0 : i32
      scf.yield %while3A_92 : i32
    }
    %barrier3A_75 = arith.constant 0 : index
    tpu.barrier barrier_id(%barrier3A_75)
    %add3A_76 = arith.constant 0 : i32
    %add3A_77 = arith.addi %mul3A_8, %add3A_76 : i32
    "tpu.region"() ({
      %run_scoped3A = tpu.sem_alloc : memref<!tpu.dma_semaphore, #tpu.memory_space<semaphore_mem>>
      %dma_start3A = arith.constant 0 : i32
      %dma_start3A_86 = tpu.memref_slice %arg5[%arg0, %add3A_77, %dma_start3A] : memref<2x10240x128xf32, #tpu.memory_space<hbm>> -> memref<1x128x128xf32, #tpu.memory_space<hbm>>
      %dma_start3A_87 = tpu.memref_squeeze %dma_start3A_86 : memref<1x128x128xf32, #tpu.memory_space<hbm>> -> memref<128x128xf32, #tpu.memory_space<hbm>>
      %dma_start3A_88 = arith.constant 0 : i32
      %dma_start3A_89 = tpu.memref_slice %arg6[%add3A_77, %dma_start3A_88] : memref<10240x128xf32, #tpu.memory_space<vmem_shared>> -> memref<128x128xf32, #tpu.memory_space<vmem_shared>>
      tpu.enqueue_dma source(%dma_start3A_89 : memref<128x128xf32, #tpu.memory_space<vmem_shared>>) target(%dma_start3A_87 : memref<128x128xf32, #tpu.memory_space<hbm>>) target_semaphore(%run_scoped3A : memref<!tpu.dma_semaphore, #tpu.memory_space<semaphore_mem>>)
      %dma_wait3A = arith.constant 0 : i32
      %dma_wait3A_90 = tpu.memref_slice %arg5[%arg0, %add3A_77, %dma_wait3A] : memref<2x10240x128xf32, #tpu.memory_space<hbm>> -> memref<1x128x128xf32, #tpu.memory_space<hbm>>
      %dma_wait3A_91 = tpu.memref_squeeze %dma_wait3A_90 : memref<1x128x128xf32, #tpu.memory_space<hbm>> -> memref<128x128xf32, #tpu.memory_space<hbm>>
      %dma_wait3A_92 = arith.constant 0 : i32
      %dma_wait3A_93 = tpu.memref_slice %arg6[%add3A_77, %dma_wait3A_92] : memref<10240x128xf32, #tpu.memory_space<vmem_shared>> -> memref<128x128xf32, #tpu.memory_space<vmem_shared>>
      tpu.wait_dma2 semaphore(%run_scoped3A : memref<!tpu.dma_semaphore, #tpu.memory_space<semaphore_mem>>) src(%dma_wait3A_93 : memref<128x128xf32, #tpu.memory_space<vmem_shared>>) dst(%dma_wait3A_91 : memref<128x128xf32, #tpu.memory_space<hbm>>)
      tpu.yield
    }) : () -> ()
    %add3A_78 = arith.constant 128 : i32
    %add3A_79 = arith.addi %mul3A_8, %add3A_78 : i32
    "tpu.region"() ({
      %run_scoped3A = tpu.sem_alloc : memref<!tpu.dma_semaphore, #tpu.memory_space<semaphore_mem>>
      %dma_start3A = arith.constant 0 : i32
      %dma_start3A_86 = tpu.memref_slice %arg5[%arg0, %add3A_79, %dma_start3A] : memref<2x10240x128xf32, #tpu.memory_space<hbm>> -> memref<1x128x128xf32, #tpu.memory_space<hbm>>
      %dma_start3A_87 = tpu.memref_squeeze %dma_start3A_86 : memref<1x128x128xf32, #tpu.memory_space<hbm>> -> memref<128x128xf32, #tpu.memory_space<hbm>>
      %dma_start3A_88 = arith.constant 0 : i32
      %dma_start3A_89 = tpu.memref_slice %arg6[%add3A_79, %dma_start3A_88] : memref<10240x128xf32, #tpu.memory_space<vmem_shared>> -> memref<128x128xf32, #tpu.memory_space<vmem_shared>>
      tpu.enqueue_dma source(%dma_start3A_89 : memref<128x128xf32, #tpu.memory_space<vmem_shared>>) target(%dma_start3A_87 : memref<128x128xf32, #tpu.memory_space<hbm>>) target_semaphore(%run_scoped3A : memref<!tpu.dma_semaphore, #tpu.memory_space<semaphore_mem>>)
      %dma_wait3A = arith.constant 0 : i32
      %dma_wait3A_90 = tpu.memref_slice %arg5[%arg0, %add3A_79, %dma_wait3A] : memref<2x10240x128xf32, #tpu.memory_space<hbm>> -> memref<1x128x128xf32, #tpu.memory_space<hbm>>
      %dma_wait3A_91 = tpu.memref_squeeze %dma_wait3A_90 : memref<1x128x128xf32, #tpu.memory_space<hbm>> -> memref<128x128xf32, #tpu.memory_space<hbm>>
      %dma_wait3A_92 = arith.constant 0 : i32
      %dma_wait3A_93 = tpu.memref_slice %arg6[%add3A_79, %dma_wait3A_92] : memref<10240x128xf32, #tpu.memory_space<vmem_shared>> -> memref<128x128xf32, #tpu.memory_space<vmem_shared>>
      tpu.wait_dma2 semaphore(%run_scoped3A : memref<!tpu.dma_semaphore, #tpu.memory_space<semaphore_mem>>) src(%dma_wait3A_93 : memref<128x128xf32, #tpu.memory_space<vmem_shared>>) dst(%dma_wait3A_91 : memref<128x128xf32, #tpu.memory_space<hbm>>)
      tpu.yield
    }) : () -> ()
    %add3A_80 = arith.constant 256 : i32
    %add3A_81 = arith.addi %mul3A_8, %add3A_80 : i32
    "tpu.region"() ({
      %run_scoped3A = tpu.sem_alloc : memref<!tpu.dma_semaphore, #tpu.memory_space<semaphore_mem>>
      %dma_start3A = arith.constant 0 : i32
      %dma_start3A_86 = tpu.memref_slice %arg5[%arg0, %add3A_81, %dma_start3A] : memref<2x10240x128xf32, #tpu.memory_space<hbm>> -> memref<1x128x128xf32, #tpu.memory_space<hbm>>
      %dma_start3A_87 = tpu.memref_squeeze %dma_start3A_86 : memref<1x128x128xf32, #tpu.memory_space<hbm>> -> memref<128x128xf32, #tpu.memory_space<hbm>>
      %dma_start3A_88 = arith.constant 0 : i32
      %dma_start3A_89 = tpu.memref_slice %arg6[%add3A_81, %dma_start3A_88] : memref<10240x128xf32, #tpu.memory_space<vmem_shared>> -> memref<128x128xf32, #tpu.memory_space<vmem_shared>>
      tpu.enqueue_dma source(%dma_start3A_89 : memref<128x128xf32, #tpu.memory_space<vmem_shared>>) target(%dma_start3A_87 : memref<128x128xf32, #tpu.memory_space<hbm>>) target_semaphore(%run_scoped3A : memref<!tpu.dma_semaphore, #tpu.memory_space<semaphore_mem>>)
      %dma_wait3A = arith.constant 0 : i32
      %dma_wait3A_90 = tpu.memref_slice %arg5[%arg0, %add3A_81, %dma_wait3A] : memref<2x10240x128xf32, #tpu.memory_space<hbm>> -> memref<1x128x128xf32, #tpu.memory_space<hbm>>
      %dma_wait3A_91 = tpu.memref_squeeze %dma_wait3A_90 : memref<1x128x128xf32, #tpu.memory_space<hbm>> -> memref<128x128xf32, #tpu.memory_space<hbm>>
      %dma_wait3A_92 = arith.constant 0 : i32
      %dma_wait3A_93 = tpu.memref_slice %arg6[%add3A_81, %dma_wait3A_92] : memref<10240x128xf32, #tpu.memory_space<vmem_shared>> -> memref<128x128xf32, #tpu.memory_space<vmem_shared>>
      tpu.wait_dma2 semaphore(%run_scoped3A : memref<!tpu.dma_semaphore, #tpu.memory_space<semaphore_mem>>) src(%dma_wait3A_93 : memref<128x128xf32, #tpu.memory_space<vmem_shared>>) dst(%dma_wait3A_91 : memref<128x128xf32, #tpu.memory_space<hbm>>)
      tpu.yield
    }) : () -> ()
    %add3A_82 = arith.constant 384 : i32
    %add3A_83 = arith.addi %mul3A_8, %add3A_82 : i32
    "tpu.region"() ({
      %run_scoped3A = tpu.sem_alloc : memref<!tpu.dma_semaphore, #tpu.memory_space<semaphore_mem>>
      %dma_start3A = arith.constant 0 : i32
      %dma_start3A_86 = tpu.memref_slice %arg5[%arg0, %add3A_83, %dma_start3A] : memref<2x10240x128xf32, #tpu.memory_space<hbm>> -> memref<1x128x128xf32, #tpu.memory_space<hbm>>
      %dma_start3A_87 = tpu.memref_squeeze %dma_start3A_86 : memref<1x128x128xf32, #tpu.memory_space<hbm>> -> memref<128x128xf32, #tpu.memory_space<hbm>>
      %dma_start3A_88 = arith.constant 0 : i32
      %dma_start3A_89 = tpu.memref_slice %arg6[%add3A_83, %dma_start3A_88] : memref<10240x128xf32, #tpu.memory_space<vmem_shared>> -> memref<128x128xf32, #tpu.memory_space<vmem_shared>>
      tpu.enqueue_dma source(%dma_start3A_89 : memref<128x128xf32, #tpu.memory_space<vmem_shared>>) target(%dma_start3A_87 : memref<128x128xf32, #tpu.memory_space<hbm>>) target_semaphore(%run_scoped3A : memref<!tpu.dma_semaphore, #tpu.memory_space<semaphore_mem>>)
      %dma_wait3A = arith.constant 0 : i32
      %dma_wait3A_90 = tpu.memref_slice %arg5[%arg0, %add3A_83, %dma_wait3A] : memref<2x10240x128xf32, #tpu.memory_space<hbm>> -> memref<1x128x128xf32, #tpu.memory_space<hbm>>
      %dma_wait3A_91 = tpu.memref_squeeze %dma_wait3A_90 : memref<1x128x128xf32, #tpu.memory_space<hbm>> -> memref<128x128xf32, #tpu.memory_space<hbm>>
      %dma_wait3A_92 = arith.constant 0 : i32
      %dma_wait3A_93 = tpu.memref_slice %arg6[%add3A_83, %dma_wait3A_92] : memref<10240x128xf32, #tpu.memory_space<vmem_shared>> -> memref<128x128xf32, #tpu.memory_space<vmem_shared>>
      tpu.wait_dma2 semaphore(%run_scoped3A : memref<!tpu.dma_semaphore, #tpu.memory_space<semaphore_mem>>) src(%dma_wait3A_93 : memref<128x128xf32, #tpu.memory_space<vmem_shared>>) dst(%dma_wait3A_91 : memref<128x128xf32, #tpu.memory_space<hbm>>)
      tpu.yield
    }) : () -> ()
    %add3A_84 = arith.constant 512 : i32
    %add3A_85 = arith.addi %mul3A_8, %add3A_84 : i32
    "tpu.region"() ({
      %run_scoped3A = tpu.sem_alloc : memref<!tpu.dma_semaphore, #tpu.memory_space<semaphore_mem>>
      %dma_start3A = arith.constant 0 : i32
      %dma_start3A_86 = tpu.memref_slice %arg5[%arg0, %add3A_85, %dma_start3A] : memref<2x10240x128xf32, #tpu.memory_space<hbm>> -> memref<1x128x128xf32, #tpu.memory_space<hbm>>
      %dma_start3A_87 = tpu.memref_squeeze %dma_start3A_86 : memref<1x128x128xf32, #tpu.memory_space<hbm>> -> memref<128x128xf32, #tpu.memory_space<hbm>>
      %dma_start3A_88 = arith.constant 0 : i32
      %dma_start3A_89 = tpu.memref_slice %arg6[%add3A_85, %dma_start3A_88] : memref<10240x128xf32, #tpu.memory_space<vmem_shared>> -> memref<128x128xf32, #tpu.memory_space<vmem_shared>>
      tpu.enqueue_dma source(%dma_start3A_89 : memref<128x128xf32, #tpu.memory_space<vmem_shared>>) target(%dma_start3A_87 : memref<128x128xf32, #tpu.memory_space<hbm>>) target_semaphore(%run_scoped3A : memref<!tpu.dma_semaphore, #tpu.memory_space<semaphore_mem>>)
      %dma_wait3A = arith.constant 0 : i32
      %dma_wait3A_90 = tpu.memref_slice %arg5[%arg0, %add3A_85, %dma_wait3A] : memref<2x10240x128xf32, #tpu.memory_space<hbm>> -> memref<1x128x128xf32, #tpu.memory_space<hbm>>
      %dma_wait3A_91 = tpu.memref_squeeze %dma_wait3A_90 : memref<1x128x128xf32, #tpu.memory_space<hbm>> -> memref<128x128xf32, #tpu.memory_space<hbm>>
      %dma_wait3A_92 = arith.constant 0 : i32
      %dma_wait3A_93 = tpu.memref_slice %arg6[%add3A_85, %dma_wait3A_92] : memref<10240x128xf32, #tpu.memory_space<vmem_shared>> -> memref<128x128xf32, #tpu.memory_space<vmem_shared>>
      tpu.wait_dma2 semaphore(%run_scoped3A : memref<!tpu.dma_semaphore, #tpu.memory_space<semaphore_mem>>) src(%dma_wait3A_93 : memref<128x128xf32, #tpu.memory_space<vmem_shared>>) dst(%dma_wait3A_91 : memref<128x128xf32, #tpu.memory_space<hbm>>)
      tpu.yield
    }) : () -> ()
    return
  }
}

#map = affine_map<(d0, d1) -> (0, 0)>
#map1 = affine_map<(d0, d1) -> (0, 0, 0)>
module attributes {stable_mosaic.version = 14 : i64} {
  func.func @_agg_body(%arg0: i32, %arg1: i32, %arg2: memref<2500x128xi32, #tpu.memory_space<hbm>>, %arg3: memref<2500x128xi32, #tpu.memory_space<hbm>>, %arg4: memref<10000x128xf32, #tpu.memory_space<hbm>>, %arg5: memref<2x10240x128xf32, #tpu.memory_space<hbm>>, %arg6: memref<10240x128xf32, #tpu.memory_space<vmem_shared>>, %arg7: memref<128xi32, #tpu.memory_space<vmem>>, %arg8: memref<128xi32, #tpu.memory_space<vmem>>, %arg9: memref<128x128xf32, #tpu.memory_space<vmem>>, %arg10: memref<!tpu.dma_semaphore, #tpu.memory_space<semaphore_mem>>) attributes {dimension_semantics = [#tpu.dimension_semantics<core_parallel>, #tpu.dimension_semantics<subcore_parallel>], iteration_bounds = array<i64: 2, 16>, scalar_prefetch = 0 : i64, scratch_operands = 5 : i64, tpu.core_type = #tpu.core_type<sc_vector_subcore>, window_params = [{transform_indices = #map}, {transform_indices = #map}, {transform_indices = #map}, {transform_indices = #map1}]} {
    %mul3A = arith.constant 16 : i32
    %mul3A_0 = arith.muli %arg0, %mul3A : i32
    %add3A = arith.addi %mul3A_0, %arg1 : i32
    %scan3A = arith.constant 0 : i32
    %scan3A_1 = arith.constant 0 : i32
    %scan3A_2 = arith.constant 128 : i32
    %scan3A_3 = arith.addi %scan3A_1, %scan3A_2 : i32
    %scan3A_4 = arith.constant 1 : i32
    %scan3A_5 = scf.for %scan3A_86 = %scan3A_1 to %scan3A_3 step %scan3A_4 iter_args(%scan3A_87 = %scan3A) -> (i32)  : i32 {
      %broadcast_in_dim3A = arith.constant 0.000000e+00 : f32
      %broadcast_in_dim3A_88 = vector.broadcast %broadcast_in_dim3A : f32 to vector<16xf32>
      %swap3A = arith.index_cast %scan3A_86 : i32 to index
      %swap3A_89 = arith.constant 0 : index
      %swap3A_90 = tpu.vector_load %arg9[%swap3A, %swap3A_89] {strides = array<i32>} : memref<128x128xf32, #tpu.memory_space<vmem>>, vector<1x16xf32>,
      %swap3A_91 = vector.shape_cast %swap3A_90 : vector<1x16xf32> to vector<16xf32>
      %swap3A_92 = vector.shape_cast %broadcast_in_dim3A_88 : vector<16xf32> to vector<1x16xf32>
      tpu.vector_store %arg9[%swap3A, %swap3A_89], %swap3A_92 {strides = array<i32>} : memref<128x128xf32, #tpu.memory_space<vmem>>, vector<1x16xf32>,
      %broadcast_in_dim3A_93 = arith.constant 0.000000e+00 : f32
      %broadcast_in_dim3A_94 = vector.broadcast %broadcast_in_dim3A_93 : f32 to vector<16xf32>
      %swap3A_95 = arith.index_cast %scan3A_86 : i32 to index
      %swap3A_96 = arith.constant 16 : index
      %swap3A_97 = tpu.vector_load %arg9[%swap3A_95, %swap3A_96] {strides = array<i32>} : memref<128x128xf32, #tpu.memory_space<vmem>>, vector<1x16xf32>,
      %swap3A_98 = vector.shape_cast %swap3A_97 : vector<1x16xf32> to vector<16xf32>
      %swap3A_99 = vector.shape_cast %broadcast_in_dim3A_94 : vector<16xf32> to vector<1x16xf32>
      tpu.vector_store %arg9[%swap3A_95, %swap3A_96], %swap3A_99 {strides = array<i32>} : memref<128x128xf32, #tpu.memory_space<vmem>>, vector<1x16xf32>,
      %broadcast_in_dim3A_100 = arith.constant 0.000000e+00 : f32
      %broadcast_in_dim3A_101 = vector.broadcast %broadcast_in_dim3A_100 : f32 to vector<16xf32>
      %swap3A_102 = arith.index_cast %scan3A_86 : i32 to index
      %swap3A_103 = arith.constant 32 : index
      %swap3A_104 = tpu.vector_load %arg9[%swap3A_102, %swap3A_103] {strides = array<i32>} : memref<128x128xf32, #tpu.memory_space<vmem>>, vector<1x16xf32>,
      %swap3A_105 = vector.shape_cast %swap3A_104 : vector<1x16xf32> to vector<16xf32>
      %swap3A_106 = vector.shape_cast %broadcast_in_dim3A_101 : vector<16xf32> to vector<1x16xf32>
      tpu.vector_store %arg9[%swap3A_102, %swap3A_103], %swap3A_106 {strides = array<i32>} : memref<128x128xf32, #tpu.memory_space<vmem>>, vector<1x16xf32>,
      %broadcast_in_dim3A_107 = arith.constant 0.000000e+00 : f32
      %broadcast_in_dim3A_108 = vector.broadcast %broadcast_in_dim3A_107 : f32 to vector<16xf32>
      %swap3A_109 = arith.index_cast %scan3A_86 : i32 to index
      %swap3A_110 = arith.constant 48 : index
      %swap3A_111 = tpu.vector_load %arg9[%swap3A_109, %swap3A_110] {strides = array<i32>} : memref<128x128xf32, #tpu.memory_space<vmem>>, vector<1x16xf32>,
      %swap3A_112 = vector.shape_cast %swap3A_111 : vector<1x16xf32> to vector<16xf32>
      %swap3A_113 = vector.shape_cast %broadcast_in_dim3A_108 : vector<16xf32> to vector<1x16xf32>
      tpu.vector_store %arg9[%swap3A_109, %swap3A_110], %swap3A_113 {strides = array<i32>} : memref<128x128xf32, #tpu.memory_space<vmem>>, vector<1x16xf32>,
      %broadcast_in_dim3A_114 = arith.constant 0.000000e+00 : f32
      %broadcast_in_dim3A_115 = vector.broadcast %broadcast_in_dim3A_114 : f32 to vector<16xf32>
      %swap3A_116 = arith.index_cast %scan3A_86 : i32 to index
      %swap3A_117 = arith.constant 64 : index
      %swap3A_118 = tpu.vector_load %arg9[%swap3A_116, %swap3A_117] {strides = array<i32>} : memref<128x128xf32, #tpu.memory_space<vmem>>, vector<1x16xf32>,
      %swap3A_119 = vector.shape_cast %swap3A_118 : vector<1x16xf32> to vector<16xf32>
      %swap3A_120 = vector.shape_cast %broadcast_in_dim3A_115 : vector<16xf32> to vector<1x16xf32>
      tpu.vector_store %arg9[%swap3A_116, %swap3A_117], %swap3A_120 {strides = array<i32>} : memref<128x128xf32, #tpu.memory_space<vmem>>, vector<1x16xf32>,
      %broadcast_in_dim3A_121 = arith.constant 0.000000e+00 : f32
      %broadcast_in_dim3A_122 = vector.broadcast %broadcast_in_dim3A_121 : f32 to vector<16xf32>
      %swap3A_123 = arith.index_cast %scan3A_86 : i32 to index
      %swap3A_124 = arith.constant 80 : index
      %swap3A_125 = tpu.vector_load %arg9[%swap3A_123, %swap3A_124] {strides = array<i32>} : memref<128x128xf32, #tpu.memory_space<vmem>>, vector<1x16xf32>,
      %swap3A_126 = vector.shape_cast %swap3A_125 : vector<1x16xf32> to vector<16xf32>
      %swap3A_127 = vector.shape_cast %broadcast_in_dim3A_122 : vector<16xf32> to vector<1x16xf32>
      tpu.vector_store %arg9[%swap3A_123, %swap3A_124], %swap3A_127 {strides = array<i32>} : memref<128x128xf32, #tpu.memory_space<vmem>>, vector<1x16xf32>,
      %broadcast_in_dim3A_128 = arith.constant 0.000000e+00 : f32
      %broadcast_in_dim3A_129 = vector.broadcast %broadcast_in_dim3A_128 : f32 to vector<16xf32>
      %swap3A_130 = arith.index_cast %scan3A_86 : i32 to index
      %swap3A_131 = arith.constant 96 : index
      %swap3A_132 = tpu.vector_load %arg9[%swap3A_130, %swap3A_131] {strides = array<i32>} : memref<128x128xf32, #tpu.memory_space<vmem>>, vector<1x16xf32>,
      %swap3A_133 = vector.shape_cast %swap3A_132 : vector<1x16xf32> to vector<16xf32>
      %swap3A_134 = vector.shape_cast %broadcast_in_dim3A_129 : vector<16xf32> to vector<1x16xf32>
      tpu.vector_store %arg9[%swap3A_130, %swap3A_131], %swap3A_134 {strides = array<i32>} : memref<128x128xf32, #tpu.memory_space<vmem>>, vector<1x16xf32>,
      %broadcast_in_dim3A_135 = arith.constant 0.000000e+00 : f32
      %broadcast_in_dim3A_136 = vector.broadcast %broadcast_in_dim3A_135 : f32 to vector<16xf32>
      %swap3A_137 = arith.index_cast %scan3A_86 : i32 to index
      %swap3A_138 = arith.constant 112 : index
      %swap3A_139 = tpu.vector_load %arg9[%swap3A_137, %swap3A_138] {strides = array<i32>} : memref<128x128xf32, #tpu.memory_space<vmem>>, vector<1x16xf32>,
      %swap3A_140 = vector.shape_cast %swap3A_139 : vector<1x16xf32> to vector<16xf32>
      %swap3A_141 = vector.shape_cast %broadcast_in_dim3A_136 : vector<16xf32> to vector<1x16xf32>
      tpu.vector_store %arg9[%swap3A_137, %swap3A_138], %swap3A_141 {strides = array<i32>} : memref<128x128xf32, #tpu.memory_space<vmem>>, vector<1x16xf32>,
      %scan3A_142 = arith.constant 0 : i32
      scf.yield %scan3A_142 : i32
    }
    %scan3A_6 = arith.constant 128 : i32
    %mul3A_7 = arith.constant 640 : i32
    %mul3A_8 = arith.muli %arg1, %mul3A_7 : i32
    %add3A_9 = arith.constant 0 : i32
    %add3A_10 = arith.addi %mul3A_8, %add3A_9 : i32
    "tpu.region"() ({
      %run_scoped3A = tpu.sem_alloc : memref<!tpu.dma_semaphore, #tpu.memory_space<semaphore_mem>>
      %dma_start3A = arith.constant 0 : i32
      %dma_start3A_86 = arith.constant 0 : i32
      %dma_start3A_87 = tpu.memref_slice %arg9[%dma_start3A, %dma_start3A_86] : memref<128x128xf32, #tpu.memory_space<vmem>> -> memref<128x128xf32, #tpu.memory_space<vmem>>
      %dma_start3A_88 = arith.constant 0 : i32
      %dma_start3A_89 = tpu.memref_slice %arg6[%add3A_10, %dma_start3A_88] : memref<10240x128xf32, #tpu.memory_space<vmem_shared>> -> memref<128x128xf32, #tpu.memory_space<vmem_shared>>
      %dma_start3A_90 = arith.constant 0 : i32
      %dma_start3A_91 = tpu.memref_slice %arg6[%add3A_10, %dma_start3A_90] : memref<10240x128xf32, #tpu.memory_space<vmem_shared>> -> memref<128x128xf32, #tpu.memory_space<vmem_shared>>
      %dma_start3A_92 = arith.constant 0 : i32
      %dma_start3A_93 = arith.constant 0 : i32
      %dma_start3A_94 = tpu.memref_slice %arg9[%dma_start3A_92, %dma_start3A_93] : memref<128x128xf32, #tpu.memory_space<vmem>> -> memref<128x128xf32, #tpu.memory_space<vmem>>
      tpu.enqueue_dma source(%dma_start3A_94 : memref<128x128xf32, #tpu.memory_space<vmem>>) target(%dma_start3A_91 : memref<128x128xf32, #tpu.memory_space<vmem_shared>>) target_semaphore(%run_scoped3A : memref<!tpu.dma_semaphore, #tpu.memory_space<semaphore_mem>>)
      %dma_wait3A = arith.constant 0 : i32
      %dma_wait3A_95 = arith.constant 0 : i32
      %dma_wait3A_96 = tpu.memref_slice %arg9[%dma_wait3A, %dma_wait3A_95] : memref<128x128xf32, #tpu.memory_space<vmem>> -> memref<128x128xf32, #tpu.memory_space<vmem>>
      %dma_wait3A_97 = arith.constant 0 : i32
      %dma_wait3A_98 = tpu.memref_slice %arg6[%add3A_10, %dma_wait3A_97] : memref<10240x128xf32, #tpu.memory_space<vmem_shared>> -> memref<128x128xf32, #tpu.memory_space<vmem_shared>>
      %dma_wait3A_99 = arith.constant 0 : i32
      %dma_wait3A_100 = tpu.memref_slice %arg6[%add3A_10, %dma_wait3A_99] : memref<10240x128xf32, #tpu.memory_space<vmem_shared>> -> memref<128x128xf32, #tpu.memory_space<vmem_shared>>
      %dma_wait3A_101 = arith.constant 0 : i32
      %dma_wait3A_102 = arith.constant 0 : i32
      %dma_wait3A_103 = tpu.memref_slice %arg9[%dma_wait3A_101, %dma_wait3A_102] : memref<128x128xf32, #tpu.memory_space<vmem>> -> memref<128x128xf32, #tpu.memory_space<vmem>>
      tpu.wait_dma2 semaphore(%run_scoped3A : memref<!tpu.dma_semaphore, #tpu.memory_space<semaphore_mem>>) src(%dma_wait3A_103 : memref<128x128xf32, #tpu.memory_space<vmem>>) dst(%dma_wait3A_100 : memref<128x128xf32, #tpu.memory_space<vmem_shared>>)
      tpu.yield
    }) : () -> ()
    %add3A_11 = arith.constant 128 : i32
    %add3A_12 = arith.addi %mul3A_8, %add3A_11 : i32
    "tpu.region"() ({
      %run_scoped3A = tpu.sem_alloc : memref<!tpu.dma_semaphore, #tpu.memory_space<semaphore_mem>>
      %dma_start3A = arith.constant 0 : i32
      %dma_start3A_86 = arith.constant 0 : i32
      %dma_start3A_87 = tpu.memref_slice %arg9[%dma_start3A, %dma_start3A_86] : memref<128x128xf32, #tpu.memory_space<vmem>> -> memref<128x128xf32, #tpu.memory_space<vmem>>
      %dma_start3A_88 = arith.constant 0 : i32
      %dma_start3A_89 = tpu.memref_slice %arg6[%add3A_12, %dma_start3A_88] : memref<10240x128xf32, #tpu.memory_space<vmem_shared>> -> memref<128x128xf32, #tpu.memory_space<vmem_shared>>
      %dma_start3A_90 = arith.constant 0 : i32
      %dma_start3A_91 = tpu.memref_slice %arg6[%add3A_12, %dma_start3A_90] : memref<10240x128xf32, #tpu.memory_space<vmem_shared>> -> memref<128x128xf32, #tpu.memory_space<vmem_shared>>
      %dma_start3A_92 = arith.constant 0 : i32
      %dma_start3A_93 = arith.constant 0 : i32
      %dma_start3A_94 = tpu.memref_slice %arg9[%dma_start3A_92, %dma_start3A_93] : memref<128x128xf32, #tpu.memory_space<vmem>> -> memref<128x128xf32, #tpu.memory_space<vmem>>
      tpu.enqueue_dma source(%dma_start3A_94 : memref<128x128xf32, #tpu.memory_space<vmem>>) target(%dma_start3A_91 : memref<128x128xf32, #tpu.memory_space<vmem_shared>>) target_semaphore(%run_scoped3A : memref<!tpu.dma_semaphore, #tpu.memory_space<semaphore_mem>>)
      %dma_wait3A = arith.constant 0 : i32
      %dma_wait3A_95 = arith.constant 0 : i32
      %dma_wait3A_96 = tpu.memref_slice %arg9[%dma_wait3A, %dma_wait3A_95] : memref<128x128xf32, #tpu.memory_space<vmem>> -> memref<128x128xf32, #tpu.memory_space<vmem>>
      %dma_wait3A_97 = arith.constant 0 : i32
      %dma_wait3A_98 = tpu.memref_slice %arg6[%add3A_12, %dma_wait3A_97] : memref<10240x128xf32, #tpu.memory_space<vmem_shared>> -> memref<128x128xf32, #tpu.memory_space<vmem_shared>>
      %dma_wait3A_99 = arith.constant 0 : i32
      %dma_wait3A_100 = tpu.memref_slice %arg6[%add3A_12, %dma_wait3A_99] : memref<10240x128xf32, #tpu.memory_space<vmem_shared>> -> memref<128x128xf32, #tpu.memory_space<vmem_shared>>
      %dma_wait3A_101 = arith.constant 0 : i32
      %dma_wait3A_102 = arith.constant 0 : i32
      %dma_wait3A_103 = tpu.memref_slice %arg9[%dma_wait3A_101, %dma_wait3A_102] : memref<128x128xf32, #tpu.memory_space<vmem>> -> memref<128x128xf32, #tpu.memory_space<vmem>>
      tpu.wait_dma2 semaphore(%run_scoped3A : memref<!tpu.dma_semaphore, #tpu.memory_space<semaphore_mem>>) src(%dma_wait3A_103 : memref<128x128xf32, #tpu.memory_space<vmem>>) dst(%dma_wait3A_100 : memref<128x128xf32, #tpu.memory_space<vmem_shared>>)
      tpu.yield
    }) : () -> ()
    %add3A_13 = arith.constant 256 : i32
    %add3A_14 = arith.addi %mul3A_8, %add3A_13 : i32
    "tpu.region"() ({
      %run_scoped3A = tpu.sem_alloc : memref<!tpu.dma_semaphore, #tpu.memory_space<semaphore_mem>>
      %dma_start3A = arith.constant 0 : i32
      %dma_start3A_86 = arith.constant 0 : i32
      %dma_start3A_87 = tpu.memref_slice %arg9[%dma_start3A, %dma_start3A_86] : memref<128x128xf32, #tpu.memory_space<vmem>> -> memref<128x128xf32, #tpu.memory_space<vmem>>
      %dma_start3A_88 = arith.constant 0 : i32
      %dma_start3A_89 = tpu.memref_slice %arg6[%add3A_14, %dma_start3A_88] : memref<10240x128xf32, #tpu.memory_space<vmem_shared>> -> memref<128x128xf32, #tpu.memory_space<vmem_shared>>
      %dma_start3A_90 = arith.constant 0 : i32
      %dma_start3A_91 = tpu.memref_slice %arg6[%add3A_14, %dma_start3A_90] : memref<10240x128xf32, #tpu.memory_space<vmem_shared>> -> memref<128x128xf32, #tpu.memory_space<vmem_shared>>
      %dma_start3A_92 = arith.constant 0 : i32
      %dma_start3A_93 = arith.constant 0 : i32
      %dma_start3A_94 = tpu.memref_slice %arg9[%dma_start3A_92, %dma_start3A_93] : memref<128x128xf32, #tpu.memory_space<vmem>> -> memref<128x128xf32, #tpu.memory_space<vmem>>
      tpu.enqueue_dma source(%dma_start3A_94 : memref<128x128xf32, #tpu.memory_space<vmem>>) target(%dma_start3A_91 : memref<128x128xf32, #tpu.memory_space<vmem_shared>>) target_semaphore(%run_scoped3A : memref<!tpu.dma_semaphore, #tpu.memory_space<semaphore_mem>>)
      %dma_wait3A = arith.constant 0 : i32
      %dma_wait3A_95 = arith.constant 0 : i32
      %dma_wait3A_96 = tpu.memref_slice %arg9[%dma_wait3A, %dma_wait3A_95] : memref<128x128xf32, #tpu.memory_space<vmem>> -> memref<128x128xf32, #tpu.memory_space<vmem>>
      %dma_wait3A_97 = arith.constant 0 : i32
      %dma_wait3A_98 = tpu.memref_slice %arg6[%add3A_14, %dma_wait3A_97] : memref<10240x128xf32, #tpu.memory_space<vmem_shared>> -> memref<128x128xf32, #tpu.memory_space<vmem_shared>>
      %dma_wait3A_99 = arith.constant 0 : i32
      %dma_wait3A_100 = tpu.memref_slice %arg6[%add3A_14, %dma_wait3A_99] : memref<10240x128xf32, #tpu.memory_space<vmem_shared>> -> memref<128x128xf32, #tpu.memory_space<vmem_shared>>
      %dma_wait3A_101 = arith.constant 0 : i32
      %dma_wait3A_102 = arith.constant 0 : i32
      %dma_wait3A_103 = tpu.memref_slice %arg9[%dma_wait3A_101, %dma_wait3A_102] : memref<128x128xf32, #tpu.memory_space<vmem>> -> memref<128x128xf32, #tpu.memory_space<vmem>>
      tpu.wait_dma2 semaphore(%run_scoped3A : memref<!tpu.dma_semaphore, #tpu.memory_space<semaphore_mem>>) src(%dma_wait3A_103 : memref<128x128xf32, #tpu.memory_space<vmem>>) dst(%dma_wait3A_100 : memref<128x128xf32, #tpu.memory_space<vmem_shared>>)
      tpu.yield
    }) : () -> ()
    %add3A_15 = arith.constant 384 : i32
    %add3A_16 = arith.addi %mul3A_8, %add3A_15 : i32
    "tpu.region"() ({
      %run_scoped3A = tpu.sem_alloc : memref<!tpu.dma_semaphore, #tpu.memory_space<semaphore_mem>>
      %dma_start3A = arith.constant 0 : i32
      %dma_start3A_86 = arith.constant 0 : i32
      %dma_start3A_87 = tpu.memref_slice %arg9[%dma_start3A, %dma_start3A_86] : memref<128x128xf32, #tpu.memory_space<vmem>> -> memref<128x128xf32, #tpu.memory_space<vmem>>
      %dma_start3A_88 = arith.constant 0 : i32
      %dma_start3A_89 = tpu.memref_slice %arg6[%add3A_16, %dma_start3A_88] : memref<10240x128xf32, #tpu.memory_space<vmem_shared>> -> memref<128x128xf32, #tpu.memory_space<vmem_shared>>
      %dma_start3A_90 = arith.constant 0 : i32
      %dma_start3A_91 = tpu.memref_slice %arg6[%add3A_16, %dma_start3A_90] : memref<10240x128xf32, #tpu.memory_space<vmem_shared>> -> memref<128x128xf32, #tpu.memory_space<vmem_shared>>
      %dma_start3A_92 = arith.constant 0 : i32
      %dma_start3A_93 = arith.constant 0 : i32
      %dma_start3A_94 = tpu.memref_slice %arg9[%dma_start3A_92, %dma_start3A_93] : memref<128x128xf32, #tpu.memory_space<vmem>> -> memref<128x128xf32, #tpu.memory_space<vmem>>
      tpu.enqueue_dma source(%dma_start3A_94 : memref<128x128xf32, #tpu.memory_space<vmem>>) target(%dma_start3A_91 : memref<128x128xf32, #tpu.memory_space<vmem_shared>>) target_semaphore(%run_scoped3A : memref<!tpu.dma_semaphore, #tpu.memory_space<semaphore_mem>>)
      %dma_wait3A = arith.constant 0 : i32
      %dma_wait3A_95 = arith.constant 0 : i32
      %dma_wait3A_96 = tpu.memref_slice %arg9[%dma_wait3A, %dma_wait3A_95] : memref<128x128xf32, #tpu.memory_space<vmem>> -> memref<128x128xf32, #tpu.memory_space<vmem>>
      %dma_wait3A_97 = arith.constant 0 : i32
      %dma_wait3A_98 = tpu.memref_slice %arg6[%add3A_16, %dma_wait3A_97] : memref<10240x128xf32, #tpu.memory_space<vmem_shared>> -> memref<128x128xf32, #tpu.memory_space<vmem_shared>>
      %dma_wait3A_99 = arith.constant 0 : i32
      %dma_wait3A_100 = tpu.memref_slice %arg6[%add3A_16, %dma_wait3A_99] : memref<10240x128xf32, #tpu.memory_space<vmem_shared>> -> memref<128x128xf32, #tpu.memory_space<vmem_shared>>
      %dma_wait3A_101 = arith.constant 0 : i32
      %dma_wait3A_102 = arith.constant 0 : i32
      %dma_wait3A_103 = tpu.memref_slice %arg9[%dma_wait3A_101, %dma_wait3A_102] : memref<128x128xf32, #tpu.memory_space<vmem>> -> memref<128x128xf32, #tpu.memory_space<vmem>>
      tpu.wait_dma2 semaphore(%run_scoped3A : memref<!tpu.dma_semaphore, #tpu.memory_space<semaphore_mem>>) src(%dma_wait3A_103 : memref<128x128xf32, #tpu.memory_space<vmem>>) dst(%dma_wait3A_100 : memref<128x128xf32, #tpu.memory_space<vmem_shared>>)
      tpu.yield
    }) : () -> ()
    %add3A_17 = arith.constant 512 : i32
    %add3A_18 = arith.addi %mul3A_8, %add3A_17 : i32
    "tpu.region"() ({
      %run_scoped3A = tpu.sem_alloc : memref<!tpu.dma_semaphore, #tpu.memory_space<semaphore_mem>>
      %dma_start3A = arith.constant 0 : i32
      %dma_start3A_86 = arith.constant 0 : i32
      %dma_start3A_87 = tpu.memref_slice %arg9[%dma_start3A, %dma_start3A_86] : memref<128x128xf32, #tpu.memory_space<vmem>> -> memref<128x128xf32, #tpu.memory_space<vmem>>
      %dma_start3A_88 = arith.constant 0 : i32
      %dma_start3A_89 = tpu.memref_slice %arg6[%add3A_18, %dma_start3A_88] : memref<10240x128xf32, #tpu.memory_space<vmem_shared>> -> memref<128x128xf32, #tpu.memory_space<vmem_shared>>
      %dma_start3A_90 = arith.constant 0 : i32
      %dma_start3A_91 = tpu.memref_slice %arg6[%add3A_18, %dma_start3A_90] : memref<10240x128xf32, #tpu.memory_space<vmem_shared>> -> memref<128x128xf32, #tpu.memory_space<vmem_shared>>
      %dma_start3A_92 = arith.constant 0 : i32
      %dma_start3A_93 = arith.constant 0 : i32
      %dma_start3A_94 = tpu.memref_slice %arg9[%dma_start3A_92, %dma_start3A_93] : memref<128x128xf32, #tpu.memory_space<vmem>> -> memref<128x128xf32, #tpu.memory_space<vmem>>
      tpu.enqueue_dma source(%dma_start3A_94 : memref<128x128xf32, #tpu.memory_space<vmem>>) target(%dma_start3A_91 : memref<128x128xf32, #tpu.memory_space<vmem_shared>>) target_semaphore(%run_scoped3A : memref<!tpu.dma_semaphore, #tpu.memory_space<semaphore_mem>>)
      %dma_wait3A = arith.constant 0 : i32
      %dma_wait3A_95 = arith.constant 0 : i32
      %dma_wait3A_96 = tpu.memref_slice %arg9[%dma_wait3A, %dma_wait3A_95] : memref<128x128xf32, #tpu.memory_space<vmem>> -> memref<128x128xf32, #tpu.memory_space<vmem>>
      %dma_wait3A_97 = arith.constant 0 : i32
      %dma_wait3A_98 = tpu.memref_slice %arg6[%add3A_18, %dma_wait3A_97] : memref<10240x128xf32, #tpu.memory_space<vmem_shared>> -> memref<128x128xf32, #tpu.memory_space<vmem_shared>>
      %dma_wait3A_99 = arith.constant 0 : i32
      %dma_wait3A_100 = tpu.memref_slice %arg6[%add3A_18, %dma_wait3A_99] : memref<10240x128xf32, #tpu.memory_space<vmem_shared>> -> memref<128x128xf32, #tpu.memory_space<vmem_shared>>
      %dma_wait3A_101 = arith.constant 0 : i32
      %dma_wait3A_102 = arith.constant 0 : i32
      %dma_wait3A_103 = tpu.memref_slice %arg9[%dma_wait3A_101, %dma_wait3A_102] : memref<128x128xf32, #tpu.memory_space<vmem>> -> memref<128x128xf32, #tpu.memory_space<vmem>>
      tpu.wait_dma2 semaphore(%run_scoped3A : memref<!tpu.dma_semaphore, #tpu.memory_space<semaphore_mem>>) src(%dma_wait3A_103 : memref<128x128xf32, #tpu.memory_space<vmem>>) dst(%dma_wait3A_100 : memref<128x128xf32, #tpu.memory_space<vmem_shared>>)
      tpu.yield
    }) : () -> ()
    %barrier3A = arith.constant 0 : index
    tpu.barrier barrier_id(%barrier3A)
    %mul3A_19 = arith.constant 2500 : i32
    %mul3A_20 = arith.muli %add3A, %mul3A_19 : i32
    %jit3A = arith.constant 32 : i32
    %div3A = arith.divsi %mul3A_20, %jit3A : i32
    %sign3A = arith.constant 0 : i32
    %sign3A_21 = arith.cmpi sgt, %mul3A_20, %sign3A : i32
    %sign3A_22 = arith.extui %sign3A_21 : i1 to i32
    %sign3A_23 = arith.constant 0 : i32
    %sign3A_24 = arith.cmpi slt, %mul3A_20, %sign3A_23 : i32
    %sign3A_25 = arith.extui %sign3A_24 : i1 to i32
    %sign3A_26 = arith.subi %sign3A_22, %sign3A_25 : i32
    %sign3A_27 = arith.constant 0 : i32
    %sign3A_28 = arith.cmpi sgt, %jit3A, %sign3A_27 : i32
    %sign3A_29 = arith.extui %sign3A_28 : i1 to i32
    %sign3A_30 = arith.constant 0 : i32
    %sign3A_31 = arith.cmpi slt, %jit3A, %sign3A_30 : i32
    %sign3A_32 = arith.extui %sign3A_31 : i1 to i32
    %sign3A_33 = arith.subi %sign3A_29, %sign3A_32 : i32
    %ne3A = arith.cmpi ne, %sign3A_26, %sign3A_33 : i32
    %rem3A = arith.remsi %mul3A_20, %jit3A : i32
    %ne3A_34 = arith.constant 0 : i32
    %ne3A_35 = arith.cmpi ne, %rem3A, %ne3A_34 : i32
    %and3A = arith.andi %ne3A, %ne3A_35 : i1
    %sub3A = arith.constant 1 : i32
    %sub3A_36 = arith.subi %div3A, %sub3A : i32
    %select_n3A = arith.select %and3A, %sub3A_36, %div3A : i32
    %add3A_37 = arith.constant 1 : i32
    %add3A_38 = arith.addi %add3A, %add3A_37 : i32
    %mul3A_39 = arith.constant 2500 : i32
    %mul3A_40 = arith.muli %add3A_38, %mul3A_39 : i32
    %jit3A_41 = arith.constant 32 : i32
    %div3A_42 = arith.divsi %mul3A_40, %jit3A_41 : i32
    %sign3A_43 = arith.constant 0 : i32
    %sign3A_44 = arith.cmpi sgt, %mul3A_40, %sign3A_43 : i32
    %sign3A_45 = arith.extui %sign3A_44 : i1 to i32
    %sign3A_46 = arith.constant 0 : i32
    %sign3A_47 = arith.cmpi slt, %mul3A_40, %sign3A_46 : i32
    %sign3A_48 = arith.extui %sign3A_47 : i1 to i32
    %sign3A_49 = arith.subi %sign3A_45, %sign3A_48 : i32
    %sign3A_50 = arith.constant 0 : i32
    %sign3A_51 = arith.cmpi sgt, %jit3A_41, %sign3A_50 : i32
    %sign3A_52 = arith.extui %sign3A_51 : i1 to i32
    %sign3A_53 = arith.constant 0 : i32
    %sign3A_54 = arith.cmpi slt, %jit3A_41, %sign3A_53 : i32
    %sign3A_55 = arith.extui %sign3A_54 : i1 to i32
    %sign3A_56 = arith.subi %sign3A_52, %sign3A_55 : i32
    %ne3A_57 = arith.cmpi ne, %sign3A_49, %sign3A_56 : i32
    %rem3A_58 = arith.remsi %mul3A_40, %jit3A_41 : i32
    %ne3A_59 = arith.constant 0 : i32
    %ne3A_60 = arith.cmpi ne, %rem3A_58, %ne3A_59 : i32
    %and3A_61 = arith.andi %ne3A_57, %ne3A_60 : i1
    %sub3A_62 = arith.constant 1 : i32
    %sub3A_63 = arith.subi %div3A_42, %sub3A_62 : i32
    %select_n3A_64 = arith.select %and3A_61, %sub3A_63, %div3A_42 : i32
    %while3A = arith.constant 0 : i32
    %while3A_65 = arith.subi %select_n3A_64, %select_n3A : i32
    %while3A_66 = arith.addi %select_n3A, %while3A_65 : i32
    %while3A_67 = arith.constant 1 : i32
    %while3A_68 = arith.divsi %while3A_65, %while3A_67 : i32
    %while3A_69 = arith.muli %while3A_68, %while3A_67 : i32
    %while3A_70 = arith.addi %select_n3A, %while3A_69 : i32
    %while3A_71 = arith.constant 1 : i32
    %while3A_72 = scf.for %while3A_86 = %select_n3A to %while3A_70 step %while3A_71 iter_args(%while3A_87 = %while3A) -> (i32)  : i32 {
      "tpu.region"() ({
        %run_scoped3A = tpu.sem_alloc : memref<!tpu.dma_semaphore, #tpu.memory_space<semaphore_mem>>
        %dma_start3A_93 = arith.constant 0 : i32
        %dma_start3A_94 = tpu.memref_slice %arg2[%while3A_86, %dma_start3A_93] : memref<2500x128xi32, #tpu.memory_space<hbm>> -> memref<1x128xi32, #tpu.memory_space<hbm>>
        %dma_start3A_95 = tpu.memref_squeeze %dma_start3A_94 : memref<1x128xi32, #tpu.memory_space<hbm>> -> memref<128xi32, #tpu.memory_space<hbm>>
        %dma_start3A_96 = arith.constant 0 : i32
        %dma_start3A_97 = tpu.memref_slice %arg2[%while3A_86, %dma_start3A_96] : memref<2500x128xi32, #tpu.memory_space<hbm>> -> memref<1x128xi32, #tpu.memory_space<hbm>>
        %dma_start3A_98 = tpu.memref_squeeze %dma_start3A_97 : memref<1x128xi32, #tpu.memory_space<hbm>> -> memref<128xi32, #tpu.memory_space<hbm>>
        tpu.enqueue_dma source(%dma_start3A_98 : memref<128xi32, #tpu.memory_space<hbm>>) target(%arg7 : memref<128xi32, #tpu.memory_space<vmem>>) target_semaphore(%run_scoped3A : memref<!tpu.dma_semaphore, #tpu.memory_space<semaphore_mem>>)
        %dma_wait3A_99 = arith.constant 0 : i32
        %dma_wait3A_100 = tpu.memref_slice %arg2[%while3A_86, %dma_wait3A_99] : memref<2500x128xi32, #tpu.memory_space<hbm>> -> memref<1x128xi32, #tpu.memory_space<hbm>>
        %dma_wait3A_101 = tpu.memref_squeeze %dma_wait3A_100 : memref<1x128xi32, #tpu.memory_space<hbm>> -> memref<128xi32, #tpu.memory_space<hbm>>
        %dma_wait3A_102 = arith.constant 0 : i32
        %dma_wait3A_103 = tpu.memref_slice %arg2[%while3A_86, %dma_wait3A_102] : memref<2500x128xi32, #tpu.memory_space<hbm>> -> memref<1x128xi32, #tpu.memory_space<hbm>>
        %dma_wait3A_104 = tpu.memref_squeeze %dma_wait3A_103 : memref<1x128xi32, #tpu.memory_space<hbm>> -> memref<128xi32, #tpu.memory_space<hbm>>
        tpu.wait_dma2 semaphore(%run_scoped3A : memref<!tpu.dma_semaphore, #tpu.memory_space<semaphore_mem>>) src(%dma_wait3A_104 : memref<128xi32, #tpu.memory_space<hbm>>) dst(%arg7 : memref<128xi32, #tpu.memory_space<vmem>>)
        tpu.yield
      }) : () -> ()
      "tpu.region"() ({
        %run_scoped3A = tpu.sem_alloc : memref<!tpu.dma_semaphore, #tpu.memory_space<semaphore_mem>>
        %dma_start3A_93 = arith.constant 0 : i32
        %dma_start3A_94 = tpu.memref_slice %arg3[%while3A_86, %dma_start3A_93] : memref<2500x128xi32, #tpu.memory_space<hbm>> -> memref<1x128xi32, #tpu.memory_space<hbm>>
        %dma_start3A_95 = tpu.memref_squeeze %dma_start3A_94 : memref<1x128xi32, #tpu.memory_space<hbm>> -> memref<128xi32, #tpu.memory_space<hbm>>
        %dma_start3A_96 = arith.constant 0 : i32
        %dma_start3A_97 = tpu.memref_slice %arg3[%while3A_86, %dma_start3A_96] : memref<2500x128xi32, #tpu.memory_space<hbm>> -> memref<1x128xi32, #tpu.memory_space<hbm>>
        %dma_start3A_98 = tpu.memref_squeeze %dma_start3A_97 : memref<1x128xi32, #tpu.memory_space<hbm>> -> memref<128xi32, #tpu.memory_space<hbm>>
        tpu.enqueue_dma source(%dma_start3A_98 : memref<128xi32, #tpu.memory_space<hbm>>) target(%arg8 : memref<128xi32, #tpu.memory_space<vmem>>) target_semaphore(%run_scoped3A : memref<!tpu.dma_semaphore, #tpu.memory_space<semaphore_mem>>)
        %dma_wait3A_99 = arith.constant 0 : i32
        %dma_wait3A_100 = tpu.memref_slice %arg3[%while3A_86, %dma_wait3A_99] : memref<2500x128xi32, #tpu.memory_space<hbm>> -> memref<1x128xi32, #tpu.memory_space<hbm>>
        %dma_wait3A_101 = tpu.memref_squeeze %dma_wait3A_100 : memref<1x128xi32, #tpu.memory_space<hbm>> -> memref<128xi32, #tpu.memory_space<hbm>>
        %dma_wait3A_102 = arith.constant 0 : i32
        %dma_wait3A_103 = tpu.memref_slice %arg3[%while3A_86, %dma_wait3A_102] : memref<2500x128xi32, #tpu.memory_space<hbm>> -> memref<1x128xi32, #tpu.memory_space<hbm>>
        %dma_wait3A_104 = tpu.memref_squeeze %dma_wait3A_103 : memref<1x128xi32, #tpu.memory_space<hbm>> -> memref<128xi32, #tpu.memory_space<hbm>>
        tpu.wait_dma2 semaphore(%run_scoped3A : memref<!tpu.dma_semaphore, #tpu.memory_space<semaphore_mem>>) src(%dma_wait3A_104 : memref<128xi32, #tpu.memory_space<hbm>>) dst(%arg8 : memref<128xi32, #tpu.memory_space<vmem>>)
        tpu.yield
      }) : () -> ()
      %dma_start3A = arith.constant 0 : i32
      %dma_start3A_88 = arith.constant 0 : i32
      %dma_start3A_89 = tpu.memref_slice %arg4[%dma_start3A, %dma_start3A_88] : memref<10000x128xf32, #tpu.memory_space<hbm>> -> memref<10000x128xf32, #tpu.memory_space<hbm>>
      tpu.enqueue_indirect_dma source(%dma_start3A_89 : memref<10000x128xf32, #tpu.memory_space<hbm>>) target(%arg9 : memref<128x128xf32, #tpu.memory_space<vmem>>) offsets(%arg7 : memref<128xi32, #tpu.memory_space<vmem>>) semaphore(%arg10 : memref<!tpu.dma_semaphore, #tpu.memory_space<semaphore_mem>>)
      %dma_wait3A = arith.constant 0 : i32
      %dma_wait3A_90 = arith.constant 0 : i32
      %dma_wait3A_91 = tpu.memref_slice %arg4[%dma_wait3A, %dma_wait3A_90] : memref<10000x128xf32, #tpu.memory_space<hbm>> -> memref<10000x128xf32, #tpu.memory_space<hbm>>
      tpu.wait_indirect_dma semaphore(%arg10 : memref<!tpu.dma_semaphore, #tpu.memory_space<semaphore_mem>>) src(%dma_wait3A_91 : memref<10000x128xf32, #tpu.memory_space<hbm>>) dst(%arg9 : memref<128x128xf32, #tpu.memory_space<vmem>>)
      "tpu.region"() ({
        %run_scoped3A = tpu.sem_alloc : memref<!tpu.dma_semaphore, #tpu.memory_space<semaphore_mem>>
        %dma_start3A_93 = arith.constant 0 : i32
        %dma_start3A_94 = arith.constant 0 : i32
        %dma_start3A_95 = tpu.memref_slice %arg6[%dma_start3A_93, %dma_start3A_94] : memref<10240x128xf32, #tpu.memory_space<vmem_shared>> -> memref<10240x128xf32, #tpu.memory_space<vmem_shared>>
        tpu.enqueue_indirect_dma source(%arg9 : memref<128x128xf32, #tpu.memory_space<vmem>>) target(%dma_start3A_95 : memref<10240x128xf32, #tpu.memory_space<vmem_shared>>) offsets(%arg8 : memref<128xi32, #tpu.memory_space<vmem>>) semaphore(%run_scoped3A : memref<!tpu.dma_semaphore, #tpu.memory_space<semaphore_mem>>) {add = true}
        %dma_wait3A_96 = arith.constant 0 : i32
        %dma_wait3A_97 = arith.constant 0 : i32
        %dma_wait3A_98 = tpu.memref_slice %arg6[%dma_wait3A_96, %dma_wait3A_97] : memref<10240x128xf32, #tpu.memory_space<vmem_shared>> -> memref<10240x128xf32, #tpu.memory_space<vmem_shared>>
        tpu.wait_indirect_dma semaphore(%run_scoped3A : memref<!tpu.dma_semaphore, #tpu.memory_space<semaphore_mem>>) src(%arg9 : memref<128x128xf32, #tpu.memory_space<vmem>>) dst(%dma_wait3A_98 : memref<10240x128xf32, #tpu.memory_space<vmem_shared>>)
        tpu.yield
      }) : () -> ()
      %while3A_92 = arith.constant 0 : i32
      scf.yield %while3A_92 : i32
    }
    %while3A_73 = arith.constant 1 : i32
    %while3A_74 = scf.for %while3A_86 = %while3A_70 to %while3A_66 step %while3A_73 iter_args(%while3A_87 = %while3A_72) -> (i32)  : i32 {
      "tpu.region"() ({
        %run_scoped3A = tpu.sem_alloc : memref<!tpu.dma_semaphore, #tpu.memory_space<semaphore_mem>>
        %dma_start3A_93 = arith.constant 0 : i32
        %dma_start3A_94 = tpu.memref_slice %arg2[%while3A_86, %dma_start3A_93] : memref<2500x128xi32, #tpu.memory_space<hbm>> -> memref<1x128xi32, #tpu.memory_space<hbm>>
        %dma_start3A_95 = tpu.memref_squeeze %dma_start3A_94 : memref<1x128xi32, #tpu.memory_space<hbm>> -> memref<128xi32, #tpu.memory_space<hbm>>
        %dma_start3A_96 = arith.constant 0 : i32
        %dma_start3A_97 = tpu.memref_slice %arg2[%while3A_86, %dma_start3A_96] : memref<2500x128xi32, #tpu.memory_space<hbm>> -> memref<1x128xi32, #tpu.memory_space<hbm>>
        %dma_start3A_98 = tpu.memref_squeeze %dma_start3A_97 : memref<1x128xi32, #tpu.memory_space<hbm>> -> memref<128xi32, #tpu.memory_space<hbm>>
        tpu.enqueue_dma source(%dma_start3A_98 : memref<128xi32, #tpu.memory_space<hbm>>) target(%arg7 : memref<128xi32, #tpu.memory_space<vmem>>) target_semaphore(%run_scoped3A : memref<!tpu.dma_semaphore, #tpu.memory_space<semaphore_mem>>)
        %dma_wait3A_99 = arith.constant 0 : i32
        %dma_wait3A_100 = tpu.memref_slice %arg2[%while3A_86, %dma_wait3A_99] : memref<2500x128xi32, #tpu.memory_space<hbm>> -> memref<1x128xi32, #tpu.memory_space<hbm>>
        %dma_wait3A_101 = tpu.memref_squeeze %dma_wait3A_100 : memref<1x128xi32, #tpu.memory_space<hbm>> -> memref<128xi32, #tpu.memory_space<hbm>>
        %dma_wait3A_102 = arith.constant 0 : i32
        %dma_wait3A_103 = tpu.memref_slice %arg2[%while3A_86, %dma_wait3A_102] : memref<2500x128xi32, #tpu.memory_space<hbm>> -> memref<1x128xi32, #tpu.memory_space<hbm>>
        %dma_wait3A_104 = tpu.memref_squeeze %dma_wait3A_103 : memref<1x128xi32, #tpu.memory_space<hbm>> -> memref<128xi32, #tpu.memory_space<hbm>>
        tpu.wait_dma2 semaphore(%run_scoped3A : memref<!tpu.dma_semaphore, #tpu.memory_space<semaphore_mem>>) src(%dma_wait3A_104 : memref<128xi32, #tpu.memory_space<hbm>>) dst(%arg7 : memref<128xi32, #tpu.memory_space<vmem>>)
        tpu.yield
      }) : () -> ()
      "tpu.region"() ({
        %run_scoped3A = tpu.sem_alloc : memref<!tpu.dma_semaphore, #tpu.memory_space<semaphore_mem>>
        %dma_start3A_93 = arith.constant 0 : i32
        %dma_start3A_94 = tpu.memref_slice %arg3[%while3A_86, %dma_start3A_93] : memref<2500x128xi32, #tpu.memory_space<hbm>> -> memref<1x128xi32, #tpu.memory_space<hbm>>
        %dma_start3A_95 = tpu.memref_squeeze %dma_start3A_94 : memref<1x128xi32, #tpu.memory_space<hbm>> -> memref<128xi32, #tpu.memory_space<hbm>>
        %dma_start3A_96 = arith.constant 0 : i32
        %dma_start3A_97 = tpu.memref_slice %arg3[%while3A_86, %dma_start3A_96] : memref<2500x128xi32, #tpu.memory_space<hbm>> -> memref<1x128xi32, #tpu.memory_space<hbm>>
        %dma_start3A_98 = tpu.memref_squeeze %dma_start3A_97 : memref<1x128xi32, #tpu.memory_space<hbm>> -> memref<128xi32, #tpu.memory_space<hbm>>
        tpu.enqueue_dma source(%dma_start3A_98 : memref<128xi32, #tpu.memory_space<hbm>>) target(%arg8 : memref<128xi32, #tpu.memory_space<vmem>>) target_semaphore(%run_scoped3A : memref<!tpu.dma_semaphore, #tpu.memory_space<semaphore_mem>>)
        %dma_wait3A_99 = arith.constant 0 : i32
        %dma_wait3A_100 = tpu.memref_slice %arg3[%while3A_86, %dma_wait3A_99] : memref<2500x128xi32, #tpu.memory_space<hbm>> -> memref<1x128xi32, #tpu.memory_space<hbm>>
        %dma_wait3A_101 = tpu.memref_squeeze %dma_wait3A_100 : memref<1x128xi32, #tpu.memory_space<hbm>> -> memref<128xi32, #tpu.memory_space<hbm>>
        %dma_wait3A_102 = arith.constant 0 : i32
        %dma_wait3A_103 = tpu.memref_slice %arg3[%while3A_86, %dma_wait3A_102] : memref<2500x128xi32, #tpu.memory_space<hbm>> -> memref<1x128xi32, #tpu.memory_space<hbm>>
        %dma_wait3A_104 = tpu.memref_squeeze %dma_wait3A_103 : memref<1x128xi32, #tpu.memory_space<hbm>> -> memref<128xi32, #tpu.memory_space<hbm>>
        tpu.wait_dma2 semaphore(%run_scoped3A : memref<!tpu.dma_semaphore, #tpu.memory_space<semaphore_mem>>) src(%dma_wait3A_104 : memref<128xi32, #tpu.memory_space<hbm>>) dst(%arg8 : memref<128xi32, #tpu.memory_space<vmem>>)
        tpu.yield
      }) : () -> ()
      %dma_start3A = arith.constant 0 : i32
      %dma_start3A_88 = arith.constant 0 : i32
      %dma_start3A_89 = tpu.memref_slice %arg4[%dma_start3A, %dma_start3A_88] : memref<10000x128xf32, #tpu.memory_space<hbm>> -> memref<10000x128xf32, #tpu.memory_space<hbm>>
      tpu.enqueue_indirect_dma source(%dma_start3A_89 : memref<10000x128xf32, #tpu.memory_space<hbm>>) target(%arg9 : memref<128x128xf32, #tpu.memory_space<vmem>>) offsets(%arg7 : memref<128xi32, #tpu.memory_space<vmem>>) semaphore(%arg10 : memref<!tpu.dma_semaphore, #tpu.memory_space<semaphore_mem>>)
      %dma_wait3A = arith.constant 0 : i32
      %dma_wait3A_90 = arith.constant 0 : i32
      %dma_wait3A_91 = tpu.memref_slice %arg4[%dma_wait3A, %dma_wait3A_90] : memref<10000x128xf32, #tpu.memory_space<hbm>> -> memref<10000x128xf32, #tpu.memory_space<hbm>>
      tpu.wait_indirect_dma semaphore(%arg10 : memref<!tpu.dma_semaphore, #tpu.memory_space<semaphore_mem>>) src(%dma_wait3A_91 : memref<10000x128xf32, #tpu.memory_space<hbm>>) dst(%arg9 : memref<128x128xf32, #tpu.memory_space<vmem>>)
      "tpu.region"() ({
        %run_scoped3A = tpu.sem_alloc : memref<!tpu.dma_semaphore, #tpu.memory_space<semaphore_mem>>
        %dma_start3A_93 = arith.constant 0 : i32
        %dma_start3A_94 = arith.constant 0 : i32
        %dma_start3A_95 = tpu.memref_slice %arg6[%dma_start3A_93, %dma_start3A_94] : memref<10240x128xf32, #tpu.memory_space<vmem_shared>> -> memref<10240x128xf32, #tpu.memory_space<vmem_shared>>
        tpu.enqueue_indirect_dma source(%arg9 : memref<128x128xf32, #tpu.memory_space<vmem>>) target(%dma_start3A_95 : memref<10240x128xf32, #tpu.memory_space<vmem_shared>>) offsets(%arg8 : memref<128xi32, #tpu.memory_space<vmem>>) semaphore(%run_scoped3A : memref<!tpu.dma_semaphore, #tpu.memory_space<semaphore_mem>>) {add = true}
        %dma_wait3A_96 = arith.constant 0 : i32
        %dma_wait3A_97 = arith.constant 0 : i32
        %dma_wait3A_98 = tpu.memref_slice %arg6[%dma_wait3A_96, %dma_wait3A_97] : memref<10240x128xf32, #tpu.memory_space<vmem_shared>> -> memref<10240x128xf32, #tpu.memory_space<vmem_shared>>
        tpu.wait_indirect_dma semaphore(%run_scoped3A : memref<!tpu.dma_semaphore, #tpu.memory_space<semaphore_mem>>) src(%arg9 : memref<128x128xf32, #tpu.memory_space<vmem>>) dst(%dma_wait3A_98 : memref<10240x128xf32, #tpu.memory_space<vmem_shared>>)
        tpu.yield
      }) : () -> ()
      %while3A_92 = arith.constant 0 : i32
      scf.yield %while3A_92 : i32
    }
    %barrier3A_75 = arith.constant 0 : index
    tpu.barrier barrier_id(%barrier3A_75)
    %add3A_76 = arith.constant 0 : i32
    %add3A_77 = arith.addi %mul3A_8, %add3A_76 : i32
    "tpu.region"() ({
      %run_scoped3A = tpu.sem_alloc : memref<!tpu.dma_semaphore, #tpu.memory_space<semaphore_mem>>
      %dma_start3A = arith.constant 0 : i32
      %dma_start3A_86 = tpu.memref_slice %arg5[%arg0, %add3A_77, %dma_start3A] : memref<2x10240x128xf32, #tpu.memory_space<hbm>> -> memref<1x128x128xf32, #tpu.memory_space<hbm>>
      %dma_start3A_87 = tpu.memref_squeeze %dma_start3A_86 : memref<1x128x128xf32, #tpu.memory_space<hbm>> -> memref<128x128xf32, #tpu.memory_space<hbm>>
      %dma_start3A_88 = arith.constant 0 : i32
      %dma_start3A_89 = tpu.memref_slice %arg6[%add3A_77, %dma_start3A_88] : memref<10240x128xf32, #tpu.memory_space<vmem_shared>> -> memref<128x128xf32, #tpu.memory_space<vmem_shared>>
      tpu.enqueue_dma source(%dma_start3A_89 : memref<128x128xf32, #tpu.memory_space<vmem_shared>>) target(%dma_start3A_87 : memref<128x128xf32, #tpu.memory_space<hbm>>) target_semaphore(%run_scoped3A : memref<!tpu.dma_semaphore, #tpu.memory_space<semaphore_mem>>)
      %dma_wait3A = arith.constant 0 : i32
      %dma_wait3A_90 = tpu.memref_slice %arg5[%arg0, %add3A_77, %dma_wait3A] : memref<2x10240x128xf32, #tpu.memory_space<hbm>> -> memref<1x128x128xf32, #tpu.memory_space<hbm>>
      %dma_wait3A_91 = tpu.memref_squeeze %dma_wait3A_90 : memref<1x128x128xf32, #tpu.memory_space<hbm>> -> memref<128x128xf32, #tpu.memory_space<hbm>>
      %dma_wait3A_92 = arith.constant 0 : i32
      %dma_wait3A_93 = tpu.memref_slice %arg6[%add3A_77, %dma_wait3A_92] : memref<10240x128xf32, #tpu.memory_space<vmem_shared>> -> memref<128x128xf32, #tpu.memory_space<vmem_shared>>
      tpu.wait_dma2 semaphore(%run_scoped3A : memref<!tpu.dma_semaphore, #tpu.memory_space<semaphore_mem>>) src(%dma_wait3A_93 : memref<128x128xf32, #tpu.memory_space<vmem_shared>>) dst(%dma_wait3A_91 : memref<128x128xf32, #tpu.memory_space<hbm>>)
      tpu.yield
    }) : () -> ()
    %add3A_78 = arith.constant 128 : i32
    %add3A_79 = arith.addi %mul3A_8, %add3A_78 : i32
    "tpu.region"() ({
      %run_scoped3A = tpu.sem_alloc : memref<!tpu.dma_semaphore, #tpu.memory_space<semaphore_mem>>
      %dma_start3A = arith.constant 0 : i32
      %dma_start3A_86 = tpu.memref_slice %arg5[%arg0, %add3A_79, %dma_start3A] : memref<2x10240x128xf32, #tpu.memory_space<hbm>> -> memref<1x128x128xf32, #tpu.memory_space<hbm>>
      %dma_start3A_87 = tpu.memref_squeeze %dma_start3A_86 : memref<1x128x128xf32, #tpu.memory_space<hbm>> -> memref<128x128xf32, #tpu.memory_space<hbm>>
      %dma_start3A_88 = arith.constant 0 : i32
      %dma_start3A_89 = tpu.memref_slice %arg6[%add3A_79, %dma_start3A_88] : memref<10240x128xf32, #tpu.memory_space<vmem_shared>> -> memref<128x128xf32, #tpu.memory_space<vmem_shared>>
      tpu.enqueue_dma source(%dma_start3A_89 : memref<128x128xf32, #tpu.memory_space<vmem_shared>>) target(%dma_start3A_87 : memref<128x128xf32, #tpu.memory_space<hbm>>) target_semaphore(%run_scoped3A : memref<!tpu.dma_semaphore, #tpu.memory_space<semaphore_mem>>)
      %dma_wait3A = arith.constant 0 : i32
      %dma_wait3A_90 = tpu.memref_slice %arg5[%arg0, %add3A_79, %dma_wait3A] : memref<2x10240x128xf32, #tpu.memory_space<hbm>> -> memref<1x128x128xf32, #tpu.memory_space<hbm>>
      %dma_wait3A_91 = tpu.memref_squeeze %dma_wait3A_90 : memref<1x128x128xf32, #tpu.memory_space<hbm>> -> memref<128x128xf32, #tpu.memory_space<hbm>>
      %dma_wait3A_92 = arith.constant 0 : i32
      %dma_wait3A_93 = tpu.memref_slice %arg6[%add3A_79, %dma_wait3A_92] : memref<10240x128xf32, #tpu.memory_space<vmem_shared>> -> memref<128x128xf32, #tpu.memory_space<vmem_shared>>
      tpu.wait_dma2 semaphore(%run_scoped3A : memref<!tpu.dma_semaphore, #tpu.memory_space<semaphore_mem>>) src(%dma_wait3A_93 : memref<128x128xf32, #tpu.memory_space<vmem_shared>>) dst(%dma_wait3A_91 : memref<128x128xf32, #tpu.memory_space<hbm>>)
      tpu.yield
    }) : () -> ()
    %add3A_80 = arith.constant 256 : i32
    %add3A_81 = arith.addi %mul3A_8, %add3A_80 : i32
    "tpu.region"() ({
      %run_scoped3A = tpu.sem_alloc : memref<!tpu.dma_semaphore, #tpu.memory_space<semaphore_mem>>
      %dma_start3A = arith.constant 0 : i32
      %dma_start3A_86 = tpu.memref_slice %arg5[%arg0, %add3A_81, %dma_start3A] : memref<2x10240x128xf32, #tpu.memory_space<hbm>> -> memref<1x128x128xf32, #tpu.memory_space<hbm>>
      %dma_start3A_87 = tpu.memref_squeeze %dma_start3A_86 : memref<1x128x128xf32, #tpu.memory_space<hbm>> -> memref<128x128xf32, #tpu.memory_space<hbm>>
      %dma_start3A_88 = arith.constant 0 : i32
      %dma_start3A_89 = tpu.memref_slice %arg6[%add3A_81, %dma_start3A_88] : memref<10240x128xf32, #tpu.memory_space<vmem_shared>> -> memref<128x128xf32, #tpu.memory_space<vmem_shared>>
      tpu.enqueue_dma source(%dma_start3A_89 : memref<128x128xf32, #tpu.memory_space<vmem_shared>>) target(%dma_start3A_87 : memref<128x128xf32, #tpu.memory_space<hbm>>) target_semaphore(%run_scoped3A : memref<!tpu.dma_semaphore, #tpu.memory_space<semaphore_mem>>)
      %dma_wait3A = arith.constant 0 : i32
      %dma_wait3A_90 = tpu.memref_slice %arg5[%arg0, %add3A_81, %dma_wait3A] : memref<2x10240x128xf32, #tpu.memory_space<hbm>> -> memref<1x128x128xf32, #tpu.memory_space<hbm>>
      %dma_wait3A_91 = tpu.memref_squeeze %dma_wait3A_90 : memref<1x128x128xf32, #tpu.memory_space<hbm>> -> memref<128x128xf32, #tpu.memory_space<hbm>>
      %dma_wait3A_92 = arith.constant 0 : i32
      %dma_wait3A_93 = tpu.memref_slice %arg6[%add3A_81, %dma_wait3A_92] : memref<10240x128xf32, #tpu.memory_space<vmem_shared>> -> memref<128x128xf32, #tpu.memory_space<vmem_shared>>
      tpu.wait_dma2 semaphore(%run_scoped3A : memref<!tpu.dma_semaphore, #tpu.memory_space<semaphore_mem>>) src(%dma_wait3A_93 : memref<128x128xf32, #tpu.memory_space<vmem_shared>>) dst(%dma_wait3A_91 : memref<128x128xf32, #tpu.memory_space<hbm>>)
      tpu.yield
    }) : () -> ()
    %add3A_82 = arith.constant 384 : i32
    %add3A_83 = arith.addi %mul3A_8, %add3A_82 : i32
    "tpu.region"() ({
      %run_scoped3A = tpu.sem_alloc : memref<!tpu.dma_semaphore, #tpu.memory_space<semaphore_mem>>
      %dma_start3A = arith.constant 0 : i32
      %dma_start3A_86 = tpu.memref_slice %arg5[%arg0, %add3A_83, %dma_start3A] : memref<2x10240x128xf32, #tpu.memory_space<hbm>> -> memref<1x128x128xf32, #tpu.memory_space<hbm>>
      %dma_start3A_87 = tpu.memref_squeeze %dma_start3A_86 : memref<1x128x128xf32, #tpu.memory_space<hbm>> -> memref<128x128xf32, #tpu.memory_space<hbm>>
      %dma_start3A_88 = arith.constant 0 : i32
      %dma_start3A_89 = tpu.memref_slice %arg6[%add3A_83, %dma_start3A_88] : memref<10240x128xf32, #tpu.memory_space<vmem_shared>> -> memref<128x128xf32, #tpu.memory_space<vmem_shared>>
      tpu.enqueue_dma source(%dma_start3A_89 : memref<128x128xf32, #tpu.memory_space<vmem_shared>>) target(%dma_start3A_87 : memref<128x128xf32, #tpu.memory_space<hbm>>) target_semaphore(%run_scoped3A : memref<!tpu.dma_semaphore, #tpu.memory_space<semaphore_mem>>)
      %dma_wait3A = arith.constant 0 : i32
      %dma_wait3A_90 = tpu.memref_slice %arg5[%arg0, %add3A_83, %dma_wait3A] : memref<2x10240x128xf32, #tpu.memory_space<hbm>> -> memref<1x128x128xf32, #tpu.memory_space<hbm>>
      %dma_wait3A_91 = tpu.memref_squeeze %dma_wait3A_90 : memref<1x128x128xf32, #tpu.memory_space<hbm>> -> memref<128x128xf32, #tpu.memory_space<hbm>>
      %dma_wait3A_92 = arith.constant 0 : i32
      %dma_wait3A_93 = tpu.memref_slice %arg6[%add3A_83, %dma_wait3A_92] : memref<10240x128xf32, #tpu.memory_space<vmem_shared>> -> memref<128x128xf32, #tpu.memory_space<vmem_shared>>
      tpu.wait_dma2 semaphore(%run_scoped3A : memref<!tpu.dma_semaphore, #tpu.memory_space<semaphore_mem>>) src(%dma_wait3A_93 : memref<128x128xf32, #tpu.memory_space<vmem_shared>>) dst(%dma_wait3A_91 : memref<128x128xf32, #tpu.memory_space<hbm>>)
      tpu.yield
    }) : () -> ()
    %add3A_84 = arith.constant 512 : i32
    %add3A_85 = arith.addi %mul3A_8, %add3A_84 : i32
    "tpu.region"() ({
      %run_scoped3A = tpu.sem_alloc : memref<!tpu.dma_semaphore, #tpu.memory_space<semaphore_mem>>
      %dma_start3A = arith.constant 0 : i32
      %dma_start3A_86 = tpu.memref_slice %arg5[%arg0, %add3A_85, %dma_start3A] : memref<2x10240x128xf32, #tpu.memory_space<hbm>> -> memref<1x128x128xf32, #tpu.memory_space<hbm>>
      %dma_start3A_87 = tpu.memref_squeeze %dma_start3A_86 : memref<1x128x128xf32, #tpu.memory_space<hbm>> -> memref<128x128xf32, #tpu.memory_space<hbm>>
      %dma_start3A_88 = arith.constant 0 : i32
      %dma_start3A_89 = tpu.memref_slice %arg6[%add3A_85, %dma_start3A_88] : memref<10240x128xf32, #tpu.memory_space<vmem_shared>> -> memref<128x128xf32, #tpu.memory_space<vmem_shared>>
      tpu.enqueue_dma source(%dma_start3A_89 : memref<128x128xf32, #tpu.memory_space<vmem_shared>>) target(%dma_start3A_87 : memref<128x128xf32, #tpu.memory_space<hbm>>) target_semaphore(%run_scoped3A : memref<!tpu.dma_semaphore, #tpu.memory_space<semaphore_mem>>)
      %dma_wait3A = arith.constant 0 : i32
      %dma_wait3A_90 = tpu.memref_slice %arg5[%arg0, %add3A_85, %dma_wait3A] : memref<2x10240x128xf32, #tpu.memory_space<hbm>> -> memref<1x128x128xf32, #tpu.memory_space<hbm>>
      %dma_wait3A_91 = tpu.memref_squeeze %dma_wait3A_90 : memref<1x128x128xf32, #tpu.memory_space<hbm>> -> memref<128x128xf32, #tpu.memory_space<hbm>>
      %dma_wait3A_92 = arith.constant 0 : i32
      %dma_wait3A_93 = tpu.memref_slice %arg6[%add3A_85, %dma_wait3A_92] : memref<10240x128xf32, #tpu.memory_space<vmem_shared>> -> memref<128x128xf32, #tpu.memory_space<vmem_shared>>
      tpu.wait_dma2 semaphore(%run_scoped3A : memref<!tpu.dma_semaphore, #tpu.memory_space<semaphore_mem>>) src(%dma_wait3A_93 : memref<128x128xf32, #tpu.memory_space<vmem_shared>>) dst(%dma_wait3A_91 : memref<128x128xf32, #tpu.memory_space<hbm>>)
      tpu.yield
    }) : () -> ()
    return
  }
}

module attributes {stable_mosaic.version = 14 : i64} {
  func.func @body(%arg0: i32, %arg1: memref<2x400x128xf32, #tpu.memory_space<vmem>>, %arg2: memref<400x1xf32, #tpu.memory_space<vmem>>, %arg3: memref<400x128xf32, #tpu.memory_space<vmem>>, %arg4: memref<128x128xf32, #tpu.memory_space<vmem>>, %arg5: memref<1x128xf32, #tpu.memory_space<vmem>>, %arg6: memref<128x128xf32, #tpu.memory_space<vmem>>, %arg7: memref<400x128xf32, #tpu.memory_space<vmem>>) attributes {dimension_semantics = [#tpu.dimension_semantics<arbitrary>], iteration_bounds = array<i64: 25>, scalar_prefetch = 0 : i64, scratch_operands = 0 : i64, tpu.core_type = #tpu.core_type<tc>, window_params = [{transform_indices = @transform_0, window_bounds = array<i64: 2, 400, 128>}, {transform_indices = @transform_1, window_bounds = array<i64: 400, 1>}, {transform_indices = @transform_2, window_bounds = array<i64: 400, 128>}, {pipeline_mode = #tpu.pipeline_mode<synchronous>, transform_indices = @transform_3, window_bounds = array<i64: 128, 128>}, {pipeline_mode = #tpu.pipeline_mode<synchronous>, transform_indices = @transform_4, window_bounds = array<i64: 1, 128>}, {pipeline_mode = #tpu.pipeline_mode<synchronous>, transform_indices = @transform_5, window_bounds = array<i64: 128, 128>}, {transform_indices = @transform_6, window_bounds = array<i64: 400, 128>}]} {
    %get3A = arith.constant 0 : index
    %get3A_0 = arith.constant 0 : index
    %get3A_1 = arith.constant 0 : index
    %get3A_2 = vector.load %arg1[%get3A, %get3A_0, %get3A_1] : memref<2x400x128xf32, #tpu.memory_space<vmem>>, vector<1x400x128xf32>
    %get3A_3 = vector.shape_cast %get3A_2 : vector<1x400x128xf32> to vector<400x128xf32>
    %get3A_4 = arith.constant 1 : index
    %get3A_5 = arith.constant 0 : index
    %get3A_6 = arith.constant 0 : index
    %get3A_7 = vector.load %arg1[%get3A_4, %get3A_5, %get3A_6] : memref<2x400x128xf32, #tpu.memory_space<vmem>>, vector<1x400x128xf32>
    %get3A_8 = vector.shape_cast %get3A_7 : vector<1x400x128xf32> to vector<400x128xf32>
    %add3A = arith.addf %get3A_3, %get3A_8 : vector<400x128xf32>
    %get3A_9 = arith.constant 0 : index
    %get3A_10 = arith.constant 0 : index
    %get3A_11 = vector.load %arg2[%get3A_9, %get3A_10] : memref<400x1xf32, #tpu.memory_space<vmem>>, vector<400x1xf32>
    %mul3A = vector.broadcast %get3A_11 : vector<400x1xf32> to vector<400x128xf32>
    %mul3A_12 = arith.mulf %add3A, %mul3A : vector<400x128xf32>
    %get3A_13 = arith.constant 0 : index
    %get3A_14 = arith.constant 0 : index
    %get3A_15 = vector.load %arg4[%get3A_13, %get3A_14] : memref<128x128xf32, #tpu.memory_space<vmem>>, vector<128x128xf32>
    %dot_general3A = arith.constant dense<0.000000e+00> : vector<400x128xf32>
    %dot_general3A_16 = tpu.matmul %mul3A_12, %get3A_15, %dot_general3A {dimension_numbers = #tpu.dot_dimension_numbers<[1], [1], [0], [0], [0, 0, 1, 0], [], []>, transpose_lhs_hint = false} : vector<400x128xf32>, vector<128x128xf32>, vector<400x128xf32> -> vector<400x128xf32>
    %get3A_17 = arith.constant 0 : index
    %get3A_18 = arith.constant 0 : index
    %get3A_19 = vector.load %arg5[%get3A_17, %get3A_18] : memref<1x128xf32, #tpu.memory_space<vmem>>, vector<1x128xf32>
    %add3A_20 = vector.broadcast %get3A_19 : vector<1x128xf32> to vector<400x128xf32>
    %add3A_21 = arith.addf %dot_general3A_16, %add3A_20 : vector<400x128xf32>
    %get3A_22 = arith.constant 0 : index
    %get3A_23 = arith.constant 0 : index
    %get3A_24 = vector.load %arg3[%get3A_22, %get3A_23] : memref<400x128xf32, #tpu.memory_space<vmem>>, vector<400x128xf32>
    %get3A_25 = arith.constant 0 : index
    %get3A_26 = arith.constant 0 : index
    %get3A_27 = vector.load %arg6[%get3A_25, %get3A_26] : memref<128x128xf32, #tpu.memory_space<vmem>>, vector<128x128xf32>
    %dot_general3A_28 = arith.constant dense<0.000000e+00> : vector<400x128xf32>
    %dot_general3A_29 = tpu.matmul %get3A_24, %get3A_27, %dot_general3A_28 {dimension_numbers = #tpu.dot_dimension_numbers<[1], [1], [0], [0], [0, 0, 1, 0], [], []>, transpose_lhs_hint = false} : vector<400x128xf32>, vector<128x128xf32>, vector<400x128xf32> -> vector<400x128xf32>
    %add3A_30 = arith.addf %add3A_21, %dot_general3A_29 : vector<400x128xf32>
    %max3A = arith.constant 0.000000e+00 : f32
    %max3A_31 = vector.broadcast %max3A : f32 to vector<400x128xf32>
    %max3A_32 = arith.maximumf %add3A_30, %max3A_31 : vector<400x128xf32>
    %swap3A = arith.constant 0 : index
    %swap3A_33 = arith.constant 0 : index
    %swap3A_34 = vector.load %arg7[%swap3A, %swap3A_33] : memref<400x128xf32, #tpu.memory_space<vmem>>, vector<400x128xf32>
    tpu.vector_store %arg7[%swap3A, %swap3A_33], %max3A_32 {strides = array<i32>} : memref<400x128xf32, #tpu.memory_space<vmem>>, vector<400x128xf32>,
    return
  }
  func.func @transform_0(%arg0: i32) -> (i32, i32, i32) {
    %c0_i32 = arith.constant 0 : i32
    %c0_i32_0 = arith.constant 0 : i32
    %c0_i32_1 = arith.constant 0 : i32
    return %c0_i32, %arg0, %c0_i32_0 : i32, i32, i32
  }
  func.func @transform_1(%arg0: i32) -> (i32, i32) {
    %c0_i32 = arith.constant 0 : i32
    %c0_i32_0 = arith.constant 0 : i32
    return %arg0, %c0_i32 : i32, i32
  }
  func.func @transform_2(%arg0: i32) -> (i32, i32) {
    %c0_i32 = arith.constant 0 : i32
    %c0_i32_0 = arith.constant 0 : i32
    return %arg0, %c0_i32 : i32, i32
  }
  func.func @transform_3(%arg0: i32) -> (i32, i32) {
    %c0_i32 = arith.constant 0 : i32
    %c0_i32_0 = arith.constant 0 : i32
    %c0_i32_1 = arith.constant 0 : i32
    return %c0_i32, %c0_i32_0 : i32, i32
  }
  func.func @transform_4(%arg0: i32) -> (i32, i32) {
    %c0_i32 = arith.constant 0 : i32
    %c0_i32_0 = arith.constant 0 : i32
    %c0_i32_1 = arith.constant 0 : i32
    return %c0_i32, %c0_i32_0 : i32, i32
  }
  func.func @transform_5(%arg0: i32) -> (i32, i32) {
    %c0_i32 = arith.constant 0 : i32
    %c0_i32_0 = arith.constant 0 : i32
    %c0_i32_1 = arith.constant 0 : i32
    return %c0_i32, %c0_i32_0 : i32, i32
  }
  func.func @transform_6(%arg0: i32) -> (i32, i32) {
    %c0_i32 = arith.constant 0 : i32
    %c0_i32_0 = arith.constant 0 : i32
    return %arg0, %c0_i32 : i32, i32
  }
}

module attributes {stable_mosaic.version = 14 : i64} {
  func.func @body(%arg0: i32, %arg1: memref<2x400x128xf32, #tpu.memory_space<vmem>>, %arg2: memref<400x1xf32, #tpu.memory_space<vmem>>, %arg3: memref<400x128xf32, #tpu.memory_space<vmem>>, %arg4: memref<128x128xf32, #tpu.memory_space<vmem>>, %arg5: memref<1x128xf32, #tpu.memory_space<vmem>>, %arg6: memref<128x128xf32, #tpu.memory_space<vmem>>, %arg7: memref<400x128xf32, #tpu.memory_space<vmem>>) attributes {dimension_semantics = [#tpu.dimension_semantics<arbitrary>], iteration_bounds = array<i64: 25>, scalar_prefetch = 0 : i64, scratch_operands = 0 : i64, tpu.core_type = #tpu.core_type<tc>, window_params = [{transform_indices = @transform_0, window_bounds = array<i64: 2, 400, 128>}, {transform_indices = @transform_1, window_bounds = array<i64: 400, 1>}, {transform_indices = @transform_2, window_bounds = array<i64: 400, 128>}, {pipeline_mode = #tpu.pipeline_mode<synchronous>, transform_indices = @transform_3, window_bounds = array<i64: 128, 128>}, {pipeline_mode = #tpu.pipeline_mode<synchronous>, transform_indices = @transform_4, window_bounds = array<i64: 1, 128>}, {pipeline_mode = #tpu.pipeline_mode<synchronous>, transform_indices = @transform_5, window_bounds = array<i64: 128, 128>}, {transform_indices = @transform_6, window_bounds = array<i64: 400, 128>}]} {
    %get3A = arith.constant 0 : index
    %get3A_0 = arith.constant 0 : index
    %get3A_1 = arith.constant 0 : index
    %get3A_2 = vector.load %arg1[%get3A, %get3A_0, %get3A_1] : memref<2x400x128xf32, #tpu.memory_space<vmem>>, vector<1x400x128xf32>
    %get3A_3 = vector.shape_cast %get3A_2 : vector<1x400x128xf32> to vector<400x128xf32>
    %get3A_4 = arith.constant 1 : index
    %get3A_5 = arith.constant 0 : index
    %get3A_6 = arith.constant 0 : index
    %get3A_7 = vector.load %arg1[%get3A_4, %get3A_5, %get3A_6] : memref<2x400x128xf32, #tpu.memory_space<vmem>>, vector<1x400x128xf32>
    %get3A_8 = vector.shape_cast %get3A_7 : vector<1x400x128xf32> to vector<400x128xf32>
    %add3A = arith.addf %get3A_3, %get3A_8 : vector<400x128xf32>
    %get3A_9 = arith.constant 0 : index
    %get3A_10 = arith.constant 0 : index
    %get3A_11 = vector.load %arg2[%get3A_9, %get3A_10] : memref<400x1xf32, #tpu.memory_space<vmem>>, vector<400x1xf32>
    %mul3A = vector.broadcast %get3A_11 : vector<400x1xf32> to vector<400x128xf32>
    %mul3A_12 = arith.mulf %add3A, %mul3A : vector<400x128xf32>
    %get3A_13 = arith.constant 0 : index
    %get3A_14 = arith.constant 0 : index
    %get3A_15 = vector.load %arg4[%get3A_13, %get3A_14] : memref<128x128xf32, #tpu.memory_space<vmem>>, vector<128x128xf32>
    %dot_general3A = arith.constant dense<0.000000e+00> : vector<400x128xf32>
    %dot_general3A_16 = tpu.matmul %mul3A_12, %get3A_15, %dot_general3A {dimension_numbers = #tpu.dot_dimension_numbers<[1], [1], [0], [0], [0, 0, 1, 0], [], []>, transpose_lhs_hint = false} : vector<400x128xf32>, vector<128x128xf32>, vector<400x128xf32> -> vector<400x128xf32>
    %get3A_17 = arith.constant 0 : index
    %get3A_18 = arith.constant 0 : index
    %get3A_19 = vector.load %arg5[%get3A_17, %get3A_18] : memref<1x128xf32, #tpu.memory_space<vmem>>, vector<1x128xf32>
    %add3A_20 = vector.broadcast %get3A_19 : vector<1x128xf32> to vector<400x128xf32>
    %add3A_21 = arith.addf %dot_general3A_16, %add3A_20 : vector<400x128xf32>
    %get3A_22 = arith.constant 0 : index
    %get3A_23 = arith.constant 0 : index
    %get3A_24 = vector.load %arg3[%get3A_22, %get3A_23] : memref<400x128xf32, #tpu.memory_space<vmem>>, vector<400x128xf32>
    %get3A_25 = arith.constant 0 : index
    %get3A_26 = arith.constant 0 : index
    %get3A_27 = vector.load %arg6[%get3A_25, %get3A_26] : memref<128x128xf32, #tpu.memory_space<vmem>>, vector<128x128xf32>
    %dot_general3A_28 = arith.constant dense<0.000000e+00> : vector<400x128xf32>
    %dot_general3A_29 = tpu.matmul %get3A_24, %get3A_27, %dot_general3A_28 {dimension_numbers = #tpu.dot_dimension_numbers<[1], [1], [0], [0], [0, 0, 1, 0], [], []>, transpose_lhs_hint = false} : vector<400x128xf32>, vector<128x128xf32>, vector<400x128xf32> -> vector<400x128xf32>
    %add3A_30 = arith.addf %add3A_21, %dot_general3A_29 : vector<400x128xf32>
    %swap3A = arith.constant 0 : index
    %swap3A_31 = arith.constant 0 : index
    %swap3A_32 = vector.load %arg7[%swap3A, %swap3A_31] : memref<400x128xf32, #tpu.memory_space<vmem>>, vector<400x128xf32>
    tpu.vector_store %arg7[%swap3A, %swap3A_31], %add3A_30 {strides = array<i32>} : memref<400x128xf32, #tpu.memory_space<vmem>>, vector<400x128xf32>,
    return
  }
  func.func @transform_0(%arg0: i32) -> (i32, i32, i32) {
    %c0_i32 = arith.constant 0 : i32
    %c0_i32_0 = arith.constant 0 : i32
    %c0_i32_1 = arith.constant 0 : i32
    return %c0_i32, %arg0, %c0_i32_0 : i32, i32, i32
  }
  func.func @transform_1(%arg0: i32) -> (i32, i32) {
    %c0_i32 = arith.constant 0 : i32
    %c0_i32_0 = arith.constant 0 : i32
    return %arg0, %c0_i32 : i32, i32
  }
  func.func @transform_2(%arg0: i32) -> (i32, i32) {
    %c0_i32 = arith.constant 0 : i32
    %c0_i32_0 = arith.constant 0 : i32
    return %arg0, %c0_i32 : i32, i32
  }
  func.func @transform_3(%arg0: i32) -> (i32, i32) {
    %c0_i32 = arith.constant 0 : i32
    %c0_i32_0 = arith.constant 0 : i32
    %c0_i32_1 = arith.constant 0 : i32
    return %c0_i32, %c0_i32_0 : i32, i32
  }
  func.func @transform_4(%arg0: i32) -> (i32, i32) {
    %c0_i32 = arith.constant 0 : i32
    %c0_i32_0 = arith.constant 0 : i32
    %c0_i32_1 = arith.constant 0 : i32
    return %c0_i32, %c0_i32_0 : i32, i32
  }
  func.func @transform_5(%arg0: i32) -> (i32, i32) {
    %c0_i32 = arith.constant 0 : i32
    %c0_i32_0 = arith.constant 0 : i32
    %c0_i32_1 = arith.constant 0 : i32
    return %c0_i32, %c0_i32_0 : i32, i32
  }
  func.func @transform_6(%arg0: i32) -> (i32, i32) {
    %c0_i32 = arith.constant 0 : i32
    %c0_i32_0 = arith.constant 0 : i32
    return %arg0, %c0_i32 : i32, i32
  }
}

module attributes {stable_mosaic.version = 14 : i64} {
  func.func @_reduce_body(%arg0: i32, %arg1: memref<4096x16xf32, #tpu.memory_space<vmem>>, %arg2: memref<4096xf32, #tpu.memory_space<vmem>>) attributes {dimension_semantics = [#tpu.dimension_semantics<arbitrary>], iteration_bounds = array<i64: 49>, scalar_prefetch = 0 : i64, scratch_operands = 0 : i64, tpu.core_type = #tpu.core_type<tc>, window_params = [{transform_indices = @transform_0, window_bounds = array<i64: 4096, 16>}, {transform_indices = @transform_1, window_bounds = array<i64: 4096>}]} {
    %get3A = arith.constant 0 : index
    %get3A_0 = arith.constant 0 : index
    %get3A_1 = vector.load %arg1[%get3A, %get3A_0] : memref<4096x16xf32, #tpu.memory_space<vmem>>, vector<4096x16xf32>
    %reduce_sum3A = arith.constant dense<0.000000e+00> : vector<4096xf32>
    %reduce_sum3A_2 = vector.multi_reduction <add>, %get3A_1, %reduce_sum3A [1] : vector<4096x16xf32> to vector<4096xf32>
    %swap3A = arith.constant 0 : index
    %swap3A_3 = vector.load %arg2[%swap3A] : memref<4096xf32, #tpu.memory_space<vmem>>, vector<4096xf32>
    tpu.vector_store %arg2[%swap3A], %reduce_sum3A_2 {strides = array<i32>} : memref<4096xf32, #tpu.memory_space<vmem>>, vector<4096xf32>,
    return
  }
  func.func @transform_0(%arg0: i32) -> (i32, i32) {
    %c0_i32 = arith.constant 0 : i32
    %c0_i32_0 = arith.constant 0 : i32
    return %arg0, %c0_i32 : i32, i32
  }
  func.func @transform_1(%arg0: i32) -> i32 {
    %c0_i32 = arith.constant 0 : i32
    return %arg0 : i32
  }
}

</mosaic_0001>

<sc_bundles>
// kernel: kernel.12.cloned.1.call-start
scs
__scs_entry_jumppad:
0x0: {  	(pc) =	sbr.rel $0x88, $3  }
0x1: {  	(tag) =	ssettag $0x0;
	lr =	simm.s32 $0x1  }
0x2: {  	[smem:$0x3F98] =	sst lr;
	_ =	strace $0xD0000000  }
0x3: {  	_ = 	snop  }
0x4: {  	_ = 	snop  }
0x5: {  	_ = 	snop  }
0x6: {  	_ = 	snop  }
0x7: {  	_ = 	snop  }
__scs_overlays_trampoline_lowered:
0x8: {  	[smem:$0x3FA7] =	sst s0  }
0x9: {  	[smem:$0x3FA8] =	sst s1  }
0xa: {  	[smem:$0x3FA9] =	sst s2  }
0xb: {  	[smem:$0x3FAA] =	sst s3  }
0xc: {  	[smem:$0x3FAB] =	sst s4  }
0xd: {  	[smem:$0x3FAC] =	sst s5  }
0xe: {  	[smem:$0x3FAD] =	sst s6  }
0xf: {  	[smem:$0x3FAE] =	sst s7  }
0x10: {  	[smem:$0x3FAF] =	sst s8  }
0x11: {  	[smem:$0x3FB0] =	sst s9;
	s0 =	simm.s32 @!p0 $0x0  }
0x12: {  	s1 =	sld [smem:$0x3F96];
	s0 =	simm.s32 @p0 $0x1  }
0x13: {  	[smem:$0x3FB1] =	sst s0;
	s0 =	simm.s32 @!p1 $0x0  }
0x14: {  	s2 =	sld [smem:$0x3F95];
	s0 =	simm.s32 @p1 $0x1  }
0x15: {  	[smem:$0x3FB2] =	sst s0;
	s0 =	simm.s32 @!p2 $0x0  }
0x16: {  	s3 =	sld [smem:$0x3FDB];
	s0 =	simm.s32 @p2 $0x1  }
0x17: {  	s4 =	simm.s32 $0x1BF5;
	[smem:$0x3FB4] =	sst s0  }
0x18: {  	s0 =	sld [smem:$0x3F97];
	_ =	swait.ge [sflag:s4], $0x0  }
0x19: {  	s7 =	sld [smem:$0x3F98]  }
0x1a: {  	s8 =	sadd.s32 $0xFFFFE003, lr  }
0x1b: {  	s9 =	sadd.s32 $0xFFFFFEF7, lr;
	s5 =	simm.s32 $0xFFFFFFFF;
	p2 =	slt.u32 s8, $0xFFFFF086  }
0x1c: {  	p1 =	slt.u32 s9, $0xF7A;
	s5 =	simm.s32 @!p2 $0x0  }
0x1d: {  	s5 =	simm.s32 @p1 $0x1;
	p0 =	seq.s32 s7, s2  }
0x1e: {  	s7 =	smul.u32 @!p0 $0xF7A, s2;
	p2 =	seq.s32 @!p0 s5, $0x0  }
0x1f: {  	s9 =	smul.u32 $0xF7A, s1;
	s8 =	simm.s32 @!p0 $0x1BF5;
	p2 =	por !p2, p0  }
0x20: {  	[sflag:s8] =	ssyncset.s32 @!p0 $0xFFFFF086;
	s6 =	sadd.s32 @!p0 s3, s7;
	s7 =	simm.s32 @!p0 $0x108  }
0x21: {  	s3 =	sadd.s32 s3, s9;
	s6 =	sadd.s32 @!p0 $0x88, s6;
	s7 =	simm.s32 @p2 $0x1082  }
0x22: {  	[simem:s7], [sflag:s8] =	dma.local @!p0 [hbm:s6], $0xF7A  }
0x23: {  	s9 =	sor.u32 $0xD0000000, s2;
	s6 =	simm.s32 $0x108;
	_ =	swait.ge @!p0 [sflag:s8], $0x0  }
0x24: {  	s3 =	sadd.s32 $0x88, s3;
	s6 =	simm.s32 @!p1 $0x1082;
	[sflag:s4] =	ssyncset.s32 $0xFFFFF086  }
0x25: {  	[simem:s6], [sflag:s4] =	dma.local [hbm:s3], $0xF7A  }
0x26: {  	[smem:$0x3F98] =	sst s1;
	(tag) =	ssettag s2;
	_ =	strace s9  }
0x27: {  	s1 =	sld [smem:$0x3FA8]  }
0x28: {  	s2 =	sld [smem:$0x3FA9]  }
0x29: {  	s4 =	sld [smem:$0x3FAB]  }
0x2a: {  	p0 =	seq.s32 s5, $0x0;
	s5 =	sld [smem:$0x3FAC]  }
0x2b: {  	s6 =	sld [smem:$0x3FAD]  }
0x2c: {  	s7 =	sld [smem:$0x3FAE]  }
0x2d: {  	s3 =	simm.s32 $0x108;
	s8 =	sld [smem:$0x3FAF]  }
0x2e: {  	s3 =	simm.s32 @!p0 $0x1082;
	s9 =	sld [smem:$0x3FB0]  }
0x2f: {  	lr =	sadd.s32 s0, s3;
	s0 =	sld [smem:$0x3FA7]  }
0x30: {  	s3 =	sld [smem:$0x3FAA]  }
0x31: {  	[smem:$0x3FB3] =	sst s10  }
0x32: {  	s10 =	sld [smem:$0x3FB1];
	_ =	sdelay $0x3  }
0x33: {  	p0 =	seq.s32 s10, $0x1;
	s10 =	sld [smem:$0x3FB3];
	_ =	sdelay $0x3  }
0x34: {  	[smem:$0x3FB3] =	sst s10  }
0x35: {  	s10 =	sld [smem:$0x3FB2];
	_ =	sdelay $0x3  }
0x36: {  	p1 =	seq.s32 s10, $0x1;
	s10 =	sld [smem:$0x3FB3];
	_ =	sdelay $0x3  }
0x37: {  	[smem:$0x3FB3] =	sst s10  }
0x38: {  	s10 =	sld [smem:$0x3FB4]  }
0x39: {  	_ = 	snop;
	(pc) =	sbr.ind lr, $3  }
0x3a: {  	_ = 	snop  }
0x3b: {  	_ = 	snop  }
0x3c: {  	p2 =	seq.s32 s10, $0x1;
	s10 =	sld [smem:$0x3FB3]  }
0x3d: {  	_ =	shalt  }
0x3e: {  	_ =	shalt  }
0x3f: {  	_ =	shalt  }
0x40: {  	_ =	shalt  }
0x41: {  	_ =	shalt  }
0x42: {  	_ =	shalt  }
0x43: {  	_ =	shalt  }
0x44: {  	_ =	shalt  }
0x45: {  	_ =	shalt  }
0x46: {  	_ =	shalt  }
0x47: {  	_ =	shalt  }
0x48: {  	_ =	shalt  }
0x49: {  	_ =	shalt  }
0x4a: {  	_ =	shalt  }
0x4b: {  	_ =	shalt  }
0x4c: {  	_ =	shalt  }
0x4d: {  	_ =	shalt  }
0x4e: {  	_ =	shalt  }
0x4f: {  	_ =	shalt  }
0x50: {  	_ =	shalt  }
0x51: {  	_ =	shalt  }
0x52: {  	_ =	shalt  }
0x53: {  	_ =	shalt  }
0x54: {  	_ =	shalt  }
0x55: {  	_ =	shalt  }
0x56: {  	_ =	shalt  }
0x57: {  	_ =	shalt  }
0x58: {  	_ =	shalt  }
0x59: {  	_ =	shalt  }
0x5a: {  	_ =	shalt  }
0x5b: {  	_ =	shalt  }
0x5c: {  	_ =	shalt  }
0x5d: {  	_ =	shalt  }
0x5e: {  	_ =	shalt  }
0x5f: {  	_ =	shalt  }
0x60: {  	_ =	shalt  }
0x61: {  	_ =	shalt  }
0x62: {  	_ =	shalt  }
0x63: {  	_ =	shalt  }
0x64: {  	_ =	shalt  }
0x65: {  	_ =	shalt  }
0x66: {  	_ =	shalt  }
0x67: {  	_ =	shalt  }
0x68: {  	_ =	shalt  }
0x69: {  	_ =	shalt  }
0x6a: {  	_ =	shalt  }
0x6b: {  	_ =	shalt  }
0x6c: {  	_ =	shalt  }
0x6d: {  	_ =	shalt  }
0x6e: {  	_ =	shalt  }
0x6f: {  	_ =	shalt  }
0x70: {  	_ =	shalt  }
0x71: {  	_ =	shalt  }
0x72: {  	_ =	shalt  }
0x73: {  	_ =	shalt  }
0x74: {  	_ =	shalt  }
0x75: {  	_ =	shalt  }
0x76: {  	_ =	shalt  }
0x77: {  	_ =	shalt  }
0x78: {  	_ =	shalt  }
0x79: {  	_ =	shalt  }
0x7a: {  	_ =	shalt  }
0x7b: {  	_ =	shalt  }
0x7c: {  	_ =	shalt  }
0x7d: {  	_ =	shalt  }
0x7e: {  	_ =	shalt  }
0x7f: {  	_ =	shalt  }
0x80: {  	_ =	shalt  }
0x81: {  	_ =	shalt  }
0x82: {  	_ =	shalt  }
0x83: {  	_ =	shalt  }
0x84: {  	_ =	shalt  }
0x85: {  	_ =	shalt  }
0x86: {  	_ =	shalt  }
0x87: {  	_ =	shalt  }
.Lfunc_end0:
.L_simem_size_0:
called_computation.1_lowered:
.L_overlay_start_0:
0x88: {  	s2 =	sld [smem:$0x3FD9]  }
0x89: {  	s3 =	sld [smem:$0x3FFE];
	_ =	sdelay $0x1  }
0x8a: {  	s1 =	srdreg.scid  }
0x8b: {  	s0 =	sand.u32 $0x1, s1  }
0x8c: {  	s17 =	sshll.u32 s0, $0xA;
	s2 =	sadd.s32 s3, s2  }
0x8d: {  	s2 =	sadd.s32 s2, s17  }
0x8e: {  	[smem:$0x3FBF] =	sst s2  }
0x8f: {  	_ = 	snop  }
0x90: {  	s18 =	sld [smem:$0x3FC9];
	(tm) =	ssettm $0x1  }
0x91: {  	s19 =	sld [smem:$0x3FFB];
	_ =	sdelay $0x3  }
0x92: {  	_ =	strace s19  }
0x93: {  	s2 =	sld [smem:$0x3FFC];
	_ =	sdelay $0x3  }
0x94: {  	_ =	strace s2  }
0x95: {  	s2 =	sld [smem:$0x3FFD];
	_ =	sdelay $0x3  }
0x96: {  	_ =	strace s2  }
0x97: {  	_ =	strace $0x8FFFFFFF  }
0x98: {  	s20 =	sld [smem:$0x3FDB];
	_ =	sdelay $0x1  }
0x99: {  	s4 =	simm.s32 $_scs_section_size  }
0x9a: {  	s5 =	simm.s32 $_size__tile_overlayer_lowered;
	s6 =	simm.s32 $_tile_overlayer_lowered  }
0x9b: {  	s7 =	simm.s32 $0x1BFF;
	s21 =	sshll.u32 s6, $0x1;
	s4 =	sadd.s32 s4, s20  }
0x9c: {  	s22 =	simm.s32 $0x0;
	s5 =	sshll.u32 s5, $0x1;
	s6 =	sadd.s32 s21, s4  }
0x9d: {  	[timem:s22], [sflag:s7] =	dma.local [hbm:s6], s5  }
0x9e: {  	_ =	swait.ge [sflag:s7], s5  }
0x9f: {  	s5 =	ssub.s32 $0x0, s5;
	[sflag:s7] =	ssyncset.done $0x0  }
0xa0: {  	[sflag:s7] =	ssyncadd.s32 s5;
	_ =	sdelay $0x1  }
0xa1: {  	s23 =	simm.s32 $0x1B8B  }
0xa2: {  	_ =	swait.ge [sflag:s23], $0x1  }
0xa3: {  	[sflag:s23] =	ssyncset.done $0x0  }
0xa4: {  	[sflag:s23] =	ssyncadd.s32 $0xFFFFFFFF  }
0xa5: {  	s5 =	sld [smem:$0x0]  }
0xa6: {  	s6 =	sand.u32 $0xFFFFFFFE, s1  }
0xa7: {  	p0 =	sne.s32 s1, s6  }
0xa8: {  	s6 =	sshll.u32 @p0 s6, $0xE  }
0xa9: {  	s6 =	sadd.s32 @p0 $0x11B8D, s6;
	s7 =	sshll.u32 @p0 s5, $0x11  }
0xaa: {  	s6 =	sor.u32 @p0 s7, s6  }
0xab: {  	[sflag:s6] =	ssyncadd.remote.s32 @p0 $0x1;
	_ =	sdelay $0x1  }
0xac: {  	s6 =	simm.s32 @p0 $0x1B8D  }
0xad: {  	_ =	swait.eq @p0 [sflag:s6], $0x1  }
0xae: {  	[sflag:s6] =	ssyncadd.s32 @p0 $0xFFFFFFFF  }
0xaf: {  	s7 =	sshll.u32 @!p0 s1, $0xE  }
0xb0: {  	s7 =	sor.u32 @!p0 $0x4000, s7;
	s6 =	simm.s32 @!p0 $0x1B8D  }
0xb1: {  	s5 =	sshll.u32 @!p0 s5, $0x11;
	s7 =	sadd.s32 @!p0 $0x11B8D, s7;
	_ =	swait.eq @!p0 [sflag:s6], $0x1  }
0xb2: {  	s5 =	sor.u32 @!p0 s5, s7;
	[sflag:s6] =	ssyncadd.s32 @!p0 $0xFFFFFFFF  }
0xb3: {  	s25 =	simm.s32 $0x1B8E;
	s24 =	sld [smem:$0x3FFE];
	[sflag:s5] =	ssyncadd.remote.s32 @!p0 $0x1  }
0xb4: {  	s26 =	simm.s32 $execute0_lowered;
	[smem:$0x3FD2] =	sst s25  }
0xb5: {  	s6 =	sshll.u32 s26, $0x1;
	_ =	strace $0x80000049;
	[dreg:$0x1] =	wrdreg $0xFFFFFFFF  }
0xb6: {  	s28 =	simm.s32 $_size_execute0_lowered;
	s4 =	sadd.s32 s4, s6;
	[dreg:$0x0] =	wrdreg $0x0  }
0xb7: {  	s6 =	sshll.u32 s28, $0x1;
	[dreg:$0x2] =	wrdreg s4  }
0xb8: {  	[dreg:$0x3] =	wrdreg s6  }
0xb9: {  	[dreg:$0x4] =	wrdreg $0xC0  }
0xba: {  	_ =	task [dreg:s22], $0x5FFFF  }
0xbb: {  	[dreg:$0x1] =	wrdreg $0xFFFFFFFF  }
0xbc: {  	[dreg:$0x0] =	wrdreg $0x60  }
0xbd: {  	[dreg:$0x2] =	wrdreg s24  }
0xbe: {  	[dreg:$0x3] =	wrdreg s18  }
0xbf: {  	[dreg:$0x4] =	wrdreg $0x0  }
0xc0: {  	[dreg:$0x5] =	wrdreg $0xA  }
0xc1: {  	_ =	task.clear_ibuf [dreg:s22], $0x6FFFF;
	_ =	strace $0x90000049  }
0xc2: {  	s29 =	simm.s32 $0xA;
	_ =	strace $0x8000004B  }
0xc3: {  	_ =	swait.ge [sflag:s29], $0x1  }
0xc4: {  	[sflag:s29] =	ssyncadd.s32 $0xFFFFFFFF  }
0xc5: {  	_ =	strace $0x9000004B  }
0xc6: {  	_ =	sfence  }
0xc7: {  	s30 =	sld [smem:$0x0];
	_ =	sdelay $0x2  }
0xc8: {  	s31 =	sshll.u32 s1, $0xD;
	s1 =	sshrl.u32 s1, $0x2  }
0xc9: {  	s4 =	sand.u32 $0x4000, s31;
	s1 =	sadd.s32 s1, s30  }
0xca: {  	s0 =	sor.u32 s4, s0;
	s1 =	sshll.u32 s1, $0x11  }
0xcb: {  	s0 =	sor.u32 s1, s0  }
0xcc: {  	s0 =	sadd.s32 $0x8F2B, s0  }
0xcd: {  	[sflag:s0] =	ssyncadd.remote.s32 $0x1  }
0xce: {  	_ =	sfence.sel $0xFFFF  }
0xcf: {  	[dreg:$0x0] =	wrdreg $0xFFFFFFFF;
	(pc) =	sbr.abs _section_cstart, $3  }
0xd0: {  	[dreg:$0x1] =	wrdreg $0xFFFFFFFF  }
0xd1: {  	_ =	task.clear_ibuf [dreg:s22], $0x2FFFF;
	_ =	strace $0x9FFFFFFF  }
0xd2: {  	(tm) =	ssettm $0x7FFFFFFF  }
0xd3: {  	_ =	shalt  }
tec
execute0_lowered:
.L_overlay_start_1:
0x0: {  	(tag) =	ssettag $0x1  }
0x1: {  	s5 =	rddreg [dreg:$0x0]  }
0x2: {  	s2 =	rddreg [dreg:$0x1]  }
0x3: {  	s0 =	srdreg.scid;
	s3 =	rddreg [dreg:$0x2]  }
0x4: {  	s1 =	rddreg [dreg:$0x3];
	s4 =	simm.s32 $0x0;
	s7 =	sand.u32 $0x1, s0  }
0x5: {  	s23 =	simm.s32 $0x14080;
	s0 =	stileid.u32;
	s6 =	smul.u32 $0xFFFF9C40, s7  }
0x6: {  	s24 =	simm.s32 $0x80;
	[smem:$0x7FF] =	sst s4;
	s8 =	smul.u32 $0x9C4, s0  }
0x7: {  	s16 =	sadd.s32 $0x65A00, s5;
	_ =	strace $0x8000004A;
	s9 =	smul.u32 $0x50000, s0  }
0x8: {  	s25 =	ssub.s32 $0x2, s7;
	s11 =	smul.u32 $0x14000, s0;
	s28 =	sshll.u32 s7, $0x4  }
0x9: {  	s18 =	smul.u32 $0x140000, s7;
	s26 =	sshrl.u32 s25, $0x1;
	s29 =	sor.u32 s0, s28  }
0xa: {  	s6 =	sand.u32 $0xFFC0, s6;
	s17 =	ssub.s32 s25, s26;
	s30 =	sshrl.u32 s9, $0x2  }
0xb: {  	s12 =	sadd.s32 $0x4000, s11;
	s13 =	smul.u32 $0x9C4, s29;
	s14 =	sadd.s32 $0x8000, s11  }
0xc: {  	s15 =	sadd.s32 $0xC000, s11;
	s20 =	sadd.s32 $0x10000, s11;
	s11 =	sadd.s32 s11, s18  }
0xd: {  	s25 =	simm.s32 $0x1;
	s26 =	simm.s32 $0x0;
	s6 =	sadd.s32 s8, s6  }
0xe: {  	s7 =	sadd.s32 s14, s3;
	s8 =	sadd.s32 s15, s3;
	s9 =	sadd.s32 s20, s3  }
0xf: {  	s21 =	sshrl.u32 s11, $0x3;
	s22 =	sadd.s32 s18, s12;
	s14 =	sadd.s32 s18, s14  }
0x10: {  	s15 =	sadd.s32 s18, s15;
	s18 =	sadd.s32 s18, s20;
	s17 =	smax.u32 s17, $0x1  }
0x11: {  	s20 =	simm.s32 $0x14100;
	s6 =	sshrl.u32 s6, $0x1;
	s10 =	sshrl.u32 s13, $0x5  }
0x12: {  	s13 =	sadd.s32 $0x9C4, s13;
	s31 =	sshrl.u32 s22, $0x3;
	s14 =	sshrl.u32 s14, $0x3  }
0x13: {  	s15 =	sshrl.u32 s15, $0x3;
	s18 =	sshrl.u32 s18, $0x3;
	s22 =	simm.s32 $0x14000  }
.Ltmp0:
0x14: {  	s6 =	sand.u32 $0xFFF0, s6;
	s11 =	sshrl.u32 s13, $0x5;
	(pc) =	sbr.rel .LBB2_1-.Ltmp0, $4  }
0x15: {  	s13 =	sadd.s32 s16, s31;
	s14 =	sadd.s32 s16, s14;
	s15 =	sadd.s32 s16, s15  }
0x16: {  	s19 =	sadd.s32 s6, s5;
	s5 =	sadd.s32 s30, s3;
	s6 =	sadd.s32 s12, s3  }
0x17: {  	s12 =	sadd.s32 s16, s21;
	s16 =	sadd.s32 s16, s18;
	p0 =	sge.u32 s10, s11  }
0x18: {  	v0 =	vimm.f32 $0.0e+00;
	s21 =	simm.s32 $0x2;
	s18 =	sadd.s32 $0x1E00, s19;
	s19 =	sadd.s32 $0xBC00, s19  }
.LBB2_6:
0x19: {  	[sflag:s21] =	ssyncadd.s32 $0xFFFFC000  }
.LBB2_7:
0x1a: {  	s28 =	sshll.u32 s0, $0x6  }
0x1b: {  	[bflag:$0x0] =	sbarrier.arrive $0xFFFF;
	s29 =	sshrl.u32 s5, $0x3;
	s28 =	sor.u32 $0x1C02, s28  }
0x1c: {  	[hbm:s12], [sflag:s28] =	dma.local [spmem:s29], $0x800  }
0x1d: {  	_ =	swait.ge [sflag:s21], $0x800  }
0x1e: {  	[sflag:s21] =	ssyncset.done $0x0  }
0x1f: {  	s30 =	sshrl.u32 s6, $0x3;
	[sflag:s21] =	ssyncadd.s32 $0xFFFFF800  }
0x20: {  	[hbm:s13], [sflag:s28] =	dma.local [spmem:s30], $0x800  }
0x21: {  	_ =	swait.ge [sflag:s21], $0x800  }
0x22: {  	[sflag:s21] =	ssyncset.done $0x0  }
0x23: {  	s31 =	sshrl.u32 s7, $0x3;
	[sflag:s21] =	ssyncadd.s32 $0xFFFFF800  }
0x24: {  	[hbm:s14], [sflag:s28] =	dma.local [spmem:s31], $0x800  }
0x25: {  	_ =	swait.ge [sflag:s21], $0x800  }
0x26: {  	[sflag:s21] =	ssyncset.done $0x0  }
0x27: {  	s30 =	sshrl.u32 s8, $0x3;
	[sflag:s21] =	ssyncadd.s32 $0xFFFFF800  }
0x28: {  	[hbm:s15], [sflag:s28] =	dma.local [spmem:s30], $0x800  }
0x29: {  	s26 =	sadd.s32 $0x1, s26;
	_ =	swait.ge [sflag:s21], $0x800  }
0x2a: {  	p1 =	sne.s32 s26, s17;
	[sflag:s21] =	ssyncset.done $0x0  }
.Ltmp1:
0x2b: {  	s31 =	sshrl.u32 s9, $0x3;
	[sflag:s21] =	ssyncadd.s32 $0xFFFFF800;
	(pc) =	sbr.rel @!p1 .LBB2_8-.Ltmp1, $4  }
0x2c: {  	[hbm:s16], [sflag:s28] =	dma.local [spmem:s31], $0x800  }
0x2d: {  	_ =	swait.ge [sflag:s21], $0x800  }
0x2e: {  	[sflag:s21] =	ssyncset.done $0x0  }
0x2f: {  	[sflag:s21] =	ssyncadd.s32 $0xFFFFF800  }
.LBB2_1:
0x30: {  	s28 =	simm.s32 $0x0;
	s29 =	simm.s32 $0x200  }
.LBB2_2:
0x31: {  	p1 =	sne.s32 s29, $0xFE00;
	[tilespmem:s28+$0x14170] =	vst v0  }
0x32: {  	[tilespmem:s28+$0x14100] =	vst v0  }
0x33: {  	[tilespmem:s28+$0x14110] =	vst v0  }
.Ltmp2:
0x34: {  	[tilespmem:s28+$0x14120] =	vst v0;
	(pc) =	sbr.rel @p1 .LBB2_2-.Ltmp2, $4  }
0x35: {  	[tilespmem:s28+$0x14130] =	vst v0  }
0x36: {  	[tilespmem:s28+$0x14140] =	vst v0  }
0x37: {  	[tilespmem:s28+$0x14150] =	vst v0  }
0x38: {  	[tilespmem:s28+$0x14160] =	vst v0;
	s28 =	sshra.s32 s29, $0x2;
	s29 =	sadd.s32 $0x200, s29  }
0x39: {  	[tilespmem:s28+$0x14170] =	vst v0  }
0x3a: {  	[tilespmem:s28+$0x14100] =	vst v0  }
0x3b: {  	[tilespmem:s28+$0x14110] =	vst v0  }
0x3c: {  	[tilespmem:s28+$0x14120] =	vst v0  }
0x3d: {  	[tilespmem:s28+$0x14130] =	vst v0  }
0x3e: {  	[tilespmem:s28+$0x14140] =	vst v0  }
0x3f: {  	[tilespmem:s28+$0x14150] =	vst v0  }
0x40: {  	[tilespmem:s28+$0x14160] =	vst v0  }
0x41: {  	[spmem:s5] =	stream.linear.scatter [tilespmem:s20], [sflag:$0x2], $0x4000, $0x38;
	[tilespmem:$0x18100] =	vst v63  }
0x42: {  	_ =	swait.ge [sflag:s21], $0x4000  }
0x43: {  	[sflag:s21] =	ssyncset.done $0x0  }
0x44: {  	[sflag:s21] =	ssyncadd.s32 $0xFFFFC000  }
0x45: {  	[spmem:s6] =	stream.linear.scatter [tilespmem:s20], [sflag:$0x2], $0x4000, $0x38;
	[tilespmem:$0x18100] =	vst v63  }
0x46: {  	_ =	swait.ge [sflag:s21], $0x4000  }
0x47: {  	[sflag:s21] =	ssyncset.done $0x0  }
0x48: {  	[sflag:s21] =	ssyncadd.s32 $0xFFFFC000  }
0x49: {  	[spmem:s7] =	stream.linear.scatter [tilespmem:s20], [sflag:$0x2], $0x4000, $0x38;
	[tilespmem:$0x18100] =	vst v63  }
0x4a: {  	_ =	swait.ge [sflag:s21], $0x4000  }
0x4b: {  	[sflag:s21] =	ssyncset.done $0x0  }
0x4c: {  	[sflag:s21] =	ssyncadd.s32 $0xFFFFC000  }
0x4d: {  	[spmem:s8] =	stream.linear.scatter [tilespmem:s20], [sflag:$0x2], $0x4000, $0x38;
	[tilespmem:$0x18100] =	vst v63  }
0x4e: {  	_ =	swait.ge [sflag:s21], $0x4000  }
0x4f: {  	[sflag:s21] =	ssyncset.done $0x0  }
0x50: {  	[sflag:s21] =	ssyncadd.s32 $0xFFFFC000  }
0x51: {  	[spmem:s9] =	stream.linear.scatter [tilespmem:s20], [sflag:$0x2], $0x4000, $0x38;
	[tilespmem:$0x18100] =	vst v63  }
.Ltmp3:
0x52: {  	_ =	swait.ge [sflag:s21], $0x4000;
	(pc) =	sbr.rel @p0 .LBB2_7-.Ltmp3, $3  }
0x53: {  	[sflag:s21] =	ssyncset.done $0x0  }
0x54: {  	[sflag:s21] =	ssyncadd.s32 $0xFFFFC000  }
0x55: {  	[bflag:$0x0] =	sbarrier.arrive $0xFFFF;
	_ =	sdelay $0x1  }
0x56: {  	[tilespmem:s22], [sflag:$0x2] =	stream.linear.gather [hbm4b:s19+s4], $0x80, $0x38;
	[tilespmem:$0x18100] =	vst v63  }
0x57: {  	_ =	swait.ge [sflag:s21], $0x80  }
0x58: {  	[sflag:s21] =	ssyncset.done $0x0  }
0x59: {  	[sflag:s21] =	ssyncadd.s32 $0xFFFFFF80  }
0x5a: {  	[tilespmem:s23], [sflag:$0x2] =	stream.linear.gather [hbm4b:s18+s4], $0x80, $0x38;
	[tilespmem:$0x18100] =	vst v63  }
0x5b: {  	_ =	swait.ge [sflag:s21], $0x80  }
0x5c: {  	[sflag:s21] =	ssyncset.done $0x0  }
0x5d: {  	s28 =	sadd.s32 $0x1, s10;
	[sflag:s21] =	ssyncadd.s32 $0xFFFFFF80  }
0x5e: {  	[tilespmem:s20], [sflag:$0x1] =	stream.indirect.gather [hbm4b:s2+s24], $0x80, s22, s24, $0xb8;
	[tilespmem:$0x18100] =	vst v63  }
0x5f: {  	p1 =	slt.u32 s28, s11;
	_ =	swait.ge [sflag:s25], $0x4000  }
.Ltmp4:
0x60: {  	[sflag:s25] =	ssyncset.done $0x0;
	(pc) =	sbr.rel @!p1 .LBB2_6-.Ltmp4, $4  }
0x61: {  	[sflag:s25] =	ssyncadd.s32 $0xFFFFC000  }
0x62: {  	[spmem:s3] =	stream.indirect.scatter.add.f32 [tilespmem:s20], [sflag:$0x2], $0x80, s23, s24, $0xb8;
	[tilespmem:$0x18100] =	vst v63  }
0x63: {  	_ =	swait.ge [sflag:s21], $0x4000  }
0x64: {  	s29 =	sadd.s32 $0x10, s19;
	s30 =	smov.u32 s18;
	[sflag:s21] =	ssyncset.done $0x0  }
.LBB2_5:
0x65: {  	s28 =	sadd.s32 $0x1, s28;
	[sflag:s21] =	ssyncadd.s32 $0xFFFFC000;
	s30 =	sadd.s32 $0x10, s30  }
0x66: {  	[tilespmem:s22], [sflag:$0x2] =	stream.linear.gather [hbm4b:s29+s4], $0x80, $0x38;
	[tilespmem:$0x18100] =	vst v63  }
0x67: {  	p1 =	slt.u32 s28, s11;
	_ =	swait.ge [sflag:s21], $0x80  }
0x68: {  	[sflag:s21] =	ssyncset.done $0x0  }
0x69: {  	[sflag:s21] =	ssyncadd.s32 $0xFFFFFF80  }
0x6a: {  	[tilespmem:s23], [sflag:$0x2] =	stream.linear.gather [hbm4b:s30+s4], $0x80, $0x38;
	[tilespmem:$0x18100] =	vst v63  }
0x6b: {  	_ =	swait.ge [sflag:s21], $0x80  }
0x6c: {  	[sflag:s21] =	ssyncset.done $0x0  }
0x6d: {  	[sflag:s21] =	ssyncadd.s32 $0xFFFFFF80  }
0x6e: {  	[tilespmem:s20], [sflag:$0x1] =	stream.indirect.gather [hbm4b:s2+s24], $0x80, s22, s24, $0xb8;
	[tilespmem:$0x18100] =	vst v63  }
0x6f: {  	_ =	swait.ge [sflag:s25], $0x4000  }
.Ltmp5:
0x70: {  	[sflag:s25] =	ssyncset.done $0x0;
	(pc) =	sbr.rel @p1 .LBB2_5-.Ltmp5, $4  }
0x71: {  	[sflag:s25] =	ssyncadd.s32 $0xFFFFC000  }
0x72: {  	[spmem:s3] =	stream.indirect.scatter.add.f32 [tilespmem:s20], [sflag:$0x2], $0x80, s23, s24, $0xb8;
	[tilespmem:$0x18100] =	vst v63  }
0x73: {  	_ =	swait.ge [sflag:s21], $0x4000  }
0x74: {  	s29 =	sadd.s32 $0x10, s29;
	[sflag:s21] =	ssyncset.done $0x0  }
.Ltmp6:
0x75: {  	_ = 	snop;
	(pc) =	sbr.rel .LBB2_6-.Ltmp6, $1  }
0x76: {  	_ =	sdelay $0x3  }
.LBB2_8:
0x77: {  	_ =	sfence.sel $0x180000  }
0x78: {  	[bflag:$0x0] =	sbarrier.arrive $0xFFFF  }
0x79: {  	p0 =	sne.s32 s0, $0x0;
	_ =	strace $0x9000004A  }
0x7a: {  	s0 =	sadd.s32 @!p0 $0x100000, s1;
	[bflag:$0x2] =	sbarrier.arrive $0xFFFF  }
0x7b: {  	[sflag:s0] =	ssyncadd.tile.s32 @!p0 $0x1;
	_ =	shalt  }
.Lfunc_end2:
_tile_overlayer_lowered:
.L_overlay_start_2:
0x7c: {  	(tag) =	ssettag $0x2  }
0x7d: {  	s0 =	rddreg [dreg:$0x0];
	s2 =	stileid.u32  }
0x7e: {  	s1 =	rddreg [dreg:$0x1];
	p0 =	sne.s32 s2, $0x0  }
0x7f: {  	s3 =	rddreg [dreg:$0x2];
	[bflag:$0x3] =	sbarrier.arrive $0xFFFF;
	s2 =	simm.s32 @!p0 $0x1C02  }
0x80: {  	[timem:s3], [sflag:s2] =	dma.local @!p0 [hbm:s0], s1  }
0x81: {  	s0 =	simm.s32 @!p0 $0x2  }
0x82: {  	_ =	swait.ge @!p0 [sflag:s0], s1  }
0x83: {  	s1 =	ssub.s32 @!p0 $0x0, s1;
	[sflag:s0] =	ssyncset.done @!p0 $0x0  }
0x84: {  	[sflag:s0] =	ssyncadd.s32 @!p0 s1  }
0x85: {  	[bflag:$0x3] =	sbarrier.arrive $0xFFFF  }
0x86: {  	_ =	shalt  }

// kernel: kernel.15.cloned.1.call-start
scs
__scs_entry_jumppad:
0x0: {  	(pc) =	sbr.rel $0x88, $3  }
0x1: {  	(tag) =	ssettag $0x0;
	lr =	simm.s32 $0x1  }
0x2: {  	[smem:$0x3F98] =	sst lr;
	_ =	strace $0xD0000000  }
0x3: {  	_ = 	snop  }
0x4: {  	_ = 	snop  }
0x5: {  	_ = 	snop  }
0x6: {  	_ = 	snop  }
0x7: {  	_ = 	snop  }
__scs_overlays_trampoline_lowered:
0x8: {  	[smem:$0x3FA7] =	sst s0  }
0x9: {  	[smem:$0x3FA8] =	sst s1  }
0xa: {  	[smem:$0x3FA9] =	sst s2  }
0xb: {  	[smem:$0x3FAA] =	sst s3  }
0xc: {  	[smem:$0x3FAB] =	sst s4  }
0xd: {  	[smem:$0x3FAC] =	sst s5  }
0xe: {  	[smem:$0x3FAD] =	sst s6  }
0xf: {  	[smem:$0x3FAE] =	sst s7  }
0x10: {  	[smem:$0x3FAF] =	sst s8  }
0x11: {  	[smem:$0x3FB0] =	sst s9;
	s0 =	simm.s32 @!p0 $0x0  }
0x12: {  	s1 =	sld [smem:$0x3F96];
	s0 =	simm.s32 @p0 $0x1  }
0x13: {  	[smem:$0x3FB1] =	sst s0;
	s0 =	simm.s32 @!p1 $0x0  }
0x14: {  	s2 =	sld [smem:$0x3F95];
	s0 =	simm.s32 @p1 $0x1  }
0x15: {  	[smem:$0x3FB2] =	sst s0;
	s0 =	simm.s32 @!p2 $0x0  }
0x16: {  	s3 =	sld [smem:$0x3FDB];
	s0 =	simm.s32 @p2 $0x1  }
0x17: {  	s4 =	simm.s32 $0x1BF5;
	[smem:$0x3FB4] =	sst s0  }
0x18: {  	s0 =	sld [smem:$0x3F97];
	_ =	swait.ge [sflag:s4], $0x0  }
0x19: {  	s7 =	sld [smem:$0x3F98]  }
0x1a: {  	s8 =	sadd.s32 $0xFFFFE003, lr  }
0x1b: {  	s9 =	sadd.s32 $0xFFFFFEF7, lr;
	s5 =	simm.s32 $0xFFFFFFFF;
	p2 =	slt.u32 s8, $0xFFFFF086  }
0x1c: {  	p1 =	slt.u32 s9, $0xF7A;
	s5 =	simm.s32 @!p2 $0x0  }
0x1d: {  	s5 =	simm.s32 @p1 $0x1;
	p0 =	seq.s32 s7, s2  }
0x1e: {  	s7 =	smul.u32 @!p0 $0xF7A, s2;
	p2 =	seq.s32 @!p0 s5, $0x0  }
0x1f: {  	s9 =	smul.u32 $0xF7A, s1;
	s8 =	simm.s32 @!p0 $0x1BF5;
	p2 =	por !p2, p0  }
0x20: {  	[sflag:s8] =	ssyncset.s32 @!p0 $0xFFFFF086;
	s6 =	sadd.s32 @!p0 s3, s7;
	s7 =	simm.s32 @!p0 $0x108  }
0x21: {  	s3 =	sadd.s32 s3, s9;
	s6 =	sadd.s32 @!p0 $0x88, s6;
	s7 =	simm.s32 @p2 $0x1082  }
0x22: {  	[simem:s7], [sflag:s8] =	dma.local @!p0 [hbm:s6], $0xF7A  }
0x23: {  	s9 =	sor.u32 $0xD0000000, s2;
	s6 =	simm.s32 $0x108;
	_ =	swait.ge @!p0 [sflag:s8], $0x0  }
0x24: {  	s3 =	sadd.s32 $0x88, s3;
	s6 =	simm.s32 @!p1 $0x1082;
	[sflag:s4] =	ssyncset.s32 $0xFFFFF086  }
0x25: {  	[simem:s6], [sflag:s4] =	dma.local [hbm:s3], $0xF7A  }
0x26: {  	[smem:$0x3F98] =	sst s1;
	(tag) =	ssettag s2;
	_ =	strace s9  }
0x27: {  	s1 =	sld [smem:$0x3FA8]  }
0x28: {  	s2 =	sld [smem:$0x3FA9]  }
0x29: {  	s4 =	sld [smem:$0x3FAB]  }
0x2a: {  	p0 =	seq.s32 s5, $0x0;
	s5 =	sld [smem:$0x3FAC]  }
0x2b: {  	s6 =	sld [smem:$0x3FAD]  }
0x2c: {  	s7 =	sld [smem:$0x3FAE]  }
0x2d: {  	s3 =	simm.s32 $0x108;
	s8 =	sld [smem:$0x3FAF]  }
0x2e: {  	s3 =	simm.s32 @!p0 $0x1082;
	s9 =	sld [smem:$0x3FB0]  }
0x2f: {  	lr =	sadd.s32 s0, s3;
	s0 =	sld [smem:$0x3FA7]  }
0x30: {  	s3 =	sld [smem:$0x3FAA]  }
0x31: {  	[smem:$0x3FB3] =	sst s10  }
0x32: {  	s10 =	sld [smem:$0x3FB1];
	_ =	sdelay $0x3  }
0x33: {  	p0 =	seq.s32 s10, $0x1;
	s10 =	sld [smem:$0x3FB3];
	_ =	sdelay $0x3  }
0x34: {  	[smem:$0x3FB3] =	sst s10  }
0x35: {  	s10 =	sld [smem:$0x3FB2];
	_ =	sdelay $0x3  }
0x36: {  	p1 =	seq.s32 s10, $0x1;
	s10 =	sld [smem:$0x3FB3];
	_ =	sdelay $0x3  }
0x37: {  	[smem:$0x3FB3] =	sst s10  }
0x38: {  	s10 =	sld [smem:$0x3FB4]  }
0x39: {  	_ = 	snop;
	(pc) =	sbr.ind lr, $3  }
0x3a: {  	_ = 	snop  }
0x3b: {  	_ = 	snop  }
0x3c: {  	p2 =	seq.s32 s10, $0x1;
	s10 =	sld [smem:$0x3FB3]  }
0x3d: {  	_ =	shalt  }
0x3e: {  	_ =	shalt  }
0x3f: {  	_ =	shalt  }
0x40: {  	_ =	shalt  }
0x41: {  	_ =	shalt  }
0x42: {  	_ =	shalt  }
0x43: {  	_ =	shalt  }
0x44: {  	_ =	shalt  }
0x45: {  	_ =	shalt  }
0x46: {  	_ =	shalt  }
0x47: {  	_ =	shalt  }
0x48: {  	_ =	shalt  }
0x49: {  	_ =	shalt  }
0x4a: {  	_ =	shalt  }
0x4b: {  	_ =	shalt  }
0x4c: {  	_ =	shalt  }
0x4d: {  	_ =	shalt  }
0x4e: {  	_ =	shalt  }
0x4f: {  	_ =	shalt  }
0x50: {  	_ =	shalt  }
0x51: {  	_ =	shalt  }
0x52: {  	_ =	shalt  }
0x53: {  	_ =	shalt  }
0x54: {  	_ =	shalt  }
0x55: {  	_ =	shalt  }
0x56: {  	_ =	shalt  }
0x57: {  	_ =	shalt  }
0x58: {  	_ =	shalt  }
0x59: {  	_ =	shalt  }
0x5a: {  	_ =	shalt  }
0x5b: {  	_ =	shalt  }
0x5c: {  	_ =	shalt  }
0x5d: {  	_ =	shalt  }
0x5e: {  	_ =	shalt  }
0x5f: {  	_ =	shalt  }
0x60: {  	_ =	shalt  }
0x61: {  	_ =	shalt  }
0x62: {  	_ =	shalt  }
0x63: {  	_ =	shalt  }
0x64: {  	_ =	shalt  }
0x65: {  	_ =	shalt  }
0x66: {  	_ =	shalt  }
0x67: {  	_ =	shalt  }
0x68: {  	_ =	shalt  }
0x69: {  	_ =	shalt  }
0x6a: {  	_ =	shalt  }
0x6b: {  	_ =	shalt  }
0x6c: {  	_ =	shalt  }
0x6d: {  	_ =	shalt  }
0x6e: {  	_ =	shalt  }
0x6f: {  	_ =	shalt  }
0x70: {  	_ =	shalt  }
0x71: {  	_ =	shalt  }
0x72: {  	_ =	shalt  }
0x73: {  	_ =	shalt  }
0x74: {  	_ =	shalt  }
0x75: {  	_ =	shalt  }
0x76: {  	_ =	shalt  }
0x77: {  	_ =	shalt  }
0x78: {  	_ =	shalt  }
0x79: {  	_ =	shalt  }
0x7a: {  	_ =	shalt  }
0x7b: {  	_ =	shalt  }
0x7c: {  	_ =	shalt  }
0x7d: {  	_ =	shalt  }
0x7e: {  	_ =	shalt  }
0x7f: {  	_ =	shalt  }
0x80: {  	_ =	shalt  }
0x81: {  	_ =	shalt  }
0x82: {  	_ =	shalt  }
0x83: {  	_ =	shalt  }
0x84: {  	_ =	shalt  }
0x85: {  	_ =	shalt  }
0x86: {  	_ =	shalt  }
0x87: {  	_ =	shalt  }
.Lfunc_end0:
.L_simem_size_0:
called_computation.2_lowered:
.L_overlay_start_0:
0x88: {  	s2 =	sld [smem:$0x3FD9]  }
0x89: {  	s3 =	sld [smem:$0x3FFE];
	_ =	sdelay $0x1  }
0x8a: {  	s1 =	srdreg.scid  }
0x8b: {  	s0 =	sand.u32 $0x1, s1  }
0x8c: {  	s16 =	sshll.u32 s0, $0xA;
	s2 =	sadd.s32 s3, s2  }
0x8d: {  	s2 =	sadd.s32 s2, s16  }
0x8e: {  	[smem:$0x3FBF] =	sst s2  }
0x8f: {  	_ = 	snop  }
0x90: {  	(tm) =	ssettm $0x1  }
0x91: {  	s17 =	sld [smem:$0x3FFB];
	_ =	sdelay $0x3  }
0x92: {  	_ =	strace s17  }
0x93: {  	s2 =	sld [smem:$0x3FFC];
	_ =	sdelay $0x3  }
0x94: {  	_ =	strace s2  }
0x95: {  	s2 =	sld [smem:$0x3FFD];
	_ =	sdelay $0x3  }
0x96: {  	_ =	strace s2  }
0x97: {  	_ =	strace $0x8FFFFFFF  }
0x98: {  	s18 =	sld [smem:$0x3FDB];
	_ =	sdelay $0x1  }
0x99: {  	s19 =	simm.s32 $_scs_section_size  }
0x9a: {  	s4 =	simm.s32 $_size__tile_overlayer_lowered;
	s5 =	simm.s32 $_tile_overlayer_lowered  }
0x9b: {  	s22 =	simm.s32 $0x1BFF;
	s21 =	sshll.u32 s5, $0x1;
	s2 =	sadd.s32 s19, s18  }
0x9c: {  	s6 =	simm.s32 $0x0;
	s20 =	sshll.u32 s4, $0x1;
	s4 =	sadd.s32 s21, s2  }
0x9d: {  	[timem:s6], [sflag:s22] =	dma.local [hbm:s4], s20  }
0x9e: {  	_ =	swait.ge [sflag:s22], s20  }
0x9f: {  	s3 =	ssub.s32 $0x0, s20;
	[sflag:s22] =	ssyncset.done $0x0  }
0xa0: {  	[sflag:s22] =	ssyncadd.s32 s3;
	_ =	sdelay $0x1  }
0xa1: {  	s23 =	simm.s32 $0x1B8B  }
0xa2: {  	_ =	swait.ge [sflag:s23], $0x1  }
0xa3: {  	[sflag:s23] =	ssyncset.done $0x0  }
0xa4: {  	s25 =	simm.s32 $0x1B8E;
	s24 =	sld [smem:$0x3FFE];
	[sflag:s23] =	ssyncadd.s32 $0xFFFFFFFF  }
0xa5: {  	s26 =	simm.s32 $execute0_lowered;
	[smem:$0x3FD2] =	sst s25  }
0xa6: {  	s4 =	sshll.u32 s26, $0x1;
	_ =	strace $0x8000004C;
	[dreg:$0x1] =	wrdreg $0xFFFFFFFF  }
0xa7: {  	s28 =	simm.s32 $_size_execute0_lowered;
	s2 =	sadd.s32 s2, s4;
	[dreg:$0x0] =	wrdreg $0x0  }
0xa8: {  	s4 =	sshll.u32 s28, $0x1;
	[dreg:$0x2] =	wrdreg s2  }
0xa9: {  	[dreg:$0x3] =	wrdreg s4  }
0xaa: {  	[dreg:$0x4] =	wrdreg $0xC0  }
0xab: {  	_ =	task [dreg:s6], $0x5FFFF  }
0xac: {  	[dreg:$0x1] =	wrdreg $0xFFFFFFFF  }
0xad: {  	[dreg:$0x0] =	wrdreg $0x60  }
0xae: {  	[dreg:$0x2] =	wrdreg s24  }
0xaf: {  	[dreg:$0x3] =	wrdreg $0x0  }
0xb0: {  	[dreg:$0x4] =	wrdreg $0x9  }
0xb1: {  	_ =	task.clear_ibuf [dreg:s6], $0x5FFFF;
	_ =	strace $0x9000004C  }
0xb2: {  	s29 =	simm.s32 $0x9;
	_ =	strace $0x8000004E  }
0xb3: {  	_ =	swait.ge [sflag:s29], $0x1  }
0xb4: {  	[sflag:s29] =	ssyncadd.s32 $0xFFFFFFFF  }
0xb5: {  	_ =	strace $0x9000004E  }
0xb6: {  	_ =	sfence  }
0xb7: {  	s30 =	sld [smem:$0x0];
	_ =	sdelay $0x2  }
0xb8: {  	s31 =	sshll.u32 s1, $0xD;
	s1 =	sshrl.u32 s1, $0x2  }
0xb9: {  	s3 =	sand.u32 $0x4000, s31;
	s1 =	sadd.s32 s1, s30  }
0xba: {  	s0 =	sor.u32 s3, s0;
	s1 =	sshll.u32 s1, $0x11  }
0xbb: {  	s0 =	sor.u32 s1, s0  }
0xbc: {  	s0 =	sadd.s32 $0x8F2B, s0  }
0xbd: {  	[sflag:s0] =	ssyncadd.remote.s32 $0x1  }
0xbe: {  	_ =	sfence.sel $0xFFFF  }
0xbf: {  	[dreg:$0x0] =	wrdreg $0xFFFFFFFF;
	(pc) =	sbr.abs _section_cstart, $3  }
0xc0: {  	[dreg:$0x1] =	wrdreg $0xFFFFFFFF  }
0xc1: {  	_ =	task.clear_ibuf [dreg:s6], $0x2FFFF;
	_ =	strace $0x9FFFFFFF  }
0xc2: {  	(tm) =	ssettm $0x7FFFFFFF  }
0xc3: {  	_ =	shalt  }
tec
execute0_lowered:
.L_overlay_start_1:
0x0: {  	(tag) =	ssettag $0x1  }
0x1: {  	s0 =	srdreg.scid;
	s5 =	rddreg [dreg:$0x0]  }
0x2: {  	s2 =	rddreg [dreg:$0x1];
	s7 =	sand.u32 $0x1, s0  }
0x3: {  	s3 =	simm.s32 $0x0;
	s0 =	stileid.u32;
	s1 =	smul.u32 $0xFFFF9C40, s7  }
0x4: {  	s23 =	simm.s32 $0x14080;
	s24 =	simm.s32 $0x80;
	s4 =	smul.u32 $0x9C4, s0  }
0x5: {  	s25 =	simm.s32 $0x1;
	[smem:$0x7FF] =	sst s3;
	s8 =	smul.u32 $0x50000, s0  }
0x6: {  	s16 =	sadd.s32 $0x3CC00, s5;
	s26 =	ssub.s32 $0x2, s7;
	s11 =	smul.u32 $0x14000, s0  }
0x7: {  	s28 =	sshll.u32 s7, $0x4;
	s18 =	smul.u32 $0x140000, s7;
	s9 =	sshrl.u32 s26, $0x1  }
0x8: {  	s29 =	sor.u32 s0, s28;
	s6 =	sand.u32 $0xFFC0, s1;
	s1 =	rddreg [dreg:$0x2]  }
0x9: {  	_ =	strace $0x8000004D;
	s17 =	ssub.s32 s26, s9;
	s30 =	sshrl.u32 s8, $0x2  }
0xa: {  	s12 =	sadd.s32 $0x4000, s11;
	s13 =	smul.u32 $0x9C4, s29;
	s14 =	sadd.s32 $0x8000, s11  }
0xb: {  	s15 =	sadd.s32 $0xC000, s11;
	s20 =	sadd.s32 $0x10000, s11;
	s11 =	sadd.s32 s11, s18  }
0xc: {  	s26 =	simm.s32 $0x0;
	s4 =	sadd.s32 s4, s6;
	s6 =	sadd.s32 s12, s2  }
0xd: {  	s7 =	sadd.s32 s14, s2;
	s8 =	sadd.s32 s15, s2;
	s9 =	sadd.s32 s20, s2  }
0xe: {  	s21 =	sshrl.u32 s11, $0x3;
	s22 =	sadd.s32 s18, s12;
	s14 =	sadd.s32 s18, s14  }
0xf: {  	s15 =	sadd.s32 s18, s15;
	s18 =	sadd.s32 s18, s20;
	s17 =	smax.u32 s17, $0x1  }
0x10: {  	s20 =	simm.s32 $0x14100;
	s4 =	sshrl.u32 s4, $0x1;
	s10 =	sshrl.u32 s13, $0x5  }
0x11: {  	s13 =	sadd.s32 $0x9C4, s13;
	s12 =	sadd.s32 s16, s21;
	s31 =	sshrl.u32 s22, $0x3  }
0x12: {  	s14 =	sshrl.u32 s14, $0x3;
	s15 =	sshrl.u32 s15, $0x3;
	s18 =	sshrl.u32 s18, $0x3  }
.Ltmp0:
0x13: {  	s21 =	simm.s32 $0x2;
	s22 =	simm.s32 $0x14000;
	(pc) =	sbr.rel .LBB2_1-.Ltmp0, $4  }
0x14: {  	s4 =	sand.u32 $0xFFF0, s4;
	s11 =	sshrl.u32 s13, $0x5;
	s13 =	sadd.s32 s16, s31  }
0x15: {  	s14 =	sadd.s32 s16, s14;
	s15 =	sadd.s32 s16, s15;
	s16 =	sadd.s32 s16, s18  }
0x16: {  	s19 =	sadd.s32 s4, s5;
	s4 =	sadd.s32 $0x15A00, s5;
	s5 =	sadd.s32 s30, s2  }
0x17: {  	v0 =	vimm.f32 $0.0e+00;
	p0 =	sge.u32 s10, s11;
	s18 =	sadd.s32 $0x1E00, s19;
	s19 =	sadd.s32 $0xBC00, s19  }
.LBB2_6:
0x18: {  	[sflag:s21] =	ssyncadd.s32 $0xFFFFC000  }
.LBB2_7:
0x19: {  	s28 =	sshll.u32 s0, $0x6  }
0x1a: {  	[bflag:$0x0] =	sbarrier.arrive $0xFFFF;
	s29 =	sshrl.u32 s5, $0x3;
	s28 =	sor.u32 $0x1C02, s28  }
0x1b: {  	[hbm:s12], [sflag:s28] =	dma.local [spmem:s29], $0x800  }
0x1c: {  	_ =	swait.ge [sflag:s21], $0x800  }
0x1d: {  	[sflag:s21] =	ssyncset.done $0x0  }
0x1e: {  	s30 =	sshrl.u32 s6, $0x3;
	[sflag:s21] =	ssyncadd.s32 $0xFFFFF800  }
0x1f: {  	[hbm:s13], [sflag:s28] =	dma.local [spmem:s30], $0x800  }
0x20: {  	_ =	swait.ge [sflag:s21], $0x800  }
0x21: {  	[sflag:s21] =	ssyncset.done $0x0  }
0x22: {  	s31 =	sshrl.u32 s7, $0x3;
	[sflag:s21] =	ssyncadd.s32 $0xFFFFF800  }
0x23: {  	[hbm:s14], [sflag:s28] =	dma.local [spmem:s31], $0x800  }
0x24: {  	_ =	swait.ge [sflag:s21], $0x800  }
0x25: {  	[sflag:s21] =	ssyncset.done $0x0  }
0x26: {  	s30 =	sshrl.u32 s8, $0x3;
	[sflag:s21] =	ssyncadd.s32 $0xFFFFF800  }
0x27: {  	[hbm:s15], [sflag:s28] =	dma.local [spmem:s30], $0x800  }
0x28: {  	s26 =	sadd.s32 $0x1, s26;
	_ =	swait.ge [sflag:s21], $0x800  }
0x29: {  	p1 =	sne.s32 s26, s17;
	[sflag:s21] =	ssyncset.done $0x0  }
.Ltmp1:
0x2a: {  	s31 =	sshrl.u32 s9, $0x3;
	[sflag:s21] =	ssyncadd.s32 $0xFFFFF800;
	(pc) =	sbr.rel @!p1 .LBB2_8-.Ltmp1, $4  }
0x2b: {  	[hbm:s16], [sflag:s28] =	dma.local [spmem:s31], $0x800  }
0x2c: {  	_ =	swait.ge [sflag:s21], $0x800  }
0x2d: {  	[sflag:s21] =	ssyncset.done $0x0  }
0x2e: {  	[sflag:s21] =	ssyncadd.s32 $0xFFFFF800  }
.LBB2_1:
0x2f: {  	s28 =	simm.s32 $0x0;
	s29 =	simm.s32 $0x200  }
.LBB2_2:
0x30: {  	p1 =	sne.s32 s29, $0xFE00;
	[tilespmem:s28+$0x14170] =	vst v0  }
0x31: {  	[tilespmem:s28+$0x14100] =	vst v0  }
0x32: {  	[tilespmem:s28+$0x14110] =	vst v0  }
.Ltmp2:
0x33: {  	[tilespmem:s28+$0x14120] =	vst v0;
	(pc) =	sbr.rel @p1 .LBB2_2-.Ltmp2, $4  }
0x34: {  	[tilespmem:s28+$0x14130] =	vst v0  }
0x35: {  	[tilespmem:s28+$0x14140] =	vst v0  }
0x36: {  	[tilespmem:s28+$0x14150] =	vst v0  }
0x37: {  	[tilespmem:s28+$0x14160] =	vst v0;
	s28 =	sshra.s32 s29, $0x2;
	s29 =	sadd.s32 $0x200, s29  }
0x38: {  	[tilespmem:s28+$0x14170] =	vst v0  }
0x39: {  	[tilespmem:s28+$0x14100] =	vst v0  }
0x3a: {  	[tilespmem:s28+$0x14110] =	vst v0  }
0x3b: {  	[tilespmem:s28+$0x14120] =	vst v0  }
0x3c: {  	[tilespmem:s28+$0x14130] =	vst v0  }
0x3d: {  	[tilespmem:s28+$0x14140] =	vst v0  }
0x3e: {  	[tilespmem:s28+$0x14150] =	vst v0  }
0x3f: {  	[tilespmem:s28+$0x14160] =	vst v0  }
0x40: {  	[spmem:s5] =	stream.linear.scatter [tilespmem:s20], [sflag:$0x2], $0x4000, $0x38;
	[tilespmem:$0x18100] =	vst v63  }
0x41: {  	_ =	swait.ge [sflag:s21], $0x4000  }
0x42: {  	[sflag:s21] =	ssyncset.done $0x0  }
0x43: {  	[sflag:s21] =	ssyncadd.s32 $0xFFFFC000  }
0x44: {  	[spmem:s6] =	stream.linear.scatter [tilespmem:s20], [sflag:$0x2], $0x4000, $0x38;
	[tilespmem:$0x18100] =	vst v63  }
0x45: {  	_ =	swait.ge [sflag:s21], $0x4000  }
0x46: {  	[sflag:s21] =	ssyncset.done $0x0  }
0x47: {  	[sflag:s21] =	ssyncadd.s32 $0xFFFFC000  }
0x48: {  	[spmem:s7] =	stream.linear.scatter [tilespmem:s20], [sflag:$0x2], $0x4000, $0x38;
	[tilespmem:$0x18100] =	vst v63  }
0x49: {  	_ =	swait.ge [sflag:s21], $0x4000  }
0x4a: {  	[sflag:s21] =	ssyncset.done $0x0  }
0x4b: {  	[sflag:s21] =	ssyncadd.s32 $0xFFFFC000  }
0x4c: {  	[spmem:s8] =	stream.linear.scatter [tilespmem:s20], [sflag:$0x2], $0x4000, $0x38;
	[tilespmem:$0x18100] =	vst v63  }
0x4d: {  	_ =	swait.ge [sflag:s21], $0x4000  }
0x4e: {  	[sflag:s21] =	ssyncset.done $0x0  }
0x4f: {  	[sflag:s21] =	ssyncadd.s32 $0xFFFFC000  }
0x50: {  	[spmem:s9] =	stream.linear.scatter [tilespmem:s20], [sflag:$0x2], $0x4000, $0x38;
	[tilespmem:$0x18100] =	vst v63  }
.Ltmp3:
0x51: {  	_ =	swait.ge [sflag:s21], $0x4000;
	(pc) =	sbr.rel @p0 .LBB2_7-.Ltmp3, $3  }
0x52: {  	[sflag:s21] =	ssyncset.done $0x0  }
0x53: {  	[sflag:s21] =	ssyncadd.s32 $0xFFFFC000  }
0x54: {  	[bflag:$0x0] =	sbarrier.arrive $0xFFFF;
	_ =	sdelay $0x1  }
0x55: {  	[tilespmem:s22], [sflag:$0x2] =	stream.linear.gather [hbm4b:s19+s3], $0x80, $0x38;
	[tilespmem:$0x18100] =	vst v63  }
0x56: {  	_ =	swait.ge [sflag:s21], $0x80  }
0x57: {  	[sflag:s21] =	ssyncset.done $0x0  }
0x58: {  	[sflag:s21] =	ssyncadd.s32 $0xFFFFFF80  }
0x59: {  	[tilespmem:s23], [sflag:$0x2] =	stream.linear.gather [hbm4b:s18+s3], $0x80, $0x38;
	[tilespmem:$0x18100] =	vst v63  }
0x5a: {  	_ =	swait.ge [sflag:s21], $0x80  }
0x5b: {  	[sflag:s21] =	ssyncset.done $0x0  }
0x5c: {  	s28 =	sadd.s32 $0x1, s10;
	[sflag:s21] =	ssyncadd.s32 $0xFFFFFF80  }
0x5d: {  	[tilespmem:s20], [sflag:$0x1] =	stream.indirect.gather [hbm4b:s4+s24], $0x80, s22, s24, $0xb8;
	[tilespmem:$0x18100] =	vst v63  }
0x5e: {  	p1 =	slt.u32 s28, s11;
	_ =	swait.ge [sflag:s25], $0x4000  }
.Ltmp4:
0x5f: {  	[sflag:s25] =	ssyncset.done $0x0;
	(pc) =	sbr.rel @!p1 .LBB2_6-.Ltmp4, $4  }
0x60: {  	[sflag:s25] =	ssyncadd.s32 $0xFFFFC000  }
0x61: {  	[spmem:s2] =	stream.indirect.scatter.add.f32 [tilespmem:s20], [sflag:$0x2], $0x80, s23, s24, $0xb8;
	[tilespmem:$0x18100] =	vst v63  }
0x62: {  	_ =	swait.ge [sflag:s21], $0x4000  }
0x63: {  	s29 =	sadd.s32 $0x10, s19;
	s30 =	smov.u32 s18;
	[sflag:s21] =	ssyncset.done $0x0  }
.LBB2_5:
0x64: {  	s28 =	sadd.s32 $0x1, s28;
	[sflag:s21] =	ssyncadd.s32 $0xFFFFC000;
	s30 =	sadd.s32 $0x10, s30  }
0x65: {  	[tilespmem:s22], [sflag:$0x2] =	stream.linear.gather [hbm4b:s29+s3], $0x80, $0x38;
	[tilespmem:$0x18100] =	vst v63  }
0x66: {  	p1 =	slt.u32 s28, s11;
	_ =	swait.ge [sflag:s21], $0x80  }
0x67: {  	[sflag:s21] =	ssyncset.done $0x0  }
0x68: {  	[sflag:s21] =	ssyncadd.s32 $0xFFFFFF80  }
0x69: {  	[tilespmem:s23], [sflag:$0x2] =	stream.linear.gather [hbm4b:s30+s3], $0x80, $0x38;
	[tilespmem:$0x18100] =	vst v63  }
0x6a: {  	_ =	swait.ge [sflag:s21], $0x80  }
0x6b: {  	[sflag:s21] =	ssyncset.done $0x0  }
0x6c: {  	[sflag:s21] =	ssyncadd.s32 $0xFFFFFF80  }
0x6d: {  	[tilespmem:s20], [sflag:$0x1] =	stream.indirect.gather [hbm4b:s4+s24], $0x80, s22, s24, $0xb8;
	[tilespmem:$0x18100] =	vst v63  }
0x6e: {  	_ =	swait.ge [sflag:s25], $0x4000  }
.Ltmp5:
0x6f: {  	[sflag:s25] =	ssyncset.done $0x0;
	(pc) =	sbr.rel @p1 .LBB2_5-.Ltmp5, $4  }
0x70: {  	[sflag:s25] =	ssyncadd.s32 $0xFFFFC000  }
0x71: {  	[spmem:s2] =	stream.indirect.scatter.add.f32 [tilespmem:s20], [sflag:$0x2], $0x80, s23, s24, $0xb8;
	[tilespmem:$0x18100] =	vst v63  }
0x72: {  	_ =	swait.ge [sflag:s21], $0x4000  }
0x73: {  	s29 =	sadd.s32 $0x10, s29;
	[sflag:s21] =	ssyncset.done $0x0  }
.Ltmp6:
0x74: {  	_ = 	snop;
	(pc) =	sbr.rel .LBB2_6-.Ltmp6, $1  }
0x75: {  	_ =	sdelay $0x3  }
.LBB2_8:
0x76: {  	_ =	sfence.sel $0x180000  }
0x77: {  	[bflag:$0x0] =	sbarrier.arrive $0xFFFF  }
0x78: {  	p0 =	sne.s32 s0, $0x0;
	_ =	strace $0x9000004D  }
0x79: {  	s0 =	sadd.s32 @!p0 $0x100000, s1;
	[bflag:$0x2] =	sbarrier.arrive $0xFFFF  }
0x7a: {  	[sflag:s0] =	ssyncadd.tile.s32 @!p0 $0x1;
	_ =	shalt  }
.Lfunc_end2:
_tile_overlayer_lowered:
.L_overlay_start_2:
0x7b: {  	(tag) =	ssettag $0x2  }
0x7c: {  	s0 =	rddreg [dreg:$0x0];
	s2 =	stileid.u32  }
0x7d: {  	s1 =	rddreg [dreg:$0x1];
	p0 =	sne.s32 s2, $0x0  }
0x7e: {  	s3 =	rddreg [dreg:$0x2];
	[bflag:$0x3] =	sbarrier.arrive $0xFFFF;
	s2 =	simm.s32 @!p0 $0x1C02  }
0x7f: {  	[timem:s3], [sflag:s2] =	dma.local @!p0 [hbm:s0], s1  }
0x80: {  	s0 =	simm.s32 @!p0 $0x2  }
0x81: {  	_ =	swait.ge @!p0 [sflag:s0], s1  }
0x82: {  	s1 =	ssub.s32 @!p0 $0x0, s1;
	[sflag:s0] =	ssyncset.done @!p0 $0x0  }
0x83: {  	[sflag:s0] =	ssyncadd.s32 @!p0 s1  }
0x84: {  	[bflag:$0x3] =	sbarrier.arrive $0xFFFF  }
0x85: {  	_ =	shalt  }

// kernel: kernel.18.cloned.1.call-start
scs
__scs_entry_jumppad:
0x0: {  	(pc) =	sbr.rel $0x88, $3  }
0x1: {  	(tag) =	ssettag $0x0;
	lr =	simm.s32 $0x1  }
0x2: {  	[smem:$0x3F98] =	sst lr;
	_ =	strace $0xD0000000  }
0x3: {  	_ = 	snop  }
0x4: {  	_ = 	snop  }
0x5: {  	_ = 	snop  }
0x6: {  	_ = 	snop  }
0x7: {  	_ = 	snop  }
__scs_overlays_trampoline_lowered:
0x8: {  	[smem:$0x3FA7] =	sst s0  }
0x9: {  	[smem:$0x3FA8] =	sst s1  }
0xa: {  	[smem:$0x3FA9] =	sst s2  }
0xb: {  	[smem:$0x3FAA] =	sst s3  }
0xc: {  	[smem:$0x3FAB] =	sst s4  }
0xd: {  	[smem:$0x3FAC] =	sst s5  }
0xe: {  	[smem:$0x3FAD] =	sst s6  }
0xf: {  	[smem:$0x3FAE] =	sst s7  }
0x10: {  	[smem:$0x3FAF] =	sst s8  }
0x11: {  	[smem:$0x3FB0] =	sst s9;
	s0 =	simm.s32 @!p0 $0x0  }
0x12: {  	s1 =	sld [smem:$0x3F96];
	s0 =	simm.s32 @p0 $0x1  }
0x13: {  	[smem:$0x3FB1] =	sst s0;
	s0 =	simm.s32 @!p1 $0x0  }
0x14: {  	s2 =	sld [smem:$0x3F95];
	s0 =	simm.s32 @p1 $0x1  }
0x15: {  	[smem:$0x3FB2] =	sst s0;
	s0 =	simm.s32 @!p2 $0x0  }
0x16: {  	s3 =	sld [smem:$0x3FDB];
	s0 =	simm.s32 @p2 $0x1  }
0x17: {  	s4 =	simm.s32 $0x1BF5;
	[smem:$0x3FB4] =	sst s0  }
0x18: {  	s0 =	sld [smem:$0x3F97];
	_ =	swait.ge [sflag:s4], $0x0  }
0x19: {  	s7 =	sld [smem:$0x3F98]  }
0x1a: {  	s8 =	sadd.s32 $0xFFFFE003, lr  }
0x1b: {  	s9 =	sadd.s32 $0xFFFFFEF7, lr;
	s5 =	simm.s32 $0xFFFFFFFF;
	p2 =	slt.u32 s8, $0xFFFFF086  }
0x1c: {  	p1 =	slt.u32 s9, $0xF7A;
	s5 =	simm.s32 @!p2 $0x0  }
0x1d: {  	s5 =	simm.s32 @p1 $0x1;
	p0 =	seq.s32 s7, s2  }
0x1e: {  	s7 =	smul.u32 @!p0 $0xF7A, s2;
	p2 =	seq.s32 @!p0 s5, $0x0  }
0x1f: {  	s9 =	smul.u32 $0xF7A, s1;
	s8 =	simm.s32 @!p0 $0x1BF5;
	p2 =	por !p2, p0  }
0x20: {  	[sflag:s8] =	ssyncset.s32 @!p0 $0xFFFFF086;
	s6 =	sadd.s32 @!p0 s3, s7;
	s7 =	simm.s32 @!p0 $0x108  }
0x21: {  	s3 =	sadd.s32 s3, s9;
	s6 =	sadd.s32 @!p0 $0x88, s6;
	s7 =	simm.s32 @p2 $0x1082  }
0x22: {  	[simem:s7], [sflag:s8] =	dma.local @!p0 [hbm:s6], $0xF7A  }
0x23: {  	s9 =	sor.u32 $0xD0000000, s2;
	s6 =	simm.s32 $0x108;
	_ =	swait.ge @!p0 [sflag:s8], $0x0  }
0x24: {  	s3 =	sadd.s32 $0x88, s3;
	s6 =	simm.s32 @!p1 $0x1082;
	[sflag:s4] =	ssyncset.s32 $0xFFFFF086  }
0x25: {  	[simem:s6], [sflag:s4] =	dma.local [hbm:s3], $0xF7A  }
0x26: {  	[smem:$0x3F98] =	sst s1;
	(tag) =	ssettag s2;
	_ =	strace s9  }
0x27: {  	s1 =	sld [smem:$0x3FA8]  }
0x28: {  	s2 =	sld [smem:$0x3FA9]  }
0x29: {  	s4 =	sld [smem:$0x3FAB]  }
0x2a: {  	p0 =	seq.s32 s5, $0x0;
	s5 =	sld [smem:$0x3FAC]  }
0x2b: {  	s6 =	sld [smem:$0x3FAD]  }
0x2c: {  	s7 =	sld [smem:$0x3FAE]  }
0x2d: {  	s3 =	simm.s32 $0x108;
	s8 =	sld [smem:$0x3FAF]  }
0x2e: {  	s3 =	simm.s32 @!p0 $0x1082;
	s9 =	sld [smem:$0x3FB0]  }
0x2f: {  	lr =	sadd.s32 s0, s3;
	s0 =	sld [smem:$0x3FA7]  }
0x30: {  	s3 =	sld [smem:$0x3FAA]  }
0x31: {  	[smem:$0x3FB3] =	sst s10  }
0x32: {  	s10 =	sld [smem:$0x3FB1];
	_ =	sdelay $0x3  }
0x33: {  	p0 =	seq.s32 s10, $0x1;
	s10 =	sld [smem:$0x3FB3];
	_ =	sdelay $0x3  }
0x34: {  	[smem:$0x3FB3] =	sst s10  }
0x35: {  	s10 =	sld [smem:$0x3FB2];
	_ =	sdelay $0x3  }
0x36: {  	p1 =	seq.s32 s10, $0x1;
	s10 =	sld [smem:$0x3FB3];
	_ =	sdelay $0x3  }
0x37: {  	[smem:$0x3FB3] =	sst s10  }
0x38: {  	s10 =	sld [smem:$0x3FB4]  }
0x39: {  	_ = 	snop;
	(pc) =	sbr.ind lr, $3  }
0x3a: {  	_ = 	snop  }
0x3b: {  	_ = 	snop  }
0x3c: {  	p2 =	seq.s32 s10, $0x1;
	s10 =	sld [smem:$0x3FB3]  }
0x3d: {  	_ =	shalt  }
0x3e: {  	_ =	shalt  }
0x3f: {  	_ =	shalt  }
0x40: {  	_ =	shalt  }
0x41: {  	_ =	shalt  }
0x42: {  	_ =	shalt  }
0x43: {  	_ =	shalt  }
0x44: {  	_ =	shalt  }
0x45: {  	_ =	shalt  }
0x46: {  	_ =	shalt  }
0x47: {  	_ =	shalt  }
0x48: {  	_ =	shalt  }
0x49: {  	_ =	shalt  }
0x4a: {  	_ =	shalt  }
0x4b: {  	_ =	shalt  }
0x4c: {  	_ =	shalt  }
0x4d: {  	_ =	shalt  }
0x4e: {  	_ =	shalt  }
0x4f: {  	_ =	shalt  }
0x50: {  	_ =	shalt  }
0x51: {  	_ =	shalt  }
0x52: {  	_ =	shalt  }
0x53: {  	_ =	shalt  }
0x54: {  	_ =	shalt  }
0x55: {  	_ =	shalt  }
0x56: {  	_ =	shalt  }
0x57: {  	_ =	shalt  }
0x58: {  	_ =	shalt  }
0x59: {  	_ =	shalt  }
0x5a: {  	_ =	shalt  }
0x5b: {  	_ =	shalt  }
0x5c: {  	_ =	shalt  }
0x5d: {  	_ =	shalt  }
0x5e: {  	_ =	shalt  }
0x5f: {  	_ =	shalt  }
0x60: {  	_ =	shalt  }
0x61: {  	_ =	shalt  }
0x62: {  	_ =	shalt  }
0x63: {  	_ =	shalt  }
0x64: {  	_ =	shalt  }
0x65: {  	_ =	shalt  }
0x66: {  	_ =	shalt  }
0x67: {  	_ =	shalt  }
0x68: {  	_ =	shalt  }
0x69: {  	_ =	shalt  }
0x6a: {  	_ =	shalt  }
0x6b: {  	_ =	shalt  }
0x6c: {  	_ =	shalt  }
0x6d: {  	_ =	shalt  }
0x6e: {  	_ =	shalt  }
0x6f: {  	_ =	shalt  }
0x70: {  	_ =	shalt  }
0x71: {  	_ =	shalt  }
0x72: {  	_ =	shalt  }
0x73: {  	_ =	shalt  }
0x74: {  	_ =	shalt  }
0x75: {  	_ =	shalt  }
0x76: {  	_ =	shalt  }
0x77: {  	_ =	shalt  }
0x78: {  	_ =	shalt  }
0x79: {  	_ =	shalt  }
0x7a: {  	_ =	shalt  }
0x7b: {  	_ =	shalt  }
0x7c: {  	_ =	shalt  }
0x7d: {  	_ =	shalt  }
0x7e: {  	_ =	shalt  }
0x7f: {  	_ =	shalt  }
0x80: {  	_ =	shalt  }
0x81: {  	_ =	shalt  }
0x82: {  	_ =	shalt  }
0x83: {  	_ =	shalt  }
0x84: {  	_ =	shalt  }
0x85: {  	_ =	shalt  }
0x86: {  	_ =	shalt  }
0x87: {  	_ =	shalt  }
.Lfunc_end0:
.L_simem_size_0:
called_computation.3_lowered:
.L_overlay_start_0:
0x88: {  	s2 =	sld [smem:$0x3FD9]  }
0x89: {  	s3 =	sld [smem:$0x3FFE];
	_ =	sdelay $0x1  }
0x8a: {  	s1 =	srdreg.scid  }
0x8b: {  	s0 =	sand.u32 $0x1, s1  }
0x8c: {  	s17 =	sshll.u32 s0, $0xA;
	s2 =	sadd.s32 s3, s2  }
0x8d: {  	s2 =	sadd.s32 s2, s17  }
0x8e: {  	[smem:$0x3FBF] =	sst s2  }
0x8f: {  	_ = 	snop  }
0x90: {  	s2 =	sld [smem:$0x3FD0];
	(tm) =	ssettm $0x1  }
0x91: {  	s18 =	sld [smem:$0x3FFB];
	_ =	sdelay $0x3  }
0x92: {  	_ =	strace s18  }
0x93: {  	s3 =	sld [smem:$0x3FFC];
	_ =	sdelay $0x3  }
0x94: {  	_ =	strace s3  }
0x95: {  	s3 =	sld [smem:$0x3FFD];
	_ =	sdelay $0x3  }
0x96: {  	_ =	strace s3  }
0x97: {  	_ =	strace $0x8FFFFFFF  }
0x98: {  	s19 =	sld [smem:$0x3FDB];
	_ =	sdelay $0x1  }
0x99: {  	s4 =	simm.s32 $_scs_section_size  }
0x9a: {  	s5 =	simm.s32 $_size__tile_overlayer_lowered;
	s6 =	simm.s32 $_tile_overlayer_lowered  }
0x9b: {  	s22 =	simm.s32 $0x1BFF;
	s21 =	sshll.u32 s6, $0x1;
	s3 =	sadd.s32 s4, s19  }
0x9c: {  	s7 =	simm.s32 $0x0;
	s20 =	sshll.u32 s5, $0x1;
	s5 =	sadd.s32 s21, s3  }
0x9d: {  	[timem:s7], [sflag:s22] =	dma.local [hbm:s5], s20  }
0x9e: {  	_ =	swait.ge [sflag:s22], s20  }
0x9f: {  	s4 =	ssub.s32 $0x0, s20;
	[sflag:s22] =	ssyncset.done $0x0  }
0xa0: {  	[sflag:s22] =	ssyncadd.s32 s4;
	_ =	sdelay $0x1  }
0xa1: {  	s23 =	simm.s32 $0x1B8B  }
0xa2: {  	_ =	swait.ge [sflag:s23], $0x1  }
0xa3: {  	[sflag:s23] =	ssyncset.done $0x0  }
0xa4: {  	s25 =	simm.s32 $0x1B8E;
	s24 =	sld [smem:$0x3FFE];
	[sflag:s23] =	ssyncadd.s32 $0xFFFFFFFF  }
0xa5: {  	s26 =	simm.s32 $execute0_lowered;
	[smem:$0x3FD2] =	sst s25  }
0xa6: {  	s5 =	sshll.u32 s26, $0x1;
	_ =	strace $0x8000004F;
	[dreg:$0x1] =	wrdreg $0xFFFFFFFF  }
0xa7: {  	s28 =	simm.s32 $_size_execute0_lowered;
	s3 =	sadd.s32 s3, s5;
	[dreg:$0x0] =	wrdreg $0x0  }
0xa8: {  	s5 =	sshll.u32 s28, $0x1;
	[dreg:$0x2] =	wrdreg s3  }
0xa9: {  	[dreg:$0x3] =	wrdreg s5  }
0xaa: {  	[dreg:$0x4] =	wrdreg $0xC0  }
0xab: {  	_ =	task [dreg:s7], $0x5FFFF  }
0xac: {  	[dreg:$0x1] =	wrdreg $0xFFFFFFFF  }
0xad: {  	[dreg:$0x0] =	wrdreg $0x60  }
0xae: {  	[dreg:$0x2] =	wrdreg s24  }
0xaf: {  	[dreg:$0x3] =	wrdreg s2  }
0xb0: {  	[dreg:$0x4] =	wrdreg $0x9  }
0xb1: {  	_ =	task.clear_ibuf [dreg:s7], $0x5FFFF;
	_ =	strace $0x9000004F  }
0xb2: {  	s29 =	simm.s32 $0x9;
	_ =	strace $0x80000051  }
0xb3: {  	_ =	swait.ge [sflag:s29], $0x1  }
0xb4: {  	[sflag:s29] =	ssyncadd.s32 $0xFFFFFFFF  }
0xb5: {  	_ =	strace $0x90000051  }
0xb6: {  	_ =	sfence  }
0xb7: {  	s30 =	sld [smem:$0x0];
	_ =	sdelay $0x2  }
0xb8: {  	s31 =	sshll.u32 s1, $0xD;
	s1 =	sshrl.u32 s1, $0x2  }
0xb9: {  	s3 =	sand.u32 $0x4000, s31;
	s1 =	sadd.s32 s1, s30  }
0xba: {  	s0 =	sor.u32 s3, s0;
	s1 =	sshll.u32 s1, $0x11  }
0xbb: {  	s0 =	sor.u32 s1, s0  }
0xbc: {  	s0 =	sadd.s32 $0x8F2B, s0  }
0xbd: {  	[sflag:s0] =	ssyncadd.remote.s32 $0x1  }
0xbe: {  	_ =	sfence.sel $0xFFFF  }
0xbf: {  	[dreg:$0x0] =	wrdreg $0xFFFFFFFF;
	(pc) =	sbr.abs _section_cstart, $3  }
0xc0: {  	[dreg:$0x1] =	wrdreg $0xFFFFFFFF  }
0xc1: {  	_ =	task.clear_ibuf [dreg:s7], $0x2FFFF;
	_ =	strace $0x9FFFFFFF  }
0xc2: {  	(tm) =	ssettm $0x7FFFFFFF  }
0xc3: {  	_ =	shalt  }
tec
execute0_lowered:
.L_overlay_start_1:
0x0: {  	(tag) =	ssettag $0x1  }
0x1: {  	s6 =	rddreg [dreg:$0x0]  }
0x2: {  	s1 =	rddreg [dreg:$0x1]  }
0x3: {  	s0 =	rddreg [dreg:$0x2];
	s2 =	simm.s32 $0x0;
	s3 =	srdreg.scid  }
0x4: {  	s10 =	simm.s32 $0x80;
	s11 =	simm.s32 $0x100;
	s12 =	simm.s32 $0x4100  }
0x5: {  	s13 =	simm.s32 $0x1;
	s14 =	simm.s32 $0x8100;
	s15 =	simm.s32 $0x0  }
0x6: {  	[smem:$0x7FF] =	sst s2;
	s7 =	sand.u32 $0x1, s3;
	s4 =	sadd.s32 $0x8CC00, s6  }
0x7: {  	s5 =	sadd.s32 $0x1E00, s6;
	s3 =	stileid.u32;
	s8 =	ssub.s32 $0x2, s7  }
0x8: {  	s6 =	sadd.s32 $0x92E00, s6;
	s7 =	sshll.u32 s7, $0x4;
	s9 =	sshrl.u32 s8, $0x1  }
0x9: {  	_ =	strace $0x80000050;
	s7 =	sor.u32 s3, s7;
	s8 =	ssub.s32 s8, s9  }
0xa: {  	s7 =	smul.u32 $0x31, s7;
	s9 =	simm.s32 $0x2;
	s8 =	smax.u32 s8, $0x1  }
.LBB2_1:
0xb: {  	s16 =	simm.s32 $0x0  }
.LBB2_2:
0xc: {  	s17 =	sadd.s32 s7, s16  }
0xd: {  	s18 =	sshll.u32 s17, $0x4  }
0xe: {  	s20 =	simm.s32 $0x0;
	s19 =	sadd.s32 s4, s18  }
0xf: {  	[tilespmem:s20], [sflag:$0x2] =	stream.linear.gather [hbm4b:s19+s20], $0x80, $0x38;
	[tilespmem:$0xC100] =	vst v63  }
0x10: {  	_ =	swait.ge [sflag:s9], $0x80  }
0x11: {  	[sflag:s9] =	ssyncset.done $0x0  }
0x12: {  	s18 =	sadd.s32 s1, s18;
	[sflag:s9] =	ssyncadd.s32 $0xFFFFFF80  }
0x13: {  	[tilespmem:s10], [sflag:$0x2] =	stream.linear.gather [hbm4b:s18+s20], $0x80, $0x38;
	[tilespmem:$0xC100] =	vst v63  }
0x14: {  	_ =	swait.ge [sflag:s9], $0x80  }
0x15: {  	[sflag:s9] =	ssyncset.done $0x0  }
0x16: {  	[sflag:s9] =	ssyncadd.s32 $0xFFFFFF80  }
0x17: {  	[tilespmem:s11], [sflag:$0x1] =	stream.indirect.gather [hbm4b:s5+s10], $0x80, s20, s10, $0xb8;
	[tilespmem:$0xC100] =	vst v63  }
0x18: {  	_ = 	snop  }
0x19: {  	[tilespmem:s12], [sflag:$0x1] =	stream.indirect.gather [hbm4b:s5+s10], $0x80, s10, s10, $0xb8;
	[tilespmem:$0xC100] =	vst v63  }
0x1a: {  	_ =	swait.ge [sflag:s13], $0x4000  }
0x1b: {  	[sflag:s13] =	ssyncset.done $0x0  }
0x1c: {  	[sflag:s13] =	ssyncadd.s32 $0xFFFFC000  }
0x1d: {  	_ =	swait.ge [sflag:s13], $0x4000  }
0x1e: {  	[sflag:s13] =	ssyncset.done $0x0  }
0x1f: {  	s18 =	simm.s32 $0x0;
	[sflag:s13] =	ssyncadd.s32 $0xFFFFC000  }
0x20: {  	v0 =	vld [tilespmem:s18+$0x100]  }
0x21: {  	v1 =	vld [tilespmem:s18+$0x4100]  }
0x22: {  	v2 =	vld [tilespmem:s18+$0x110]  }
0x23: {  	v3 =	vld [tilespmem:s18+$0x4110]  }
0x24: {  	v4 =	vld [tilespmem:s18+$0x120]  }
0x25: {  	v5 =	vld [tilespmem:s18+$0x4120]  }
0x26: {  	v6 =	vld [tilespmem:s18+$0x4130];
	v0 =	vmul.f32 v1, v0  }
0x27: {  	v1 =	vld [tilespmem:s18+$0x130]  }
0x28: {  	v7 =	vld [tilespmem:s18+$0x140];
	v2 =	vmul.f32 v3, v2;
	v0 =	vadd.f32 $0.0e+00, v0  }
0x29: {  	v8 =	vld [tilespmem:s18+$0x4140]  }
0x2a: {  	v9 =	vld [tilespmem:s18+$0x150];
	v0 =	vadd.f32 v2, v0;
	v2 =	vmul.f32 v5, v4  }
0x2b: {  	v10 =	vld [tilespmem:s18+$0x4150]  }
0x2c: {  	v3 =	vld [tilespmem:s18+$0x4160];
	v1 =	vmul.f32 v6, v1;
	v2 =	vadd.f32 v2, v0  }
0x2d: {  	v0 =	vld [tilespmem:s18+$0x160]  }
0x2e: {  	v4 =	vld [tilespmem:s18+$0x4170];
	v6 =	vmul.f32 v8, v7;
	v5 =	vadd.f32 v1, v2  }
0x2f: {  	s19 =	simm.s32 $0x80;
	v1 =	vld [tilespmem:s18+$0x170]  }
0x30: {  	s20 =	simm.s32 $0x400;
	v2 =	vld [tilespmem:s19+$0x100];
	v5 =	vadd.f32 v6, v5;
	v6 =	vmul.f32 v10, v9  }
.LBB2_3:
0x31: {  	p0 =	sne.s32 s20, $0xFE00;
	v7 =	vld [tilespmem:s19+$0x4100]  }
0x32: {  	v8 =	vld [tilespmem:s19+$0x110];
	v5 =	vadd.f32 v6, v5;
	v0 =	vmul.f32 v3, v0  }
0x33: {  	v3 =	vld [tilespmem:s19+$0x4110]  }
0x34: {  	v6 =	vld [tilespmem:s19+$0x120];
	v0 =	vadd.f32 v0, v5;
	v1 =	vmul.f32 v4, v1  }
0x35: {  	v4 =	vld [tilespmem:s19+$0x4120]  }
0x36: {  	v2 =	vmul.f32 v7, v2;
	v5 =	vld [tilespmem:s19+$0x130];
	v0 =	vadd.f32 v1, v0  }
0x37: {  	v1 =	vld [tilespmem:s19+$0x4130]  }
0x38: {  	v2 =	vadd.f32 $0.0e+00, v2;
	v3 =	vmul.f32 v3, v8;
	v7 =	vld [tilespmem:s19+$0x140];
	[tilespmem:s18+$0x8100] =	vst v0;
	s18 =	smov.u32 s19  }
0x39: {  	v8 =	vld [tilespmem:s18+$0x4140]  }
0x3a: {  	v0 =	vadd.f32 v3, v2;
	v2 =	vmul.f32 v4, v6;
	v6 =	vld [tilespmem:s18+$0x150]  }
0x3b: {  	v9 =	vld [tilespmem:s18+$0x4150]  }
.Ltmp0:
0x3c: {  	v2 =	vadd.f32 v2, v0;
	v1 =	vmul.f32 v1, v5;
	v0 =	vld [tilespmem:s18+$0x160];
	(pc) =	sbr.rel @p0 .LBB2_3-.Ltmp0, $4  }
0x3d: {  	v3 =	vld [tilespmem:s18+$0x4160]  }
0x3e: {  	v5 =	vadd.f32 v1, v2;
	v7 =	vmul.f32 v8, v7;
	v1 =	vld [tilespmem:s18+$0x170]  }
0x3f: {  	s19 =	sshra.s32 s20, $0x2;
	v4 =	vld [tilespmem:s18+$0x4170]  }
0x40: {  	s20 =	sadd.s32 $0x200, s20;
	v2 =	vld [tilespmem:s19+$0x100];
	v5 =	vadd.f32 v7, v5;
	v6 =	vmul.f32 v9, v6  }
0x41: {  	v7 =	vld [tilespmem:s19+$0x4100]  }
0x42: {  	v8 =	vld [tilespmem:s19+$0x110];
	v5 =	vadd.f32 v6, v5;
	v0 =	vmul.f32 v3, v0  }
0x43: {  	v48 =	vld [tilespmem:s19+$0x4110]  }
0x44: {  	v49 =	vld [tilespmem:s19+$0x120];
	v0 =	vadd.f32 v0, v5;
	v1 =	vmul.f32 v4, v1  }
0x45: {  	v50 =	vld [tilespmem:s19+$0x4120]  }
0x46: {  	v51 =	vld [tilespmem:s19+$0x130];
	v2 =	vmul.f32 v7, v2;
	v0 =	vadd.f32 v1, v0  }
0x47: {  	v52 =	vld [tilespmem:s19+$0x4130]  }
0x48: {  	v53 =	vld [tilespmem:s19+$0x140];
	v3 =	vmul.f32 v48, v8;
	v2 =	vadd.f32 $0.0e+00, v2;
	[tilespmem:s18+$0x8100] =	vst v0  }
0x49: {  	v0 =	vld [tilespmem:s19+$0x4140]  }
0x4a: {  	v54 =	vmul.f32 v50, v49;
	v55 =	vld [tilespmem:s19+$0x150];
	v2 =	vadd.f32 v3, v2  }
0x4b: {  	v56 =	vld [tilespmem:s19+$0x4150]  }
0x4c: {  	v1 =	vmul.f32 v52, v51;
	v57 =	vld [tilespmem:s19+$0x160];
	v2 =	vadd.f32 v54, v2  }
0x4d: {  	v58 =	vld [tilespmem:s19+$0x4160]  }
0x4e: {  	v59 =	vld [tilespmem:s19+$0x170];
	v1 =	vadd.f32 v1, v2;
	v0 =	vmul.f32 v0, v53  }
0x4f: {  	v60 =	vld [tilespmem:s19+$0x4170]  }
0x50: {  	v61 =	vmul.f32 v56, v55;
	v0 =	vadd.f32 v0, v1;
	_ =	sdelay $0x1  }
0x51: {  	v62 =	vmul.f32 v58, v57;
	v0 =	vadd.f32 v61, v0;
	_ =	sdelay $0x1  }
0x52: {  	v63 =	vmul.f32 v60, v59;
	v0 =	vadd.f32 v62, v0;
	_ =	sdelay $0x1  }
0x53: {  	s16 =	sadd.s32 $0x1, s16;
	v0 =	vadd.f32 v63, v0  }
0x54: {  	s17 =	sshll.u32 s17, $0xB;
	p0 =	sne.s32 s16, $0x31  }
.Ltmp1:
0x55: {  	s17 =	sadd.s32 s6, s17;
	[tilespmem:s19+$0x8100] =	vst v0;
	(pc) =	sbr.rel @p0 .LBB2_2-.Ltmp1, $4  }
0x56: {  	[hbm4b:s17+s2] =	stream.linear.scatter [tilespmem:s14], [sflag:$0x2], $0x4000, $0x38;
	[tilespmem:$0xC100] =	vst v63  }
0x57: {  	_ =	swait.ge [sflag:s9], $0x4000  }
0x58: {  	[sflag:s9] =	ssyncset.done $0x0  }
0x59: {  	[sflag:s9] =	ssyncadd.s32 $0xFFFFC000  }
0x5a: {  	s15 =	sadd.s32 $0x1, s15  }
0x5b: {  	p0 =	sne.s32 s15, s8  }
.Ltmp2:
0x5c: {  	_ = 	snop;
	(pc) =	sbr.rel @p0 .LBB2_1-.Ltmp2, $1  }
0x5d: {  	_ =	sdelay $0x3  }
0x5e: {  	_ =	sfence.sel $0x180000  }
0x5f: {  	[bflag:$0x0] =	sbarrier.arrive $0xFFFF  }
0x60: {  	p0 =	sne.s32 s3, $0x0;
	_ =	strace $0x90000050  }
0x61: {  	s0 =	sadd.s32 @!p0 $0x100000, s0;
	[bflag:$0x2] =	sbarrier.arrive $0xFFFF  }
0x62: {  	[sflag:s0] =	ssyncadd.tile.s32 @!p0 $0x1;
	_ =	shalt  }
.Lfunc_end2:
_tile_overlayer_lowered:
.L_overlay_start_2:
0x63: {  	(tag) =	ssettag $0x2  }
0x64: {  	s0 =	rddreg [dreg:$0x0];
	s2 =	stileid.u32  }
0x65: {  	s1 =	rddreg [dreg:$0x1];
	p0 =	sne.s32 s2, $0x0  }
0x66: {  	s3 =	rddreg [dreg:$0x2];
	[bflag:$0x3] =	sbarrier.arrive $0xFFFF;
	s2 =	simm.s32 @!p0 $0x1C02  }
0x67: {  	[timem:s3], [sflag:s2] =	dma.local @!p0 [hbm:s0], s1  }
0x68: {  	s0 =	simm.s32 @!p0 $0x2  }
0x69: {  	_ =	swait.ge @!p0 [sflag:s0], s1  }
0x6a: {  	s1 =	ssub.s32 @!p0 $0x0, s1;
	[sflag:s0] =	ssyncset.done @!p0 $0x0  }
0x6b: {  	[sflag:s0] =	ssyncadd.s32 @!p0 s1  }
0x6c: {  	[bflag:$0x3] =	sbarrier.arrive $0xFFFF  }
0x6d: {  	_ =	shalt  }

// kernel: kernel.9.cloned.1.call-start
scs
__scs_entry_jumppad:
0x0: {  	(pc) =	sbr.rel $0x88, $3  }
0x1: {  	(tag) =	ssettag $0x0;
	lr =	simm.s32 $0x1  }
0x2: {  	[smem:$0x3F98] =	sst lr;
	_ =	strace $0xD0000000  }
0x3: {  	_ = 	snop  }
0x4: {  	_ = 	snop  }
0x5: {  	_ = 	snop  }
0x6: {  	_ = 	snop  }
0x7: {  	_ = 	snop  }
__scs_overlays_trampoline_lowered:
0x8: {  	[smem:$0x3FA7] =	sst s0  }
0x9: {  	[smem:$0x3FA8] =	sst s1  }
0xa: {  	[smem:$0x3FA9] =	sst s2  }
0xb: {  	[smem:$0x3FAA] =	sst s3  }
0xc: {  	[smem:$0x3FAB] =	sst s4  }
0xd: {  	[smem:$0x3FAC] =	sst s5  }
0xe: {  	[smem:$0x3FAD] =	sst s6  }
0xf: {  	[smem:$0x3FAE] =	sst s7  }
0x10: {  	[smem:$0x3FAF] =	sst s8  }
0x11: {  	[smem:$0x3FB0] =	sst s9;
	s0 =	simm.s32 @!p0 $0x0  }
0x12: {  	s1 =	sld [smem:$0x3F96];
	s0 =	simm.s32 @p0 $0x1  }
0x13: {  	[smem:$0x3FB1] =	sst s0;
	s0 =	simm.s32 @!p1 $0x0  }
0x14: {  	s2 =	sld [smem:$0x3F95];
	s0 =	simm.s32 @p1 $0x1  }
0x15: {  	[smem:$0x3FB2] =	sst s0;
	s0 =	simm.s32 @!p2 $0x0  }
0x16: {  	s3 =	sld [smem:$0x3FDB];
	s0 =	simm.s32 @p2 $0x1  }
0x17: {  	s4 =	simm.s32 $0x1BF5;
	[smem:$0x3FB4] =	sst s0  }
0x18: {  	s0 =	sld [smem:$0x3F97];
	_ =	swait.ge [sflag:s4], $0x0  }
0x19: {  	s7 =	sld [smem:$0x3F98]  }
0x1a: {  	s8 =	sadd.s32 $0xFFFFE003, lr  }
0x1b: {  	s9 =	sadd.s32 $0xFFFFFEF7, lr;
	s5 =	simm.s32 $0xFFFFFFFF;
	p2 =	slt.u32 s8, $0xFFFFF086  }
0x1c: {  	p1 =	slt.u32 s9, $0xF7A;
	s5 =	simm.s32 @!p2 $0x0  }
0x1d: {  	s5 =	simm.s32 @p1 $0x1;
	p0 =	seq.s32 s7, s2  }
0x1e: {  	s7 =	smul.u32 @!p0 $0xF7A, s2;
	p2 =	seq.s32 @!p0 s5, $0x0  }
0x1f: {  	s9 =	smul.u32 $0xF7A, s1;
	s8 =	simm.s32 @!p0 $0x1BF5;
	p2 =	por !p2, p0  }
0x20: {  	[sflag:s8] =	ssyncset.s32 @!p0 $0xFFFFF086;
	s6 =	sadd.s32 @!p0 s3, s7;
	s7 =	simm.s32 @!p0 $0x108  }
0x21: {  	s3 =	sadd.s32 s3, s9;
	s6 =	sadd.s32 @!p0 $0x88, s6;
	s7 =	simm.s32 @p2 $0x1082  }
0x22: {  	[simem:s7], [sflag:s8] =	dma.local @!p0 [hbm:s6], $0xF7A  }
0x23: {  	s9 =	sor.u32 $0xD0000000, s2;
	s6 =	simm.s32 $0x108;
	_ =	swait.ge @!p0 [sflag:s8], $0x0  }
0x24: {  	s3 =	sadd.s32 $0x88, s3;
	s6 =	simm.s32 @!p1 $0x1082;
	[sflag:s4] =	ssyncset.s32 $0xFFFFF086  }
0x25: {  	[simem:s6], [sflag:s4] =	dma.local [hbm:s3], $0xF7A  }
0x26: {  	[smem:$0x3F98] =	sst s1;
	(tag) =	ssettag s2;
	_ =	strace s9  }
0x27: {  	s1 =	sld [smem:$0x3FA8]  }
0x28: {  	s2 =	sld [smem:$0x3FA9]  }
0x29: {  	s4 =	sld [smem:$0x3FAB]  }
0x2a: {  	p0 =	seq.s32 s5, $0x0;
	s5 =	sld [smem:$0x3FAC]  }
0x2b: {  	s6 =	sld [smem:$0x3FAD]  }
0x2c: {  	s7 =	sld [smem:$0x3FAE]  }
0x2d: {  	s3 =	simm.s32 $0x108;
	s8 =	sld [smem:$0x3FAF]  }
0x2e: {  	s3 =	simm.s32 @!p0 $0x1082;
	s9 =	sld [smem:$0x3FB0]  }
0x2f: {  	lr =	sadd.s32 s0, s3;
	s0 =	sld [smem:$0x3FA7]  }
0x30: {  	s3 =	sld [smem:$0x3FAA]  }
0x31: {  	[smem:$0x3FB3] =	sst s10  }
0x32: {  	s10 =	sld [smem:$0x3FB1];
	_ =	sdelay $0x3  }
0x33: {  	p0 =	seq.s32 s10, $0x1;
	s10 =	sld [smem:$0x3FB3];
	_ =	sdelay $0x3  }
0x34: {  	[smem:$0x3FB3] =	sst s10  }
0x35: {  	s10 =	sld [smem:$0x3FB2];
	_ =	sdelay $0x3  }
0x36: {  	p1 =	seq.s32 s10, $0x1;
	s10 =	sld [smem:$0x3FB3];
	_ =	sdelay $0x3  }
0x37: {  	[smem:$0x3FB3] =	sst s10  }
0x38: {  	s10 =	sld [smem:$0x3FB4]  }
0x39: {  	_ = 	snop;
	(pc) =	sbr.ind lr, $3  }
0x3a: {  	_ = 	snop  }
0x3b: {  	_ = 	snop  }
0x3c: {  	p2 =	seq.s32 s10, $0x1;
	s10 =	sld [smem:$0x3FB3]  }
0x3d: {  	_ =	shalt  }
0x3e: {  	_ =	shalt  }
0x3f: {  	_ =	shalt  }
0x40: {  	_ =	shalt  }
0x41: {  	_ =	shalt  }
0x42: {  	_ =	shalt  }
0x43: {  	_ =	shalt  }
0x44: {  	_ =	shalt  }
0x45: {  	_ =	shalt  }
0x46: {  	_ =	shalt  }
0x47: {  	_ =	shalt  }
0x48: {  	_ =	shalt  }
0x49: {  	_ =	shalt  }
0x4a: {  	_ =	shalt  }
0x4b: {  	_ =	shalt  }
0x4c: {  	_ =	shalt  }
0x4d: {  	_ =	shalt  }
0x4e: {  	_ =	shalt  }
0x4f: {  	_ =	shalt  }
0x50: {  	_ =	shalt  }
0x51: {  	_ =	shalt  }
0x52: {  	_ =	shalt  }
0x53: {  	_ =	shalt  }
0x54: {  	_ =	shalt  }
0x55: {  	_ =	shalt  }
0x56: {  	_ =	shalt  }
0x57: {  	_ =	shalt  }
0x58: {  	_ =	shalt  }
0x59: {  	_ =	shalt  }
0x5a: {  	_ =	shalt  }
0x5b: {  	_ =	shalt  }
0x5c: {  	_ =	shalt  }
0x5d: {  	_ =	shalt  }
0x5e: {  	_ =	shalt  }
0x5f: {  	_ =	shalt  }
0x60: {  	_ =	shalt  }
0x61: {  	_ =	shalt  }
0x62: {  	_ =	shalt  }
0x63: {  	_ =	shalt  }
0x64: {  	_ =	shalt  }
0x65: {  	_ =	shalt  }
0x66: {  	_ =	shalt  }
0x67: {  	_ =	shalt  }
0x68: {  	_ =	shalt  }
0x69: {  	_ =	shalt  }
0x6a: {  	_ =	shalt  }
0x6b: {  	_ =	shalt  }
0x6c: {  	_ =	shalt  }
0x6d: {  	_ =	shalt  }
0x6e: {  	_ =	shalt  }
0x6f: {  	_ =	shalt  }
0x70: {  	_ =	shalt  }
0x71: {  	_ =	shalt  }
0x72: {  	_ =	shalt  }
0x73: {  	_ =	shalt  }
0x74: {  	_ =	shalt  }
0x75: {  	_ =	shalt  }
0x76: {  	_ =	shalt  }
0x77: {  	_ =	shalt  }
0x78: {  	_ =	shalt  }
0x79: {  	_ =	shalt  }
0x7a: {  	_ =	shalt  }
0x7b: {  	_ =	shalt  }
0x7c: {  	_ =	shalt  }
0x7d: {  	_ =	shalt  }
0x7e: {  	_ =	shalt  }
0x7f: {  	_ =	shalt  }
0x80: {  	_ =	shalt  }
0x81: {  	_ =	shalt  }
0x82: {  	_ =	shalt  }
0x83: {  	_ =	shalt  }
0x84: {  	_ =	shalt  }
0x85: {  	_ =	shalt  }
0x86: {  	_ =	shalt  }
0x87: {  	_ =	shalt  }
.Lfunc_end0:
.L_simem_size_0:
called_computation_lowered:
.L_overlay_start_0:
0x88: {  	s2 =	sld [smem:$0x3FD9]  }
0x89: {  	s3 =	sld [smem:$0x3FFE];
	_ =	sdelay $0x1  }
0x8a: {  	s1 =	srdreg.scid  }
0x8b: {  	s0 =	sand.u32 $0x1, s1  }
0x8c: {  	s16 =	sshll.u32 s0, $0xA;
	s2 =	sadd.s32 s3, s2  }
0x8d: {  	s2 =	sadd.s32 s2, s16  }
0x8e: {  	[smem:$0x3FBF] =	sst s2  }
0x8f: {  	_ = 	snop  }
0x90: {  	(tm) =	ssettm $0x1  }
0x91: {  	s17 =	sld [smem:$0x3FFB];
	_ =	sdelay $0x3  }
0x92: {  	_ =	strace s17  }
0x93: {  	s2 =	sld [smem:$0x3FFC];
	_ =	sdelay $0x3  }
0x94: {  	_ =	strace s2  }
0x95: {  	s2 =	sld [smem:$0x3FFD];
	_ =	sdelay $0x3  }
0x96: {  	_ =	strace s2  }
0x97: {  	_ =	strace $0x8FFFFFFF  }
0x98: {  	s18 =	sld [smem:$0x3FDB];
	_ =	sdelay $0x1  }
0x99: {  	s19 =	simm.s32 $_scs_section_size  }
0x9a: {  	s4 =	simm.s32 $_size__tile_overlayer_lowered;
	s5 =	simm.s32 $_tile_overlayer_lowered  }
0x9b: {  	s22 =	simm.s32 $0x1BFF;
	s21 =	sshll.u32 s5, $0x1;
	s2 =	sadd.s32 s19, s18  }
0x9c: {  	s6 =	simm.s32 $0x0;
	s20 =	sshll.u32 s4, $0x1;
	s4 =	sadd.s32 s21, s2  }
0x9d: {  	[timem:s6], [sflag:s22] =	dma.local [hbm:s4], s20  }
0x9e: {  	_ =	swait.ge [sflag:s22], s20  }
0x9f: {  	s3 =	ssub.s32 $0x0, s20;
	[sflag:s22] =	ssyncset.done $0x0  }
0xa0: {  	[sflag:s22] =	ssyncadd.s32 s3;
	_ =	sdelay $0x1  }
0xa1: {  	s23 =	simm.s32 $0x1B8B  }
0xa2: {  	_ =	swait.ge [sflag:s23], $0x1  }
0xa3: {  	[sflag:s23] =	ssyncset.done $0x0  }
0xa4: {  	s25 =	simm.s32 $0x1B8E;
	s24 =	sld [smem:$0x3FFE];
	[sflag:s23] =	ssyncadd.s32 $0xFFFFFFFF  }
0xa5: {  	s26 =	simm.s32 $execute0_lowered;
	[smem:$0x3FD2] =	sst s25  }
0xa6: {  	s4 =	sshll.u32 s26, $0x1;
	_ =	strace $0x80000046;
	[dreg:$0x1] =	wrdreg $0xFFFFFFFF  }
0xa7: {  	s28 =	simm.s32 $_size_execute0_lowered;
	s2 =	sadd.s32 s2, s4;
	[dreg:$0x0] =	wrdreg $0x0  }
0xa8: {  	s4 =	sshll.u32 s28, $0x1;
	[dreg:$0x2] =	wrdreg s2  }
0xa9: {  	[dreg:$0x3] =	wrdreg s4  }
0xaa: {  	[dreg:$0x4] =	wrdreg $0xC0  }
0xab: {  	_ =	task [dreg:s6], $0x5FFFF  }
0xac: {  	[dreg:$0x1] =	wrdreg $0xFFFFFFFF  }
0xad: {  	[dreg:$0x0] =	wrdreg $0x60  }
0xae: {  	[dreg:$0x2] =	wrdreg s24  }
0xaf: {  	[dreg:$0x3] =	wrdreg $0x0  }
0xb0: {  	[dreg:$0x4] =	wrdreg $0x9  }
0xb1: {  	_ =	task.clear_ibuf [dreg:s6], $0x5FFFF;
	_ =	strace $0x90000046  }
0xb2: {  	s29 =	simm.s32 $0x9;
	_ =	strace $0x80000048  }
0xb3: {  	_ =	swait.ge [sflag:s29], $0x1  }
0xb4: {  	[sflag:s29] =	ssyncadd.s32 $0xFFFFFFFF  }
0xb5: {  	_ =	strace $0x90000048  }
0xb6: {  	_ =	sfence  }
0xb7: {  	s30 =	sld [smem:$0x0];
	_ =	sdelay $0x2  }
0xb8: {  	s31 =	sshll.u32 s1, $0xD;
	s1 =	sshrl.u32 s1, $0x2  }
0xb9: {  	s3 =	sand.u32 $0x4000, s31;
	s1 =	sadd.s32 s1, s30  }
0xba: {  	s0 =	sor.u32 s3, s0;
	s1 =	sshll.u32 s1, $0x11  }
0xbb: {  	s0 =	sor.u32 s1, s0  }
0xbc: {  	s0 =	sadd.s32 $0x8F2B, s0  }
0xbd: {  	[sflag:s0] =	ssyncadd.remote.s32 $0x1  }
0xbe: {  	_ =	sfence.sel $0xFFFF  }
0xbf: {  	[dreg:$0x0] =	wrdreg $0xFFFFFFFF;
	(pc) =	sbr.abs _section_cstart, $3  }
0xc0: {  	[dreg:$0x1] =	wrdreg $0xFFFFFFFF  }
0xc1: {  	_ =	task.clear_ibuf [dreg:s6], $0x2FFFF;
	_ =	strace $0x9FFFFFFF  }
0xc2: {  	(tm) =	ssettm $0x7FFFFFFF  }
0xc3: {  	_ =	shalt  }
tec
execute0_lowered:
.L_overlay_start_1:
0x0: {  	(tag) =	ssettag $0x1  }
0x1: {  	s0 =	srdreg.scid;
	s4 =	rddreg [dreg:$0x0]  }
0x2: {  	s2 =	rddreg [dreg:$0x1];
	s6 =	sand.u32 $0x1, s0  }
0x3: {  	s0 =	stileid.u32;
	s5 =	smul.u32 $0xFFFF9C40, s6  }
0x4: {  	s1 =	rddreg [dreg:$0x2];
	s3 =	simm.s32 $0x0;
	s7 =	smul.u32 $0x9C4, s0  }
0x5: {  	s22 =	simm.s32 $0x0;
	[smem:$0x7FF] =	sst s3;
	s8 =	smul.u32 $0x50000, s0  }
0x6: {  	s15 =	sadd.s32 $0x15A00, s4;
	_ =	strace $0x80000047;
	s10 =	smul.u32 $0x14000, s0  }
0x7: {  	s25 =	ssub.s32 $0x2, s6;
	s28 =	sshll.u32 s6, $0x4;
	s18 =	smul.u32 $0x140000, s6  }
0x8: {  	s26 =	sshrl.u32 s25, $0x1;
	s29 =	sor.u32 s0, s28;
	s5 =	sand.u32 $0xFFC0, s5  }
0x9: {  	s16 =	ssub.s32 s25, s26;
	s30 =	sshrl.u32 s8, $0x2;
	s11 =	sadd.s32 $0x4000, s10  }
0xa: {  	s12 =	smul.u32 $0x9C4, s29;
	s13 =	sadd.s32 $0x8000, s10;
	s14 =	sadd.s32 $0xC000, s10  }
0xb: {  	s19 =	sadd.s32 $0x10000, s10;
	s10 =	sadd.s32 s10, s18;
	s5 =	sadd.s32 s7, s5  }
0xc: {  	s6 =	sadd.s32 s13, s2;
	s7 =	sadd.s32 s14, s2;
	s8 =	sadd.s32 s19, s2  }
0xd: {  	s20 =	sshrl.u32 s10, $0x3;
	s21 =	sadd.s32 s18, s11;
	s13 =	sadd.s32 s18, s13  }
0xe: {  	s14 =	sadd.s32 s18, s14;
	s18 =	sadd.s32 s18, s19;
	s16 =	smax.u32 s16, $0x1  }
0xf: {  	s19 =	simm.s32 $0x1;
	s5 =	sshrl.u32 s5, $0x1;
	s9 =	sshrl.u32 s12, $0x5  }
0x10: {  	s12 =	sadd.s32 $0x9C4, s12;
	s31 =	sshrl.u32 s21, $0x3;
	s13 =	sshrl.u32 s13, $0x3  }
0x11: {  	s14 =	sshrl.u32 s14, $0x3;
	s18 =	sshrl.u32 s18, $0x3;
	s21 =	simm.s32 $0x80  }
.Ltmp0:
0x12: {  	s5 =	sand.u32 $0xFFF0, s5;
	s10 =	sshrl.u32 s12, $0x5;
	(pc) =	sbr.rel .LBB2_1-.Ltmp0, $4  }
0x13: {  	s12 =	sadd.s32 s15, s31;
	s13 =	sadd.s32 s15, s13;
	s14 =	sadd.s32 s15, s14  }
0x14: {  	s17 =	sadd.s32 s5, s4;
	s4 =	sadd.s32 s30, s2;
	s5 =	sadd.s32 s11, s2  }
0x15: {  	s11 =	sadd.s32 s15, s20;
	s15 =	sadd.s32 s15, s18;
	s18 =	simm.s32 $0x14080  }
0x16: {  	v0 =	vimm.f32 $0.0e+00;
	v1 =	vimm.f32 $1.000000000e+00;
	p0 =	sge.u32 s9, s10;
	s20 =	simm.s32 $0x14000;
	s17 =	sadd.s32 $0x1E00, s17  }
.LBB2_8:
0x17: {  	[sflag:s19] =	ssyncadd.s32 $0xFFFFC000  }
.LBB2_9:
0x18: {  	s23 =	sshll.u32 s0, $0x6  }
0x19: {  	[bflag:$0x0] =	sbarrier.arrive $0xFFFF;
	s24 =	sshrl.u32 s4, $0x3;
	s23 =	sor.u32 $0x1C01, s23  }
0x1a: {  	[hbm:s11], [sflag:s23] =	dma.local [spmem:s24], $0x800  }
0x1b: {  	_ =	swait.ge [sflag:s19], $0x800  }
0x1c: {  	[sflag:s19] =	ssyncset.done $0x0  }
0x1d: {  	s28 =	sshrl.u32 s5, $0x3;
	[sflag:s19] =	ssyncadd.s32 $0xFFFFF800  }
0x1e: {  	[hbm:s12], [sflag:s23] =	dma.local [spmem:s28], $0x800  }
0x1f: {  	_ =	swait.ge [sflag:s19], $0x800  }
0x20: {  	[sflag:s19] =	ssyncset.done $0x0  }
0x21: {  	s29 =	sshrl.u32 s6, $0x3;
	[sflag:s19] =	ssyncadd.s32 $0xFFFFF800  }
0x22: {  	[hbm:s13], [sflag:s23] =	dma.local [spmem:s29], $0x800  }
0x23: {  	_ =	swait.ge [sflag:s19], $0x800  }
0x24: {  	[sflag:s19] =	ssyncset.done $0x0  }
0x25: {  	s30 =	sshrl.u32 s7, $0x3;
	[sflag:s19] =	ssyncadd.s32 $0xFFFFF800  }
0x26: {  	[hbm:s14], [sflag:s23] =	dma.local [spmem:s30], $0x800  }
0x27: {  	s22 =	sadd.s32 $0x1, s22;
	_ =	swait.ge [sflag:s19], $0x800  }
0x28: {  	p1 =	sne.s32 s22, s16;
	[sflag:s19] =	ssyncset.done $0x0  }
.Ltmp1:
0x29: {  	s31 =	sshrl.u32 s8, $0x3;
	[sflag:s19] =	ssyncadd.s32 $0xFFFFF800;
	(pc) =	sbr.rel @!p1 .LBB2_10-.Ltmp1, $4  }
0x2a: {  	[hbm:s15], [sflag:s23] =	dma.local [spmem:s31], $0x800  }
0x2b: {  	_ =	swait.ge [sflag:s19], $0x800  }
0x2c: {  	[sflag:s19] =	ssyncset.done $0x0  }
0x2d: {  	[sflag:s19] =	ssyncadd.s32 $0xFFFFF800  }
.LBB2_1:
0x2e: {  	s23 =	simm.s32 $0x0;
	s24 =	simm.s32 $0x200  }
.LBB2_2:
0x2f: {  	p1 =	sne.s32 s24, $0xFE00;
	[tilespmem:s23+$0x140F0] =	vst v0  }
0x30: {  	[tilespmem:s23+$0x14080] =	vst v0  }
0x31: {  	[tilespmem:s23+$0x14090] =	vst v0  }
.Ltmp2:
0x32: {  	[tilespmem:s23+$0x140A0] =	vst v0;
	(pc) =	sbr.rel @p1 .LBB2_2-.Ltmp2, $4  }
0x33: {  	[tilespmem:s23+$0x140B0] =	vst v0  }
0x34: {  	[tilespmem:s23+$0x140C0] =	vst v0  }
0x35: {  	[tilespmem:s23+$0x140D0] =	vst v0  }
0x36: {  	[tilespmem:s23+$0x140E0] =	vst v0;
	s23 =	sshra.s32 s24, $0x2;
	s24 =	sadd.s32 $0x200, s24  }
0x37: {  	[tilespmem:s23+$0x140F0] =	vst v0  }
0x38: {  	[tilespmem:s23+$0x14080] =	vst v0  }
0x39: {  	[tilespmem:s23+$0x14090] =	vst v0  }
0x3a: {  	[tilespmem:s23+$0x140A0] =	vst v0  }
0x3b: {  	[tilespmem:s23+$0x140B0] =	vst v0  }
0x3c: {  	[tilespmem:s23+$0x140C0] =	vst v0  }
0x3d: {  	[tilespmem:s23+$0x140D0] =	vst v0  }
0x3e: {  	[tilespmem:s23+$0x140E0] =	vst v0  }
0x3f: {  	[spmem:s4] =	stream.linear.scatter [tilespmem:s18], [sflag:$0x1], $0x4000, $0x38;
	[tilespmem:$0x18080] =	vst v63  }
0x40: {  	_ =	swait.ge [sflag:s19], $0x4000  }
0x41: {  	[sflag:s19] =	ssyncset.done $0x0  }
0x42: {  	[sflag:s19] =	ssyncadd.s32 $0xFFFFC000  }
0x43: {  	[spmem:s5] =	stream.linear.scatter [tilespmem:s18], [sflag:$0x1], $0x4000, $0x38;
	[tilespmem:$0x18080] =	vst v63  }
0x44: {  	_ =	swait.ge [sflag:s19], $0x4000  }
0x45: {  	[sflag:s19] =	ssyncset.done $0x0  }
0x46: {  	[sflag:s19] =	ssyncadd.s32 $0xFFFFC000  }
0x47: {  	[spmem:s6] =	stream.linear.scatter [tilespmem:s18], [sflag:$0x1], $0x4000, $0x38;
	[tilespmem:$0x18080] =	vst v63  }
0x48: {  	_ =	swait.ge [sflag:s19], $0x4000  }
0x49: {  	[sflag:s19] =	ssyncset.done $0x0  }
0x4a: {  	[sflag:s19] =	ssyncadd.s32 $0xFFFFC000  }
0x4b: {  	[spmem:s7] =	stream.linear.scatter [tilespmem:s18], [sflag:$0x1], $0x4000, $0x38;
	[tilespmem:$0x18080] =	vst v63  }
0x4c: {  	_ =	swait.ge [sflag:s19], $0x4000  }
0x4d: {  	[sflag:s19] =	ssyncset.done $0x0  }
0x4e: {  	[sflag:s19] =	ssyncadd.s32 $0xFFFFC000  }
0x4f: {  	[spmem:s8] =	stream.linear.scatter [tilespmem:s18], [sflag:$0x1], $0x4000, $0x38;
	[tilespmem:$0x18080] =	vst v63  }
0x50: {  	_ =	swait.ge [sflag:s19], $0x4000  }
0x51: {  	[sflag:s19] =	ssyncset.done $0x0  }
0x52: {  	s23 =	simm.s32 $0x0;
	s24 =	simm.s32 $0x200;
	[sflag:s19] =	ssyncadd.s32 $0xFFFFC000  }
.LBB2_4:
0x53: {  	p1 =	sne.s32 s24, $0xFE00;
	[tilespmem:s23+$0x140F0] =	vst v1  }
0x54: {  	[tilespmem:s23+$0x14080] =	vst v1  }
0x55: {  	[tilespmem:s23+$0x14090] =	vst v1  }
.Ltmp3:
0x56: {  	[tilespmem:s23+$0x140A0] =	vst v1;
	(pc) =	sbr.rel @p1 .LBB2_4-.Ltmp3, $4  }
0x57: {  	[tilespmem:s23+$0x140B0] =	vst v1  }
0x58: {  	[tilespmem:s23+$0x140C0] =	vst v1  }
0x59: {  	[tilespmem:s23+$0x140D0] =	vst v1  }
0x5a: {  	[tilespmem:s23+$0x140E0] =	vst v1;
	s23 =	sshra.s32 s24, $0x2;
	s24 =	sadd.s32 $0x200, s24  }
0x5b: {  	[tilespmem:s23+$0x140F0] =	vst v1  }
0x5c: {  	[tilespmem:s23+$0x14080] =	vst v1  }
0x5d: {  	[tilespmem:s23+$0x14090] =	vst v1  }
0x5e: {  	[tilespmem:s23+$0x140A0] =	vst v1  }
0x5f: {  	[tilespmem:s23+$0x140B0] =	vst v1  }
.Ltmp4:
0x60: {  	[tilespmem:s23+$0x140C0] =	vst v1;
	(pc) =	sbr.rel @p0 .LBB2_9-.Ltmp4, $3  }
0x61: {  	[tilespmem:s23+$0x140D0] =	vst v1  }
0x62: {  	[tilespmem:s23+$0x140E0] =	vst v1  }
0x63: {  	[bflag:$0x0] =	sbarrier.arrive $0xFFFF;
	_ =	sdelay $0x1  }
0x64: {  	[tilespmem:s20], [sflag:$0x1] =	stream.linear.gather [hbm4b:s17+s3], $0x80, $0x38;
	[tilespmem:$0x18080] =	vst v63  }
0x65: {  	s23 =	sadd.s32 $0x1, s9  }
0x66: {  	_ =	swait.ge [sflag:s19], $0x80;
	p1 =	slt.u32 s23, s10  }
.Ltmp5:
0x67: {  	[sflag:s19] =	ssyncset.done $0x0;
	(pc) =	sbr.rel @!p1 .LBB2_8-.Ltmp5, $4  }
0x68: {  	[sflag:s19] =	ssyncadd.s32 $0xFFFFFF80  }
0x69: {  	[spmem:s2] =	stream.indirect.scatter.add.f32 [tilespmem:s18], [sflag:$0x1], $0x80, s20, s21, $0xb8;
	[tilespmem:$0x18080] =	vst v63  }
0x6a: {  	_ =	swait.ge [sflag:s19], $0x4000  }
0x6b: {  	s24 =	smov.u32 s17;
	[sflag:s19] =	ssyncset.done $0x0  }
.LBB2_7:
0x6c: {  	s23 =	sadd.s32 $0x1, s23;
	[sflag:s19] =	ssyncadd.s32 $0xFFFFC000;
	s24 =	sadd.s32 $0x10, s24  }
0x6d: {  	[tilespmem:s20], [sflag:$0x1] =	stream.linear.gather [hbm4b:s24+s3], $0x80, $0x38;
	[tilespmem:$0x18080] =	vst v63  }
0x6e: {  	p1 =	slt.u32 s23, s10;
	_ =	swait.ge [sflag:s19], $0x80  }
.Ltmp6:
0x6f: {  	[sflag:s19] =	ssyncset.done $0x0;
	(pc) =	sbr.rel @p1 .LBB2_7-.Ltmp6, $4  }
0x70: {  	[sflag:s19] =	ssyncadd.s32 $0xFFFFFF80  }
0x71: {  	[spmem:s2] =	stream.indirect.scatter.add.f32 [tilespmem:s18], [sflag:$0x1], $0x80, s20, s21, $0xb8;
	[tilespmem:$0x18080] =	vst v63  }
0x72: {  	_ =	swait.ge [sflag:s19], $0x4000  }
0x73: {  	[sflag:s19] =	ssyncset.done $0x0  }
.Ltmp7:
0x74: {  	_ = 	snop;
	(pc) =	sbr.rel .LBB2_8-.Ltmp7, $1  }
0x75: {  	_ =	sdelay $0x3  }
.LBB2_10:
0x76: {  	_ =	sfence.sel $0x180000  }
0x77: {  	[bflag:$0x0] =	sbarrier.arrive $0xFFFF  }
0x78: {  	p0 =	sne.s32 s0, $0x0;
	_ =	strace $0x90000047  }
0x79: {  	s0 =	sadd.s32 @!p0 $0x100000, s1;
	[bflag:$0x2] =	sbarrier.arrive $0xFFFF  }
0x7a: {  	[sflag:s0] =	ssyncadd.tile.s32 @!p0 $0x1;
	_ =	shalt  }
.Lfunc_end2:
_tile_overlayer_lowered:
.L_overlay_start_2:
0x7b: {  	(tag) =	ssettag $0x2  }
0x7c: {  	s0 =	rddreg [dreg:$0x0];
	s2 =	stileid.u32  }
0x7d: {  	s1 =	rddreg [dreg:$0x1];
	p0 =	sne.s32 s2, $0x0  }
0x7e: {  	s3 =	rddreg [dreg:$0x2];
	[bflag:$0x3] =	sbarrier.arrive $0xFFFF;
	s2 =	simm.s32 @!p0 $0x1C01  }
0x7f: {  	[timem:s3], [sflag:s2] =	dma.local @!p0 [hbm:s0], s1  }
0x80: {  	s0 =	simm.s32 @!p0 $0x1  }
0x81: {  	_ =	swait.ge @!p0 [sflag:s0], s1  }
0x82: {  	s1 =	ssub.s32 @!p0 $0x0, s1;
	[sflag:s0] =	ssyncset.done @!p0 $0x0  }
0x83: {  	[sflag:s0] =	ssyncadd.s32 @!p0 s1  }
0x84: {  	[bflag:$0x3] =	sbarrier.arrive $0xFFFF  }
0x85: {  	_ =	shalt  }

</sc_bundles>
